<compile_context>
chip_gen: v7x
topology: tpu7x:2x2x1
jax: 0.10.2.dev20260603
libtpu: 0.0.44.dev20260713+nightly
codegen_flags: <defaults>
</compile_context>

<pallas_src>
import functools
import jax
import jax.numpy as jnp
from jax import lax
from jax.experimental import pallas as pl
from jax.experimental.pallas import tpu as pltpu
from jax.experimental.pallas import tpu_sc as plsc

N = 50000
E = 800000
D = 64
B = 4096
H = 2 * B
NPAD = 50176
BLK = 512
NC = 2
NS = 16
NW = NC * NS
EC = 25088
EPAD = NW * EC
HR = 98
FCAP = EC + 128
CNT_SZ = 8 * NPAD
CSLC = CNT_SZ // NS
ZSLC = CSLC // 4
ACC_R = 8448
ZR = ACC_R // NS

def _vgather(x, idx):
    return lax.gather(
        x, idx[:, None],
        lax.GatherDimensionNumbers(
            offset_dims=(), collapsed_slice_dims=(0,), start_index_map=(0,)),
        slice_sizes=(1,),
        mode=lax.GatherScatterMode.PROMISE_IN_BOUNDS)


_MESH = plsc.VectorSubcoreMesh(
    core_axis_name="c", subcore_axis_name="s", num_cores=NC, num_subcores=NS)




def _stage_a_body(srcp, dstp, xflat, xp2, cnt_out, fpk_out, nb_out,
                  sdh, ddh, cls, tgt, pk, zf, xbuf, nbst, cnt_acc, fp_sh, sem):
    c = lax.axis_index("c")
    s = lax.axis_index("s")
    w = c * NS + s
    fbase = s * FCAP

    def _zf_zero(i, _):
        zf[pl.ds(i * 16, 16)] = jnp.zeros((16,), jnp.float32)
        return 0
    lax.fori_loop(0, ZSLC // 16, _zf_zero, 0)
    for q in range(4):
        pltpu.sync_copy(zf, cnt_acc.at[pl.ds(s * CSLC + q * ZSLC, ZSLC)])

    def _ones(i, _):
        zf[pl.ds(i * 16, 16)] = jnp.ones((16,), jnp.float32)
        return 0
    lax.fori_loop(0, 8, _ones, 0)
    plsc.subcore_barrier()

    def _half(h, cur):
        pltpu.sync_copy(srcp.at[w, h], sdh)
        pltpu.sync_copy(dstp.at[w, h], ddh)

        def _gs(r, _):
            pltpu.make_async_copy(xflat.at[sdh.at[r]], cls.at[r], sem).start()
            return 0
        lax.fori_loop(0, HR, _gs, 0)

        def _gw(r, _):
            pltpu.make_async_copy(xflat.at[sdh.at[0]], cls.at[0], sem).wait()
            return 0
        lax.fori_loop(0, HR, _gw, 0)

        def _flt(i, cur):
            r = i >> 3
            col = (i & 7) * 16
            s16 = sdh[r, pl.ds(col, 16)]
            d16 = ddh[r, pl.ds(col, 16)]
            m = d16 < H
            packed = s16 * (2 * H) + jnp.where(m, d16, 0)
            lane = lax.iota(jnp.int32, 16)
            pos = jnp.where(m, 1, 0).astype(jnp.int32)
            for k in (1, 2, 4, 8):
                sh = _vgather(pos, jnp.maximum(lane - k, 0))
                pos = pos + jnp.where(lane >= k, sh, 0)
            tgt[r, pl.ds(col, 16)] = fbase + jnp.where(
                m, cur + pos - 1, FCAP - 1)
            pk[r, pl.ds(col, 16)] = packed
            pcv = _vgather(pos, jnp.full((16,), 15, jnp.int32))
            return cur + pcv
        cur = lax.fori_loop(0, HR * 8, _flt, cur)

        def _fsc(r, _):
            pltpu.make_async_copy(
                pk.at[r], fp_sh.at[tgt.at[r]], sem).start()
            return 0
        lax.fori_loop(0, HR, _fsc, 0)

        def _fsw(r, _):
            pltpu.make_async_copy(pk.at[0], fp_sh.at[tgt.at[0]], sem).wait()
            return 0
        lax.fori_loop(0, HR, _fsw, 0)

        def _hix(i, _):
            r = i >> 3
            col = (i & 7) * 16
            d16 = ddh[r, pl.ds(col, 16)]
            c16 = cls[r, pl.ds(col, 16)]
            tgt[r, pl.ds(col, 16)] = d16 * 8 + c16
            return 0
        lax.fori_loop(0, HR * 8, _hix, 0)

        def _ss(r, _):
            pltpu.make_async_copy(
                zf.at[pl.ds(0, 128)], cnt_acc.at[tgt.at[r]], sem
            ).start(add=True)
            return 0
        lax.fori_loop(0, HR, _ss, 0)

        def _sw(r, _):
            pltpu.make_async_copy(
                zf.at[pl.ds(0, 128)], cnt_acc.at[tgt.at[0]], sem).wait()
            return 0
        lax.fori_loop(0, HR, _sw, 0)
        return cur

    lane16 = lax.iota(jnp.int32, 16)
    cur = _half(0, jnp.zeros((16,), jnp.int32))
    cur = _half(1, cur)

    nr = jnp.where(w < 8, 13, 12)
    base = w * 12 + jnp.minimum(w, 8)
    pltpu.sync_copy(xp2.at[pl.ds(base * 128, 13 * 128)], xbuf)

    def _nhx(i, _):
        r = i >> 3
        col = (i & 7) * 16
        node = base * 128 + i * 16 + lane16
        xv = xbuf[pl.ds(i * 16, 16)]
        tgt[r, pl.ds(col, 16)] = node * 8 + 4 + xv
        return 0
    lax.fori_loop(0, nr * 8, _nhx, 0)

    def _nsc(r, _):
        pltpu.make_async_copy(
            zf.at[pl.ds(0, 128)], cnt_acc.at[tgt.at[r]], sem).start(add=True)
        return 0
    lax.fori_loop(0, nr, _nsc, 0)

    def _nsw(r, _):
        pltpu.make_async_copy(
            zf.at[pl.ds(0, 128)], cnt_acc.at[tgt.at[0]], sem).wait()
        return 0
    lax.fori_loop(0, nr, _nsw, 0)

    for k in range(8):
        tgt[0, pl.ds(k * 16, 16)] = fbase + cur + lane16 + k * 16
        pk[0, pl.ds(k * 16, 16)] = jnp.full((16,), H, jnp.int32)
    pltpu.sync_copy(pk.at[0], fp_sh.at[tgt.at[0]])

    nb128 = lax.shift_right_logical(cur + 127, 7)

    for k in range(8):
        nbst[pl.ds(k * 16, 16)] = nb128
    pltpu.sync_copy(nbst, nb_out.at[w])
    pltpu.sync_copy(fp_sh.at[pl.ds(fbase, FCAP)], fpk_out.at[w])

    plsc.subcore_barrier()
    pltpu.sync_copy(cnt_acc.at[pl.ds(s * CSLC, CSLC)],
                    cnt_out.at[c, pl.ds(s * CSLC, CSLC)])


_stage_a = functools.partial(
    pl.kernel,
    out_type=(
        jax.ShapeDtypeStruct((NC, CNT_SZ), jnp.float32),
        jax.ShapeDtypeStruct((NW, FCAP), jnp.int32),
        jax.ShapeDtypeStruct((NW, 128), jnp.int32),
    ),
    mesh=_MESH,
    scratch_types=(
        pltpu.VMEM((HR, 128), jnp.int32),
        pltpu.VMEM((HR, 128), jnp.int32),
        pltpu.VMEM((HR, 128), jnp.int32),
        pltpu.VMEM((HR, 128), jnp.int32),
        pltpu.VMEM((HR, 128), jnp.int32),
        pltpu.VMEM((ZSLC,), jnp.float32),
        pltpu.VMEM((13 * 128,), jnp.int32),
        pltpu.VMEM((128,), jnp.int32),
        pltpu.VMEM_SHARED((CNT_SZ,), jnp.float32),
        pltpu.VMEM_SHARED((NS * FCAP,), jnp.int32),
        pltpu.SemaphoreType.DMA,
    ),
)(_stage_a_body)




def _stage_c_body(z1, fpk, nb, s2_out, fp_v, fsr0, fdr0, fsr1, fdr1,
                  rows0, rows1, nbv, acc, sem, addsem0, addsem1):
    c = lax.axis_index("c")
    s = lax.axis_index("s")
    w = c * NS + s

    def _rz_all(i, _):
        r = i >> 3
        col = (i & 7) * 16
        rows0[r, pl.ds(col, 16)] = jnp.zeros((16,), jnp.float32)
        return 0
    lax.fori_loop(0, 128 * 8, _rz_all, 0)
    base = s * ZR
    for k in range(4):
        pltpu.sync_copy(rows0, acc.at[pl.ds(base + k * 128, 128)])
    pltpu.sync_copy(rows0.at[pl.ds(0, 16)], acc.at[pl.ds(base + 512, 16)])
    plsc.subcore_barrier()

    pltpu.sync_copy(fpk.at[w], fp_v)
    pltpu.sync_copy(nb.at[w, pl.ds(0, 16)], nbv)
    n128 = nbv[...][0]

    bufs = ((fsr0, fdr0, rows0, addsem0), (fsr1, fdr1, rows1, addsem1))

    def _batch2(gg, _):
        for p in range(2):
            b = gg * 2 + p
            fsr, fdr, rows, addsem = bufs[p]

            @pl.when(b < n128)
            def _():
                for k in range(8):
                    v = fp_v[pl.ds(b * 128 + k * 16, 16)]
                    fsr[pl.ds(k * 16, 16)] = lax.shift_right_logical(v, 14)
                    fdr[pl.ds(k * 16, 16)] = v & (2 * H - 1)

                @pl.when(b >= 2)
                def _():
                    pltpu.make_async_copy(rows, acc.at[fdr], addsem).wait()

                g = pltpu.make_async_copy(z1.at[fsr], rows, sem)
                g.start()
                g.wait()
                pltpu.make_async_copy(rows, acc.at[fdr], addsem).start(
                    add=True)
        return 0
    lax.fori_loop(0, (n128 + 1) // 2, _batch2, 0)

    odd = (n128 & 1) == 1

    @pl.when((n128 >= 1) & odd)
    def _():
        pltpu.make_async_copy(rows0, acc.at[fdr0], addsem0).wait()

    @pl.when((n128 >= 1) & jnp.logical_not(odd))
    def _():
        pltpu.make_async_copy(rows1, acc.at[fdr1], addsem1).wait()

    @pl.when((n128 >= 2) & odd)
    def _():
        pltpu.make_async_copy(rows1, acc.at[fdr1], addsem1).wait()

    @pl.when((n128 >= 2) & jnp.logical_not(odd))
    def _():
        pltpu.make_async_copy(rows0, acc.at[fdr0], addsem0).wait()

    plsc.subcore_barrier()
    pltpu.sync_copy(acc.at[pl.ds(s * 512, 512)],
                    s2_out.at[c, pl.ds(s * 512, 512)])


_stage_c = functools.partial(
    pl.kernel,
    out_type=jax.ShapeDtypeStruct((NC, H, 128), jnp.float32),
    mesh=_MESH,
    scratch_types=(
        pltpu.VMEM((FCAP,), jnp.int32),
        pltpu.VMEM((128,), jnp.int32),
        pltpu.VMEM((128,), jnp.int32),
        pltpu.VMEM((128,), jnp.int32),
        pltpu.VMEM((128,), jnp.int32),
        pltpu.VMEM((128, 128), jnp.float32),
        pltpu.VMEM((128, 128), jnp.float32),
        pltpu.VMEM((16,), jnp.int32),
        pltpu.VMEM_SHARED((ACC_R, 128), jnp.float32),
        pltpu.SemaphoreType.DMA,
        pltpu.SemaphoreType.DMA,
        pltpu.SemaphoreType.DMA,
    ),
)(_stage_c_body)




def _stage_b_body(cnt_ref, mr_ref, bl1_ref, out_ref):
    cnt = cnt_ref[0] + cnt_ref[1]
    deg = jnp.sum(cnt[:, :4], axis=1, keepdims=True)
    invd = 1.0 / jnp.maximum(deg, 1.0)
    col = lax.broadcasted_iota(jnp.int32, (BLK, 8), 1)
    a = cnt * jnp.where(col < 4, invd, 1.0)
    out = lax.dot_general(a, mr_ref[...], (((1,), (0,)), ((), ())),
                          preferred_element_type=jnp.float32) + bl1_ref[...]
    norm = jnp.sqrt(jnp.sum(out * out, axis=1, keepdims=True))
    out = out / jnp.maximum(norm, 1e-12)
    out_ref[...] = jnp.concatenate(
        [jnp.maximum(out, 0.0), jnp.zeros((BLK, 128 - D), jnp.float32)],
        axis=1)


def _stage_b(cnt2, m1r1, bl1):
    grid = (NPAD // BLK,)
    return pl.pallas_call(
        _stage_b_body,
        grid=grid,
        in_specs=[
            pl.BlockSpec((2, BLK, 8), lambda i: (0, i, 0)),
            pl.BlockSpec((8, D), lambda i: (0, 0)),
            pl.BlockSpec((1, D), lambda i: (0, 0)),
        ],
        out_specs=pl.BlockSpec((BLK, 128), lambda i: (i, 0)),
        out_shape=jax.ShapeDtypeStruct((NPAD, 128), jnp.float32),
    )(cnt2, m1r1, bl1)




def _stage_d_body(s2_ref, cnt_ref, z1_ref, wl2_ref, wr2_ref, bl2_ref,
                  w1_ref, b1_ref, w2_ref, b2_ref, out_ref):
    s = s2_ref[0, :, :D] + s2_ref[1, :, :D]
    cnt = cnt_ref[0] + cnt_ref[1]
    deg = jnp.sum(cnt[:, :4], axis=1, keepdims=True)
    aggr = s * (1.0 / jnp.maximum(deg, 1.0))
    z1s = z1_ref[:, :D]
    dn = (((1,), (1,)), ((), ()))
    out = (lax.dot_general(aggr, wl2_ref[...], dn,
                           preferred_element_type=jnp.float32)
           + lax.dot_general(z1s, wr2_ref[...], dn,
                             preferred_element_type=jnp.float32)
           + bl2_ref[...])
    norm = jnp.sqrt(jnp.sum(out * out, axis=1, keepdims=True))
    z2 = jnp.maximum(out / jnp.maximum(norm, 1e-12), 0.0)
    za = z2[:B]
    zb = z2[B:]
    w1a = w1_ref[:, :D]
    w1b = w1_ref[:, D:]
    h = (lax.dot_general(za, w1a, dn, preferred_element_type=jnp.float32)
         + lax.dot_general(zb, w1b, dn, preferred_element_type=jnp.float32)
         + b1_ref[...])
    h = jnp.maximum(h, 0.0)
    pred = jnp.sum(h * w2_ref[...], axis=1, keepdims=True) + b2_ref[...]
    out_ref[...] = pred


def _stage_d(s2, cnt2h, z1h, wl2, wr2, bl2, w1, b1, w2, b2):
    return pl.pallas_call(
        _stage_d_body,
        grid=(1,),
        in_specs=[
            pl.BlockSpec((2, H, 128), lambda i: (0, 0, 0)),
            pl.BlockSpec((2, H, 8), lambda i: (0, 0, 0)),
            pl.BlockSpec((H, 128), lambda i: (0, 0)),
            pl.BlockSpec((D, D), lambda i: (0, 0)),
            pl.BlockSpec((D, D), lambda i: (0, 0)),
            pl.BlockSpec((1, D), lambda i: (0, 0)),
            pl.BlockSpec((D, 2 * D), lambda i: (0, 0)),
            pl.BlockSpec((1, D), lambda i: (0, 0)),
            pl.BlockSpec((1, D), lambda i: (0, 0)),
            pl.BlockSpec((1, 1), lambda i: (0, 0)),
        ],
        out_specs=pl.BlockSpec((B, 1), lambda i: (0, 0)),
        out_shape=jax.ShapeDtypeStruct((B, 1), jnp.float32),
    )(s2, cnt2h, z1h, wl2, wr2, bl2, w1, b1, w2, b2)




def kernel(x, edge_index, edge_label, node_emb,
           Wl1, bl1, Wr1, Wl2, bl2, Wr2, W1, b1, W2, b2):
    m1r1 = jnp.concatenate([node_emb @ Wl1.T, node_emb @ Wr1.T])
    xflat = x[:, 0]
    xp2 = jnp.pad(xflat, (0, NPAD + 128 - N))

    padn = EPAD - E
    src_p = jnp.concatenate(
        [edge_index[0], jnp.zeros((padn,), jnp.int32)]).reshape(NW, 2, HR, 128)
    dst_p = jnp.concatenate(
        [edge_index[1],
         jnp.full((padn,), NPAD - 1, jnp.int32)]).reshape(NW, 2, HR, 128)

    cnt_flat, fpk, nb = _stage_a(src_p, dst_p, xflat, xp2)
    cnt2 = cnt_flat.reshape(NC, NPAD, 8)

    z1 = _stage_b(cnt2, m1r1, bl1.reshape(1, D))
    s2 = _stage_c(z1, fpk, nb)
    pred = _stage_d(s2, cnt2, z1,
                    Wl2, Wr2, bl2.reshape(1, D),
                    W1, b1.reshape(1, D), W2.reshape(1, D),
                    b2.reshape(1, 1))
    return (pred, edge_label)

# --- scband reference (transcript-rebuilt; emitter-appended) ---
"""Pipeline reference for scband-graph-head-17102559773308 (READ-ONLY COPY).

The authoritative reference and input builder live on the scoring server;
editing this copy changes nothing except your own understanding.
"""

import jax, jax.numpy as jnp
import numpy as np

N = 50000
E = 800000
D = 64          # node_embed_dim = min(hidden_dim=256, 64)
B = 4096        # edge_label batch size
DIM_OUT = 1


def setup_inputs(seed: int = 0) -> dict:
    key = jax.random.key(seed)
    ks = jax.random.split(key, 16)
    x = jax.random.randint(ks[0], (N, 1), 0, 4, dtype=jnp.int32)
    edge_index = jax.random.randint(ks[1], (2, E), 0, N, dtype=jnp.int32)
    edge_label = jax.random.randint(ks[2], (B,), 0, 2, dtype=jnp.int32)
    s = 1.0 / np.sqrt(D)
    node_emb = jax.random.normal(ks[3], (4, D), dtype=jnp.float32) * s
    Wl1 = jax.random.normal(ks[4], (D, D), dtype=jnp.float32) * s
    bl1 = jnp.zeros((D,), dtype=jnp.float32)
    Wr1 = jax.random.normal(ks[5], (D, D), dtype=jnp.float32) * s
    Wl2 = jax.random.normal(ks[6], (D, D), dtype=jnp.float32) * s
    bl2 = jnp.zeros((D,), dtype=jnp.float32)
    Wr2 = jax.random.normal(ks[7], (D, D), dtype=jnp.float32) * s
    W1 = jax.random.normal(ks[8], (D, 2 * D), dtype=jnp.float32) * (1.0 / np.sqrt(2 * D))
    b1 = jnp.zeros((D,), dtype=jnp.float32)
    W2 = jax.random.normal(ks[9], (DIM_OUT, D), dtype=jnp.float32) * s
    b2 = jnp.zeros((DIM_OUT,), dtype=jnp.float32)
    return {"x": x, "edge_index": edge_index, "edge_label": edge_label,
            "node_emb": node_emb,
            "Wl1": Wl1, "bl1": bl1, "Wr1": Wr1,
            "Wl2": Wl2, "bl2": bl2, "Wr2": Wr2,
            "W1": W1, "b1": b1, "W2": W2, "b2": b2}


def _sage_conv(z, src, dst, Wl, bl, Wr):
    # PyG SAGEConv: mean aggregation of source messages at dst, normalize=True
    ones = jnp.ones((src.shape[0],), dtype=z.dtype)
    deg = jax.ops.segment_sum(ones, dst, num_segments=N)
    summed = jax.ops.segment_sum(jnp.take(z, src, axis=0), dst, num_segments=N)
    aggr = summed / jnp.clip(deg, 1.0)[:, None]
    out = aggr @ Wl.T + bl + z @ Wr.T
    norm = jnp.linalg.norm(out, axis=-1, keepdims=True)
    out = out / jnp.clip(norm, 1e-12)
    return out


def reference(x, edge_index, edge_label, node_emb,
              Wl1, bl1, Wr1, Wl2, bl2, Wr2, W1, b1, W2, b2):
    z = jnp.take(node_emb, x[:, 0], axis=0)
    src = edge_index[0]
    dst = edge_index[1]
    z = jax.nn.relu(_sage_conv(z, src, dst, Wl1, bl1, Wr1))
    z = jax.nn.relu(_sage_conv(z, src, dst, Wl2, bl2, Wr2))
    src_emb = z[:B, :]
    dst_emb = z[B:2 * B, :]
    graph_emb = jnp.concatenate([src_emb, dst_emb], axis=1)
    h = jax.nn.relu(graph_emb @ W1.T + b1)
    pred = h @ W2.T + b2
    return (pred, edge_label)

if __name__ == "__main__":
    import jax
    _d = setup_inputs()
    print(jax.jit(kernel)(*tuple(_d.values())))

</pallas_src>

<mosaic_0001>
#map = affine_map<(d0, d1) -> (0, 0, 0, 0)>
#map1 = affine_map<(d0, d1) -> (0)>
#map2 = affine_map<(d0, d1) -> (0, 0)>
module attributes {stable_mosaic.version = 14 : i64} {
  func.func @_stage_a_body(%arg0: i32, %arg1: i32, %arg2: memref<32x2x98x128xi32, #tpu.memory_space<hbm>>, %arg3: memref<32x2x98x128xi32, #tpu.memory_space<hbm>>, %arg4: memref<50000xi32, #tpu.memory_space<hbm>>, %arg5: memref<50304xi32, #tpu.memory_space<hbm>>, %arg6: memref<2x401408xf32, #tpu.memory_space<hbm>>, %arg7: memref<32x25216xi32, #tpu.memory_space<hbm>>, %arg8: memref<32x128xi32, #tpu.memory_space<hbm>>, %arg9: memref<98x128xi32, #tpu.memory_space<vmem>>, %arg10: memref<98x128xi32, #tpu.memory_space<vmem>>, %arg11: memref<98x128xi32, #tpu.memory_space<vmem>>, %arg12: memref<98x128xi32, #tpu.memory_space<vmem>>, %arg13: memref<98x128xi32, #tpu.memory_space<vmem>>, %arg14: memref<6272xf32, #tpu.memory_space<vmem>>, %arg15: memref<1664xi32, #tpu.memory_space<vmem>>, %arg16: memref<128xi32, #tpu.memory_space<vmem>>, %arg17: memref<401408xf32, #tpu.memory_space<vmem_shared>>, %arg18: memref<403456xi32, #tpu.memory_space<vmem_shared>>, %arg19: memref<!tpu.dma_semaphore, #tpu.memory_space<semaphore_mem>>) attributes {dimension_semantics = [#tpu.dimension_semantics<core_parallel>, #tpu.dimension_semantics<subcore_parallel>], iteration_bounds = array<i64: 2, 16>, scalar_prefetch = 0 : i64, scratch_operands = 11 : i64, tpu.core_type = #tpu.core_type<sc_vector_subcore>, window_params = [{transform_indices = #map}, {transform_indices = #map}, {transform_indices = #map1}, {transform_indices = #map1}, {transform_indices = #map2}, {transform_indices = #map2}, {transform_indices = #map2}]} {
    %mul3A = arith.constant 16 : i32
    %mul3A_0 = arith.muli %arg0, %mul3A : i32
    %add3A = arith.addi %mul3A_0, %arg1 : i32
    %mul3A_1 = arith.constant 25216 : i32
    %mul3A_2 = arith.muli %arg1, %mul3A_1 : i32
    %scan3A = arith.constant 0 : i32
    %scan3A_3 = arith.constant 0 : i32
    %scan3A_4 = arith.constant 392 : i32
    %scan3A_5 = arith.addi %scan3A_3, %scan3A_4 : i32
    %scan3A_6 = arith.constant 1 : i32
    %scan3A_7 = scf.for %scan3A_394 = %scan3A_3 to %scan3A_5 step %scan3A_6 iter_args(%scan3A_395 = %scan3A) -> (i32)  : i32 {
      %broadcast_in_dim3A_396 = arith.constant 0.000000e+00 : f32
      %broadcast_in_dim3A_397 = vector.broadcast %broadcast_in_dim3A_396 : f32 to vector<16xf32>
      %mul3A_398 = arith.constant 16 : i32
      %mul3A_399 = arith.muli %scan3A_394, %mul3A_398 : i32
      %swap3A_400 = arith.index_cast %mul3A_399 : i32 to index
      %swap3A_401 = tpu.vector_load %arg14[%swap3A_400] {strides = array<i32>} : memref<6272xf32, #tpu.memory_space<vmem>>, vector<16xf32>,
      %swap3A_402 = vector.shape_cast %swap3A_401 : vector<16xf32> to vector<16xf32>
      %swap3A_403 = vector.shape_cast %broadcast_in_dim3A_397 : vector<16xf32> to vector<16xf32>
      tpu.vector_store %arg14[%swap3A_400], %swap3A_403 {strides = array<i32>} : memref<6272xf32, #tpu.memory_space<vmem>>, vector<16xf32>,
      %scan3A_404 = arith.constant 0 : i32
      scf.yield %scan3A_404 : i32
    }
    %scan3A_8 = arith.constant 392 : i32
    %mul3A_9 = arith.constant 25088 : i32
    %mul3A_10 = arith.muli %arg1, %mul3A_9 : i32
    %add3A_11 = arith.constant 0 : i32
    %add3A_12 = arith.addi %mul3A_10, %add3A_11 : i32
    "tpu.region"() ({
      %run_scoped3A_394 = tpu.sem_alloc : memref<!tpu.dma_semaphore, #tpu.memory_space<semaphore_mem>>
      %dma_start3A = tpu.memref_slice %arg17[%add3A_12] : memref<401408xf32, #tpu.memory_space<vmem_shared>> -> memref<6272xf32, #tpu.memory_space<vmem_shared>>
      %dma_start3A_395 = tpu.memref_slice %arg17[%add3A_12] : memref<401408xf32, #tpu.memory_space<vmem_shared>> -> memref<6272xf32, #tpu.memory_space<vmem_shared>>
      tpu.enqueue_dma source(%arg14 : memref<6272xf32, #tpu.memory_space<vmem>>) target(%dma_start3A_395 : memref<6272xf32, #tpu.memory_space<vmem_shared>>) target_semaphore(%run_scoped3A_394 : memref<!tpu.dma_semaphore, #tpu.memory_space<semaphore_mem>>)
      %dma_wait3A = tpu.memref_slice %arg17[%add3A_12] : memref<401408xf32, #tpu.memory_space<vmem_shared>> -> memref<6272xf32, #tpu.memory_space<vmem_shared>>
      %dma_wait3A_396 = tpu.memref_slice %arg17[%add3A_12] : memref<401408xf32, #tpu.memory_space<vmem_shared>> -> memref<6272xf32, #tpu.memory_space<vmem_shared>>
      tpu.wait_dma2 semaphore(%run_scoped3A_394 : memref<!tpu.dma_semaphore, #tpu.memory_space<semaphore_mem>>) src(%arg14 : memref<6272xf32, #tpu.memory_space<vmem>>) dst(%dma_wait3A_396 : memref<6272xf32, #tpu.memory_space<vmem_shared>>)
      tpu.yield
    }) : () -> ()
    %mul3A_13 = arith.constant 25088 : i32
    %mul3A_14 = arith.muli %arg1, %mul3A_13 : i32
    %add3A_15 = arith.constant 6272 : i32
    %add3A_16 = arith.addi %mul3A_14, %add3A_15 : i32
    "tpu.region"() ({
      %run_scoped3A_394 = tpu.sem_alloc : memref<!tpu.dma_semaphore, #tpu.memory_space<semaphore_mem>>
      %dma_start3A = tpu.memref_slice %arg17[%add3A_16] : memref<401408xf32, #tpu.memory_space<vmem_shared>> -> memref<6272xf32, #tpu.memory_space<vmem_shared>>
      %dma_start3A_395 = tpu.memref_slice %arg17[%add3A_16] : memref<401408xf32, #tpu.memory_space<vmem_shared>> -> memref<6272xf32, #tpu.memory_space<vmem_shared>>
      tpu.enqueue_dma source(%arg14 : memref<6272xf32, #tpu.memory_space<vmem>>) target(%dma_start3A_395 : memref<6272xf32, #tpu.memory_space<vmem_shared>>) target_semaphore(%run_scoped3A_394 : memref<!tpu.dma_semaphore, #tpu.memory_space<semaphore_mem>>)
      %dma_wait3A = tpu.memref_slice %arg17[%add3A_16] : memref<401408xf32, #tpu.memory_space<vmem_shared>> -> memref<6272xf32, #tpu.memory_space<vmem_shared>>
      %dma_wait3A_396 = tpu.memref_slice %arg17[%add3A_16] : memref<401408xf32, #tpu.memory_space<vmem_shared>> -> memref<6272xf32, #tpu.memory_space<vmem_shared>>
      tpu.wait_dma2 semaphore(%run_scoped3A_394 : memref<!tpu.dma_semaphore, #tpu.memory_space<semaphore_mem>>) src(%arg14 : memref<6272xf32, #tpu.memory_space<vmem>>) dst(%dma_wait3A_396 : memref<6272xf32, #tpu.memory_space<vmem_shared>>)
      tpu.yield
    }) : () -> ()
    %mul3A_17 = arith.constant 25088 : i32
    %mul3A_18 = arith.muli %arg1, %mul3A_17 : i32
    %add3A_19 = arith.constant 12544 : i32
    %add3A_20 = arith.addi %mul3A_18, %add3A_19 : i32
    "tpu.region"() ({
      %run_scoped3A_394 = tpu.sem_alloc : memref<!tpu.dma_semaphore, #tpu.memory_space<semaphore_mem>>
      %dma_start3A = tpu.memref_slice %arg17[%add3A_20] : memref<401408xf32, #tpu.memory_space<vmem_shared>> -> memref<6272xf32, #tpu.memory_space<vmem_shared>>
      %dma_start3A_395 = tpu.memref_slice %arg17[%add3A_20] : memref<401408xf32, #tpu.memory_space<vmem_shared>> -> memref<6272xf32, #tpu.memory_space<vmem_shared>>
      tpu.enqueue_dma source(%arg14 : memref<6272xf32, #tpu.memory_space<vmem>>) target(%dma_start3A_395 : memref<6272xf32, #tpu.memory_space<vmem_shared>>) target_semaphore(%run_scoped3A_394 : memref<!tpu.dma_semaphore, #tpu.memory_space<semaphore_mem>>)
      %dma_wait3A = tpu.memref_slice %arg17[%add3A_20] : memref<401408xf32, #tpu.memory_space<vmem_shared>> -> memref<6272xf32, #tpu.memory_space<vmem_shared>>
      %dma_wait3A_396 = tpu.memref_slice %arg17[%add3A_20] : memref<401408xf32, #tpu.memory_space<vmem_shared>> -> memref<6272xf32, #tpu.memory_space<vmem_shared>>
      tpu.wait_dma2 semaphore(%run_scoped3A_394 : memref<!tpu.dma_semaphore, #tpu.memory_space<semaphore_mem>>) src(%arg14 : memref<6272xf32, #tpu.memory_space<vmem>>) dst(%dma_wait3A_396 : memref<6272xf32, #tpu.memory_space<vmem_shared>>)
      tpu.yield
    }) : () -> ()
    %mul3A_21 = arith.constant 25088 : i32
    %mul3A_22 = arith.muli %arg1, %mul3A_21 : i32
    %add3A_23 = arith.constant 18816 : i32
    %add3A_24 = arith.addi %mul3A_22, %add3A_23 : i32
    "tpu.region"() ({
      %run_scoped3A_394 = tpu.sem_alloc : memref<!tpu.dma_semaphore, #tpu.memory_space<semaphore_mem>>
      %dma_start3A = tpu.memref_slice %arg17[%add3A_24] : memref<401408xf32, #tpu.memory_space<vmem_shared>> -> memref<6272xf32, #tpu.memory_space<vmem_shared>>
      %dma_start3A_395 = tpu.memref_slice %arg17[%add3A_24] : memref<401408xf32, #tpu.memory_space<vmem_shared>> -> memref<6272xf32, #tpu.memory_space<vmem_shared>>
      tpu.enqueue_dma source(%arg14 : memref<6272xf32, #tpu.memory_space<vmem>>) target(%dma_start3A_395 : memref<6272xf32, #tpu.memory_space<vmem_shared>>) target_semaphore(%run_scoped3A_394 : memref<!tpu.dma_semaphore, #tpu.memory_space<semaphore_mem>>)
      %dma_wait3A = tpu.memref_slice %arg17[%add3A_24] : memref<401408xf32, #tpu.memory_space<vmem_shared>> -> memref<6272xf32, #tpu.memory_space<vmem_shared>>
      %dma_wait3A_396 = tpu.memref_slice %arg17[%add3A_24] : memref<401408xf32, #tpu.memory_space<vmem_shared>> -> memref<6272xf32, #tpu.memory_space<vmem_shared>>
      tpu.wait_dma2 semaphore(%run_scoped3A_394 : memref<!tpu.dma_semaphore, #tpu.memory_space<semaphore_mem>>) src(%arg14 : memref<6272xf32, #tpu.memory_space<vmem>>) dst(%dma_wait3A_396 : memref<6272xf32, #tpu.memory_space<vmem_shared>>)
      tpu.yield
    }) : () -> ()
    %scan3A_25 = arith.constant 0 : i32
    %scan3A_26 = arith.constant 0 : i32
    %scan3A_27 = arith.constant 8 : i32
    %scan3A_28 = arith.addi %scan3A_26, %scan3A_27 : i32
    %scan3A_29 = arith.constant 1 : i32
    %scan3A_30 = scf.for %scan3A_394 = %scan3A_26 to %scan3A_28 step %scan3A_29 iter_args(%scan3A_395 = %scan3A_25) -> (i32)  : i32 {
      %broadcast_in_dim3A_396 = arith.constant 1.000000e+00 : f32
      %broadcast_in_dim3A_397 = vector.broadcast %broadcast_in_dim3A_396 : f32 to vector<16xf32>
      %mul3A_398 = arith.constant 16 : i32
      %mul3A_399 = arith.muli %scan3A_394, %mul3A_398 : i32
      %swap3A_400 = arith.index_cast %mul3A_399 : i32 to index
      %swap3A_401 = tpu.vector_load %arg14[%swap3A_400] {strides = array<i32>} : memref<6272xf32, #tpu.memory_space<vmem>>, vector<16xf32>,
      %swap3A_402 = vector.shape_cast %swap3A_401 : vector<16xf32> to vector<16xf32>
      %swap3A_403 = vector.shape_cast %broadcast_in_dim3A_397 : vector<16xf32> to vector<16xf32>
      tpu.vector_store %arg14[%swap3A_400], %swap3A_403 {strides = array<i32>} : memref<6272xf32, #tpu.memory_space<vmem>>, vector<16xf32>,
      %scan3A_404 = arith.constant 0 : i32
      scf.yield %scan3A_404 : i32
    }
    %scan3A_31 = arith.constant 8 : i32
    %barrier3A = arith.constant 0 : index
    tpu.barrier barrier_id(%barrier3A)
    %iota3A = tpu.iota {dimensions = array<i32: 0>} : vector<16xi32>
    %broadcast_in_dim3A = arith.constant 0 : i32
    %broadcast_in_dim3A_32 = vector.broadcast %broadcast_in_dim3A : i32 to vector<16xi32>
    %run_scoped3A = arith.constant 0 : i32
    "tpu.region"() ({
      %run_scoped3A_394 = tpu.sem_alloc : memref<!tpu.dma_semaphore, #tpu.memory_space<semaphore_mem>>
      %dma_start3A = arith.constant 0 : i32
      %dma_start3A_395 = arith.constant 0 : i32
      %dma_start3A_396 = tpu.memref_slice %arg2[%add3A, %run_scoped3A, %dma_start3A, %dma_start3A_395] : memref<32x2x98x128xi32, #tpu.memory_space<hbm>> -> memref<1x1x98x128xi32, #tpu.memory_space<hbm>>
      %dma_start3A_397 = tpu.memref_squeeze %dma_start3A_396 : memref<1x1x98x128xi32, #tpu.memory_space<hbm>> -> memref<98x128xi32, #tpu.memory_space<hbm>>
      %dma_start3A_398 = arith.constant 0 : i32
      %dma_start3A_399 = arith.constant 0 : i32
      %dma_start3A_400 = tpu.memref_slice %arg2[%add3A, %run_scoped3A, %dma_start3A_398, %dma_start3A_399] : memref<32x2x98x128xi32, #tpu.memory_space<hbm>> -> memref<1x1x98x128xi32, #tpu.memory_space<hbm>>
      %dma_start3A_401 = tpu.memref_squeeze %dma_start3A_400 : memref<1x1x98x128xi32, #tpu.memory_space<hbm>> -> memref<98x128xi32, #tpu.memory_space<hbm>>
      tpu.enqueue_dma source(%dma_start3A_401 : memref<98x128xi32, #tpu.memory_space<hbm>>) target(%arg9 : memref<98x128xi32, #tpu.memory_space<vmem>>) target_semaphore(%run_scoped3A_394 : memref<!tpu.dma_semaphore, #tpu.memory_space<semaphore_mem>>)
      %dma_wait3A = arith.constant 0 : i32
      %dma_wait3A_402 = arith.constant 0 : i32
      %dma_wait3A_403 = tpu.memref_slice %arg2[%add3A, %run_scoped3A, %dma_wait3A, %dma_wait3A_402] : memref<32x2x98x128xi32, #tpu.memory_space<hbm>> -> memref<1x1x98x128xi32, #tpu.memory_space<hbm>>
      %dma_wait3A_404 = tpu.memref_squeeze %dma_wait3A_403 : memref<1x1x98x128xi32, #tpu.memory_space<hbm>> -> memref<98x128xi32, #tpu.memory_space<hbm>>
      %dma_wait3A_405 = arith.constant 0 : i32
      %dma_wait3A_406 = arith.constant 0 : i32
      %dma_wait3A_407 = tpu.memref_slice %arg2[%add3A, %run_scoped3A, %dma_wait3A_405, %dma_wait3A_406] : memref<32x2x98x128xi32, #tpu.memory_space<hbm>> -> memref<1x1x98x128xi32, #tpu.memory_space<hbm>>
      %dma_wait3A_408 = tpu.memref_squeeze %dma_wait3A_407 : memref<1x1x98x128xi32, #tpu.memory_space<hbm>> -> memref<98x128xi32, #tpu.memory_space<hbm>>
      tpu.wait_dma2 semaphore(%run_scoped3A_394 : memref<!tpu.dma_semaphore, #tpu.memory_space<semaphore_mem>>) src(%dma_wait3A_408 : memref<98x128xi32, #tpu.memory_space<hbm>>) dst(%arg9 : memref<98x128xi32, #tpu.memory_space<vmem>>)
      tpu.yield
    }) : () -> ()
    %run_scoped3A_33 = arith.constant 0 : i32
    "tpu.region"() ({
      %run_scoped3A_394 = tpu.sem_alloc : memref<!tpu.dma_semaphore, #tpu.memory_space<semaphore_mem>>
      %dma_start3A = arith.constant 0 : i32
      %dma_start3A_395 = arith.constant 0 : i32
      %dma_start3A_396 = tpu.memref_slice %arg3[%add3A, %run_scoped3A_33, %dma_start3A, %dma_start3A_395] : memref<32x2x98x128xi32, #tpu.memory_space<hbm>> -> memref<1x1x98x128xi32, #tpu.memory_space<hbm>>
      %dma_start3A_397 = tpu.memref_squeeze %dma_start3A_396 : memref<1x1x98x128xi32, #tpu.memory_space<hbm>> -> memref<98x128xi32, #tpu.memory_space<hbm>>
      %dma_start3A_398 = arith.constant 0 : i32
      %dma_start3A_399 = arith.constant 0 : i32
      %dma_start3A_400 = tpu.memref_slice %arg3[%add3A, %run_scoped3A_33, %dma_start3A_398, %dma_start3A_399] : memref<32x2x98x128xi32, #tpu.memory_space<hbm>> -> memref<1x1x98x128xi32, #tpu.memory_space<hbm>>
      %dma_start3A_401 = tpu.memref_squeeze %dma_start3A_400 : memref<1x1x98x128xi32, #tpu.memory_space<hbm>> -> memref<98x128xi32, #tpu.memory_space<hbm>>
      tpu.enqueue_dma source(%dma_start3A_401 : memref<98x128xi32, #tpu.memory_space<hbm>>) target(%arg10 : memref<98x128xi32, #tpu.memory_space<vmem>>) target_semaphore(%run_scoped3A_394 : memref<!tpu.dma_semaphore, #tpu.memory_space<semaphore_mem>>)
      %dma_wait3A = arith.constant 0 : i32
      %dma_wait3A_402 = arith.constant 0 : i32
      %dma_wait3A_403 = tpu.memref_slice %arg3[%add3A, %run_scoped3A_33, %dma_wait3A, %dma_wait3A_402] : memref<32x2x98x128xi32, #tpu.memory_space<hbm>> -> memref<1x1x98x128xi32, #tpu.memory_space<hbm>>
      %dma_wait3A_404 = tpu.memref_squeeze %dma_wait3A_403 : memref<1x1x98x128xi32, #tpu.memory_space<hbm>> -> memref<98x128xi32, #tpu.memory_space<hbm>>
      %dma_wait3A_405 = arith.constant 0 : i32
      %dma_wait3A_406 = arith.constant 0 : i32
      %dma_wait3A_407 = tpu.memref_slice %arg3[%add3A, %run_scoped3A_33, %dma_wait3A_405, %dma_wait3A_406] : memref<32x2x98x128xi32, #tpu.memory_space<hbm>> -> memref<1x1x98x128xi32, #tpu.memory_space<hbm>>
      %dma_wait3A_408 = tpu.memref_squeeze %dma_wait3A_407 : memref<1x1x98x128xi32, #tpu.memory_space<hbm>> -> memref<98x128xi32, #tpu.memory_space<hbm>>
      tpu.wait_dma2 semaphore(%run_scoped3A_394 : memref<!tpu.dma_semaphore, #tpu.memory_space<semaphore_mem>>) src(%dma_wait3A_408 : memref<98x128xi32, #tpu.memory_space<hbm>>) dst(%arg10 : memref<98x128xi32, #tpu.memory_space<vmem>>)
      tpu.yield
    }) : () -> ()
    %scan3A_34 = arith.constant 0 : i32
    %scan3A_35 = arith.constant 0 : i32
    %scan3A_36 = arith.constant 98 : i32
    %scan3A_37 = arith.addi %scan3A_35, %scan3A_36 : i32
    %scan3A_38 = arith.constant 1 : i32
    %scan3A_39 = scf.for %scan3A_394 = %scan3A_35 to %scan3A_37 step %scan3A_38 iter_args(%scan3A_395 = %scan3A_34) -> (i32)  : i32 {
      %dma_start3A = arith.constant 0 : i32
      %dma_start3A_396 = tpu.memref_slice %arg11[%scan3A_394, %dma_start3A] : memref<98x128xi32, #tpu.memory_space<vmem>> -> memref<1x128xi32, #tpu.memory_space<vmem>>
      %dma_start3A_397 = tpu.memref_squeeze %dma_start3A_396 : memref<1x128xi32, #tpu.memory_space<vmem>> -> memref<128xi32, #tpu.memory_space<vmem>>
      %dma_start3A_398 = arith.constant 0 : i32
      %dma_start3A_399 = tpu.memref_slice %arg9[%scan3A_394, %dma_start3A_398] : memref<98x128xi32, #tpu.memory_space<vmem>> -> memref<1x128xi32, #tpu.memory_space<vmem>>
      %dma_start3A_400 = tpu.memref_squeeze %dma_start3A_399 : memref<1x128xi32, #tpu.memory_space<vmem>> -> memref<128xi32, #tpu.memory_space<vmem>>
      %dma_start3A_401 = arith.constant 0 : i32
      %dma_start3A_402 = tpu.memref_slice %arg4[%dma_start3A_401] : memref<50000xi32, #tpu.memory_space<hbm>> -> memref<50000xi32, #tpu.memory_space<hbm>>
      tpu.enqueue_indirect_dma source(%dma_start3A_402 : memref<50000xi32, #tpu.memory_space<hbm>>) target(%dma_start3A_397 : memref<128xi32, #tpu.memory_space<vmem>>) offsets(%dma_start3A_400 : memref<128xi32, #tpu.memory_space<vmem>>) semaphore(%arg19 : memref<!tpu.dma_semaphore, #tpu.memory_space<semaphore_mem>>)
      %scan3A_403 = arith.constant 0 : i32
      scf.yield %scan3A_403 : i32
    }
    %scan3A_40 = arith.constant 98 : i32
    %scan3A_41 = arith.constant 0 : i32
    %scan3A_42 = arith.constant 0 : i32
    %scan3A_43 = arith.constant 98 : i32
    %scan3A_44 = arith.addi %scan3A_42, %scan3A_43 : i32
    %scan3A_45 = arith.constant 1 : i32
    %scan3A_46 = scf.for %scan3A_394 = %scan3A_42 to %scan3A_44 step %scan3A_45 iter_args(%scan3A_395 = %scan3A_41) -> (i32)  : i32 {
      %dma_wait3A = arith.constant 0 : i32
      %dma_wait3A_396 = arith.constant 0 : i32
      %dma_wait3A_397 = arith.constant 0 : i32
      %dma_wait3A_398 = tpu.memref_slice %arg11[%dma_wait3A_396, %dma_wait3A_397] : memref<98x128xi32, #tpu.memory_space<vmem>> -> memref<1x128xi32, #tpu.memory_space<vmem>>
      %dma_wait3A_399 = tpu.memref_squeeze %dma_wait3A_398 : memref<1x128xi32, #tpu.memory_space<vmem>> -> memref<128xi32, #tpu.memory_space<vmem>>
      %dma_wait3A_400 = arith.constant 0 : i32
      %dma_wait3A_401 = tpu.memref_slice %arg9[%dma_wait3A, %dma_wait3A_400] : memref<98x128xi32, #tpu.memory_space<vmem>> -> memref<1x128xi32, #tpu.memory_space<vmem>>
      %dma_wait3A_402 = tpu.memref_squeeze %dma_wait3A_401 : memref<1x128xi32, #tpu.memory_space<vmem>> -> memref<128xi32, #tpu.memory_space<vmem>>
      %dma_wait3A_403 = arith.constant 0 : i32
      %dma_wait3A_404 = tpu.memref_slice %arg4[%dma_wait3A_403] : memref<50000xi32, #tpu.memory_space<hbm>> -> memref<50000xi32, #tpu.memory_space<hbm>>
      tpu.wait_indirect_dma semaphore(%arg19 : memref<!tpu.dma_semaphore, #tpu.memory_space<semaphore_mem>>) src(%dma_wait3A_404 : memref<50000xi32, #tpu.memory_space<hbm>>) dst(%dma_wait3A_399 : memref<128xi32, #tpu.memory_space<vmem>>)
      %scan3A_405 = arith.constant 0 : i32
      scf.yield %scan3A_405 : i32
    }
    %scan3A_47 = arith.constant 98 : i32
    %scan3A_48 = arith.constant 0 : i32
    %scan3A_49 = arith.constant 784 : i32
    %scan3A_50 = arith.addi %scan3A_48, %scan3A_49 : i32
    %scan3A_51 = arith.constant 1 : i32
    %scan3A_52 = scf.for %scan3A_394 = %scan3A_48 to %scan3A_50 step %scan3A_51 iter_args(%scan3A_395 = %broadcast_in_dim3A_32) -> (vector<16xi32>)  : i32 {
      %shift_right_arithmetic3A = arith.constant 3 : i32
      %shift_right_arithmetic3A_396 = arith.shrsi %scan3A_394, %shift_right_arithmetic3A : i32
      %and3A = arith.constant 7 : i32
      %and3A_397 = arith.andi %scan3A_394, %and3A : i32
      %mul3A_398 = arith.constant 16 : i32
      %mul3A_399 = arith.muli %and3A_397, %mul3A_398 : i32
      %get3A = arith.index_cast %shift_right_arithmetic3A_396 : i32 to index
      %get3A_400 = arith.index_cast %mul3A_399 : i32 to index
      %get3A_401 = tpu.vector_load %arg9[%get3A, %get3A_400] {strides = array<i32>} : memref<98x128xi32, #tpu.memory_space<vmem>>, vector<1x16xi32>,
      %get3A_402 = vector.shape_cast %get3A_401 : vector<1x16xi32> to vector<16xi32>
      %get3A_403 = arith.index_cast %shift_right_arithmetic3A_396 : i32 to index
      %get3A_404 = arith.index_cast %mul3A_399 : i32 to index
      %get3A_405 = tpu.vector_load %arg10[%get3A_403, %get3A_404] {strides = array<i32>} : memref<98x128xi32, #tpu.memory_space<vmem>>, vector<1x16xi32>,
      %get3A_406 = vector.shape_cast %get3A_405 : vector<1x16xi32> to vector<16xi32>
      %lt3A_407 = arith.constant 8192 : i32
      %lt3A_408 = vector.broadcast %lt3A_407 : i32 to vector<16xi32>
      %lt3A_409 = arith.cmpi slt, %get3A_406, %lt3A_408 : vector<16xi32>
      %mul3A_410 = arith.constant 16384 : i32
      %mul3A_411 = vector.broadcast %mul3A_410 : i32 to vector<16xi32>
      %mul3A_412 = arith.muli %get3A_402, %mul3A_411 : vector<16xi32>
      %jit3A_413 = arith.constant 0 : i32
      %broadcast_in_dim3A_414 = vector.broadcast %jit3A_413 : i32 to vector<16xi32>
      %select_n3A_415 = arith.select %lt3A_409, %get3A_406, %broadcast_in_dim3A_414 : vector<16xi1>, vector<16xi32>
      %add3A_416 = arith.addi %mul3A_412, %select_n3A_415 : vector<16xi32>
      %iota3A_417 = tpu.iota {dimensions = array<i32: 0>} : vector<16xi32>
      %jit3A_418 = arith.constant 1 : i32
      %jit3A_419 = arith.constant 0 : i32
      %broadcast_in_dim3A_420 = vector.broadcast %jit3A_418 : i32 to vector<16xi32>
      %broadcast_in_dim3A_421 = vector.broadcast %jit3A_419 : i32 to vector<16xi32>
      %select_n3A_422 = arith.select %lt3A_409, %broadcast_in_dim3A_420, %broadcast_in_dim3A_421 : vector<16xi1>, vector<16xi32>
      %sub3A = arith.constant 1 : i32
      %sub3A_423 = vector.broadcast %sub3A : i32 to vector<16xi32>
      %sub3A_424 = arith.subi %iota3A_417, %sub3A_423 : vector<16xi32>
      %max3A = arith.constant 0 : i32
      %max3A_425 = vector.broadcast %max3A : i32 to vector<16xi32>
      %max3A_426 = arith.maxsi %sub3A_424, %max3A_425 : vector<16xi32>
      %broadcast_in_dim3A_427 = vector.shape_cast %max3A_426 : vector<16xi32> to vector<16x1xi32>
      %gather3A = vector.shape_cast %broadcast_in_dim3A_427 : vector<16x1xi32> to vector<16xi32>
      %gather3A_428 = tpu.dynamic_gather %select_n3A_422[%gather3A] in [0] : vector<16xi32>, vector<16xi32> -> vector<16xi32>
      %ge3A = arith.constant 1 : i32
      %ge3A_429 = vector.broadcast %ge3A : i32 to vector<16xi32>
      %ge3A_430 = arith.cmpi sge, %iota3A_417, %ge3A_429 : vector<16xi32>
      %jit3A_431 = arith.constant 0 : i32
      %broadcast_in_dim3A_432 = vector.broadcast %jit3A_431 : i32 to vector<16xi32>
      %select_n3A_433 = arith.select %ge3A_430, %gather3A_428, %broadcast_in_dim3A_432 : vector<16xi1>, vector<16xi32>
      %add3A_434 = arith.addi %select_n3A_422, %select_n3A_433 : vector<16xi32>
      %sub3A_435 = arith.constant 2 : i32
      %sub3A_436 = vector.broadcast %sub3A_435 : i32 to vector<16xi32>
      %sub3A_437 = arith.subi %iota3A_417, %sub3A_436 : vector<16xi32>
      %max3A_438 = arith.constant 0 : i32
      %max3A_439 = vector.broadcast %max3A_438 : i32 to vector<16xi32>
      %max3A_440 = arith.maxsi %sub3A_437, %max3A_439 : vector<16xi32>
      %broadcast_in_dim3A_441 = vector.shape_cast %max3A_440 : vector<16xi32> to vector<16x1xi32>
      %gather3A_442 = vector.shape_cast %broadcast_in_dim3A_441 : vector<16x1xi32> to vector<16xi32>
      %gather3A_443 = tpu.dynamic_gather %add3A_434[%gather3A_442] in [0] : vector<16xi32>, vector<16xi32> -> vector<16xi32>
      %ge3A_444 = arith.constant 2 : i32
      %ge3A_445 = vector.broadcast %ge3A_444 : i32 to vector<16xi32>
      %ge3A_446 = arith.cmpi sge, %iota3A_417, %ge3A_445 : vector<16xi32>
      %jit3A_447 = arith.constant 0 : i32
      %broadcast_in_dim3A_448 = vector.broadcast %jit3A_447 : i32 to vector<16xi32>
      %select_n3A_449 = arith.select %ge3A_446, %gather3A_443, %broadcast_in_dim3A_448 : vector<16xi1>, vector<16xi32>
      %add3A_450 = arith.addi %add3A_434, %select_n3A_449 : vector<16xi32>
      %sub3A_451 = arith.constant 4 : i32
      %sub3A_452 = vector.broadcast %sub3A_451 : i32 to vector<16xi32>
      %sub3A_453 = arith.subi %iota3A_417, %sub3A_452 : vector<16xi32>
      %max3A_454 = arith.constant 0 : i32
      %max3A_455 = vector.broadcast %max3A_454 : i32 to vector<16xi32>
      %max3A_456 = arith.maxsi %sub3A_453, %max3A_455 : vector<16xi32>
      %broadcast_in_dim3A_457 = vector.shape_cast %max3A_456 : vector<16xi32> to vector<16x1xi32>
      %gather3A_458 = vector.shape_cast %broadcast_in_dim3A_457 : vector<16x1xi32> to vector<16xi32>
      %gather3A_459 = tpu.dynamic_gather %add3A_450[%gather3A_458] in [0] : vector<16xi32>, vector<16xi32> -> vector<16xi32>
      %ge3A_460 = arith.constant 4 : i32
      %ge3A_461 = vector.broadcast %ge3A_460 : i32 to vector<16xi32>
      %ge3A_462 = arith.cmpi sge, %iota3A_417, %ge3A_461 : vector<16xi32>
      %jit3A_463 = arith.constant 0 : i32
      %broadcast_in_dim3A_464 = vector.broadcast %jit3A_463 : i32 to vector<16xi32>
      %select_n3A_465 = arith.select %ge3A_462, %gather3A_459, %broadcast_in_dim3A_464 : vector<16xi1>, vector<16xi32>
      %add3A_466 = arith.addi %add3A_450, %select_n3A_465 : vector<16xi32>
      %sub3A_467 = arith.constant 8 : i32
      %sub3A_468 = vector.broadcast %sub3A_467 : i32 to vector<16xi32>
      %sub3A_469 = arith.subi %iota3A_417, %sub3A_468 : vector<16xi32>
      %max3A_470 = arith.constant 0 : i32
      %max3A_471 = vector.broadcast %max3A_470 : i32 to vector<16xi32>
      %max3A_472 = arith.maxsi %sub3A_469, %max3A_471 : vector<16xi32>
      %broadcast_in_dim3A_473 = vector.shape_cast %max3A_472 : vector<16xi32> to vector<16x1xi32>
      %gather3A_474 = vector.shape_cast %broadcast_in_dim3A_473 : vector<16x1xi32> to vector<16xi32>
      %gather3A_475 = tpu.dynamic_gather %add3A_466[%gather3A_474] in [0] : vector<16xi32>, vector<16xi32> -> vector<16xi32>
      %ge3A_476 = arith.constant 8 : i32
      %ge3A_477 = vector.broadcast %ge3A_476 : i32 to vector<16xi32>
      %ge3A_478 = arith.cmpi sge, %iota3A_417, %ge3A_477 : vector<16xi32>
      %jit3A_479 = arith.constant 0 : i32
      %broadcast_in_dim3A_480 = vector.broadcast %jit3A_479 : i32 to vector<16xi32>
      %select_n3A_481 = arith.select %ge3A_478, %gather3A_475, %broadcast_in_dim3A_480 : vector<16xi1>, vector<16xi32>
      %add3A_482 = arith.addi %add3A_466, %select_n3A_481 : vector<16xi32>
      %add3A_483 = arith.addi %scan3A_395, %add3A_482 : vector<16xi32>
      %sub3A_484 = arith.constant 1 : i32
      %sub3A_485 = vector.broadcast %sub3A_484 : i32 to vector<16xi32>
      %sub3A_486 = arith.subi %add3A_483, %sub3A_485 : vector<16xi32>
      %jit3A_487 = arith.constant 25215 : i32
      %broadcast_in_dim3A_488 = vector.broadcast %jit3A_487 : i32 to vector<16xi32>
      %select_n3A_489 = arith.select %lt3A_409, %sub3A_486, %broadcast_in_dim3A_488 : vector<16xi1>, vector<16xi32>
      %add3A_490 = vector.broadcast %mul3A_2 : i32 to vector<16xi32>
      %add3A_491 = arith.addi %add3A_490, %select_n3A_489 : vector<16xi32>
      %swap3A_492 = arith.index_cast %shift_right_arithmetic3A_396 : i32 to index
      %swap3A_493 = arith.index_cast %mul3A_399 : i32 to index
      %swap3A_494 = tpu.vector_load %arg12[%swap3A_492, %swap3A_493] {strides = array<i32>} : memref<98x128xi32, #tpu.memory_space<vmem>>, vector<1x16xi32>,
      %swap3A_495 = vector.shape_cast %swap3A_494 : vector<1x16xi32> to vector<16xi32>
      %swap3A_496 = vector.shape_cast %add3A_491 : vector<16xi32> to vector<1x16xi32>
      tpu.vector_store %arg12[%swap3A_492, %swap3A_493], %swap3A_496 {strides = array<i32>} : memref<98x128xi32, #tpu.memory_space<vmem>>, vector<1x16xi32>,
      %swap3A_497 = arith.index_cast %shift_right_arithmetic3A_396 : i32 to index
      %swap3A_498 = arith.index_cast %mul3A_399 : i32 to index
      %swap3A_499 = tpu.vector_load %arg13[%swap3A_497, %swap3A_498] {strides = array<i32>} : memref<98x128xi32, #tpu.memory_space<vmem>>, vector<1x16xi32>,
      %swap3A_500 = vector.shape_cast %swap3A_499 : vector<1x16xi32> to vector<16xi32>
      %swap3A_501 = vector.shape_cast %add3A_416 : vector<16xi32> to vector<1x16xi32>
      tpu.vector_store %arg13[%swap3A_497, %swap3A_498], %swap3A_501 {strides = array<i32>} : memref<98x128xi32, #tpu.memory_space<vmem>>, vector<1x16xi32>,
      %broadcast_in_dim3A_502 = arith.constant 15 : i32
      %broadcast_in_dim3A_503 = vector.broadcast %broadcast_in_dim3A_502 : i32 to vector<16xi32>
      %broadcast_in_dim3A_504 = vector.shape_cast %broadcast_in_dim3A_503 : vector<16xi32> to vector<16x1xi32>
      %gather3A_505 = vector.shape_cast %broadcast_in_dim3A_504 : vector<16x1xi32> to vector<16xi32>
      %gather3A_506 = tpu.dynamic_gather %add3A_482[%gather3A_505] in [0] : vector<16xi32>, vector<16xi32> -> vector<16xi32>
      %add3A_507 = arith.addi %scan3A_395, %gather3A_506 : vector<16xi32>
      scf.yield %add3A_507 : vector<16xi32>
    }
    %scan3A_53 = arith.constant 784 : i32
    %scan3A_54 = arith.constant 0 : i32
    %scan3A_55 = arith.constant 0 : i32
    %scan3A_56 = arith.constant 98 : i32
    %scan3A_57 = arith.addi %scan3A_55, %scan3A_56 : i32
    %scan3A_58 = arith.constant 1 : i32
    %scan3A_59 = scf.for %scan3A_394 = %scan3A_55 to %scan3A_57 step %scan3A_58 iter_args(%scan3A_395 = %scan3A_54) -> (i32)  : i32 {
      %dma_start3A = arith.constant 0 : i32
      %dma_start3A_396 = tpu.memref_slice %arg13[%scan3A_394, %dma_start3A] : memref<98x128xi32, #tpu.memory_space<vmem>> -> memref<1x128xi32, #tpu.memory_space<vmem>>
      %dma_start3A_397 = tpu.memref_squeeze %dma_start3A_396 : memref<1x128xi32, #tpu.memory_space<vmem>> -> memref<128xi32, #tpu.memory_space<vmem>>
      %dma_start3A_398 = arith.constant 0 : i32
      %dma_start3A_399 = tpu.memref_slice %arg12[%scan3A_394, %dma_start3A_398] : memref<98x128xi32, #tpu.memory_space<vmem>> -> memref<1x128xi32, #tpu.memory_space<vmem>>
      %dma_start3A_400 = tpu.memref_squeeze %dma_start3A_399 : memref<1x128xi32, #tpu.memory_space<vmem>> -> memref<128xi32, #tpu.memory_space<vmem>>
      %dma_start3A_401 = arith.constant 0 : i32
      %dma_start3A_402 = tpu.memref_slice %arg18[%dma_start3A_401] : memref<403456xi32, #tpu.memory_space<vmem_shared>> -> memref<403456xi32, #tpu.memory_space<vmem_shared>>
      tpu.enqueue_indirect_dma source(%dma_start3A_397 : memref<128xi32, #tpu.memory_space<vmem>>) target(%dma_start3A_402 : memref<403456xi32, #tpu.memory_space<vmem_shared>>) offsets(%dma_start3A_400 : memref<128xi32, #tpu.memory_space<vmem>>) semaphore(%arg19 : memref<!tpu.dma_semaphore, #tpu.memory_space<semaphore_mem>>)
      %scan3A_403 = arith.constant 0 : i32
      scf.yield %scan3A_403 : i32
    }
    %scan3A_60 = arith.constant 98 : i32
    %scan3A_61 = arith.constant 0 : i32
    %scan3A_62 = arith.constant 0 : i32
    %scan3A_63 = arith.constant 98 : i32
    %scan3A_64 = arith.addi %scan3A_62, %scan3A_63 : i32
    %scan3A_65 = arith.constant 1 : i32
    %scan3A_66 = scf.for %scan3A_394 = %scan3A_62 to %scan3A_64 step %scan3A_65 iter_args(%scan3A_395 = %scan3A_61) -> (i32)  : i32 {
      %dma_wait3A = arith.constant 0 : i32
      %dma_wait3A_396 = arith.constant 0 : i32
      %dma_wait3A_397 = arith.constant 0 : i32
      %dma_wait3A_398 = tpu.memref_slice %arg13[%dma_wait3A, %dma_wait3A_397] : memref<98x128xi32, #tpu.memory_space<vmem>> -> memref<1x128xi32, #tpu.memory_space<vmem>>
      %dma_wait3A_399 = tpu.memref_squeeze %dma_wait3A_398 : memref<1x128xi32, #tpu.memory_space<vmem>> -> memref<128xi32, #tpu.memory_space<vmem>>
      %dma_wait3A_400 = arith.constant 0 : i32
      %dma_wait3A_401 = tpu.memref_slice %arg12[%dma_wait3A_396, %dma_wait3A_400] : memref<98x128xi32, #tpu.memory_space<vmem>> -> memref<1x128xi32, #tpu.memory_space<vmem>>
      %dma_wait3A_402 = tpu.memref_squeeze %dma_wait3A_401 : memref<1x128xi32, #tpu.memory_space<vmem>> -> memref<128xi32, #tpu.memory_space<vmem>>
      %dma_wait3A_403 = arith.constant 0 : i32
      %dma_wait3A_404 = tpu.memref_slice %arg18[%dma_wait3A_403] : memref<403456xi32, #tpu.memory_space<vmem_shared>> -> memref<403456xi32, #tpu.memory_space<vmem_shared>>
      tpu.wait_indirect_dma semaphore(%arg19 : memref<!tpu.dma_semaphore, #tpu.memory_space<semaphore_mem>>) src(%dma_wait3A_399 : memref<128xi32, #tpu.memory_space<vmem>>) dst(%dma_wait3A_404 : memref<403456xi32, #tpu.memory_space<vmem_shared>>)
      %scan3A_405 = arith.constant 0 : i32
      scf.yield %scan3A_405 : i32
    }
    %scan3A_67 = arith.constant 98 : i32
    %scan3A_68 = arith.constant 0 : i32
    %scan3A_69 = arith.constant 0 : i32
    %scan3A_70 = arith.constant 784 : i32
    %scan3A_71 = arith.addi %scan3A_69, %scan3A_70 : i32
    %scan3A_72 = arith.constant 1 : i32
    %scan3A_73 = scf.for %scan3A_394 = %scan3A_69 to %scan3A_71 step %scan3A_72 iter_args(%scan3A_395 = %scan3A_68) -> (i32)  : i32 {
      %shift_right_arithmetic3A = arith.constant 3 : i32
      %shift_right_arithmetic3A_396 = arith.shrsi %scan3A_394, %shift_right_arithmetic3A : i32
      %and3A = arith.constant 7 : i32
      %and3A_397 = arith.andi %scan3A_394, %and3A : i32
      %mul3A_398 = arith.constant 16 : i32
      %mul3A_399 = arith.muli %and3A_397, %mul3A_398 : i32
      %get3A = arith.index_cast %shift_right_arithmetic3A_396 : i32 to index
      %get3A_400 = arith.index_cast %mul3A_399 : i32 to index
      %get3A_401 = tpu.vector_load %arg10[%get3A, %get3A_400] {strides = array<i32>} : memref<98x128xi32, #tpu.memory_space<vmem>>, vector<1x16xi32>,
      %get3A_402 = vector.shape_cast %get3A_401 : vector<1x16xi32> to vector<16xi32>
      %get3A_403 = arith.index_cast %shift_right_arithmetic3A_396 : i32 to index
      %get3A_404 = arith.index_cast %mul3A_399 : i32 to index
      %get3A_405 = tpu.vector_load %arg11[%get3A_403, %get3A_404] {strides = array<i32>} : memref<98x128xi32, #tpu.memory_space<vmem>>, vector<1x16xi32>,
      %get3A_406 = vector.shape_cast %get3A_405 : vector<1x16xi32> to vector<16xi32>
      %mul3A_407 = arith.constant 8 : i32
      %mul3A_408 = vector.broadcast %mul3A_407 : i32 to vector<16xi32>
      %mul3A_409 = arith.muli %get3A_402, %mul3A_408 : vector<16xi32>
      %add3A_410 = arith.addi %mul3A_409, %get3A_406 : vector<16xi32>
      %swap3A_411 = arith.index_cast %shift_right_arithmetic3A_396 : i32 to index
      %swap3A_412 = arith.index_cast %mul3A_399 : i32 to index
      %swap3A_413 = tpu.vector_load %arg12[%swap3A_411, %swap3A_412] {strides = array<i32>} : memref<98x128xi32, #tpu.memory_space<vmem>>, vector<1x16xi32>,
      %swap3A_414 = vector.shape_cast %swap3A_413 : vector<1x16xi32> to vector<16xi32>
      %swap3A_415 = vector.shape_cast %add3A_410 : vector<16xi32> to vector<1x16xi32>
      tpu.vector_store %arg12[%swap3A_411, %swap3A_412], %swap3A_415 {strides = array<i32>} : memref<98x128xi32, #tpu.memory_space<vmem>>, vector<1x16xi32>,
      %scan3A_416 = arith.constant 0 : i32
      scf.yield %scan3A_416 : i32
    }
    %scan3A_74 = arith.constant 784 : i32
    %scan3A_75 = arith.constant 0 : i32
    %scan3A_76 = arith.constant 0 : i32
    %scan3A_77 = arith.constant 98 : i32
    %scan3A_78 = arith.addi %scan3A_76, %scan3A_77 : i32
    %scan3A_79 = arith.constant 1 : i32
    %scan3A_80 = scf.for %scan3A_394 = %scan3A_76 to %scan3A_78 step %scan3A_79 iter_args(%scan3A_395 = %scan3A_75) -> (i32)  : i32 {
      %dma_start3A = arith.constant 0 : i32
      %dma_start3A_396 = tpu.memref_slice %arg14[%dma_start3A] : memref<6272xf32, #tpu.memory_space<vmem>> -> memref<128xf32, #tpu.memory_space<vmem>>
      %dma_start3A_397 = arith.constant 0 : i32
      %dma_start3A_398 = tpu.memref_slice %arg12[%scan3A_394, %dma_start3A_397] : memref<98x128xi32, #tpu.memory_space<vmem>> -> memref<1x128xi32, #tpu.memory_space<vmem>>
      %dma_start3A_399 = tpu.memref_squeeze %dma_start3A_398 : memref<1x128xi32, #tpu.memory_space<vmem>> -> memref<128xi32, #tpu.memory_space<vmem>>
      %dma_start3A_400 = arith.constant 0 : i32
      %dma_start3A_401 = tpu.memref_slice %arg17[%dma_start3A_400] : memref<401408xf32, #tpu.memory_space<vmem_shared>> -> memref<401408xf32, #tpu.memory_space<vmem_shared>>
      tpu.enqueue_indirect_dma source(%dma_start3A_396 : memref<128xf32, #tpu.memory_space<vmem>>) target(%dma_start3A_401 : memref<401408xf32, #tpu.memory_space<vmem_shared>>) offsets(%dma_start3A_399 : memref<128xi32, #tpu.memory_space<vmem>>) semaphore(%arg19 : memref<!tpu.dma_semaphore, #tpu.memory_space<semaphore_mem>>) {add = true}
      %scan3A_402 = arith.constant 0 : i32
      scf.yield %scan3A_402 : i32
    }
    %scan3A_81 = arith.constant 98 : i32
    %scan3A_82 = arith.constant 0 : i32
    %scan3A_83 = arith.constant 0 : i32
    %scan3A_84 = arith.constant 98 : i32
    %scan3A_85 = arith.addi %scan3A_83, %scan3A_84 : i32
    %scan3A_86 = arith.constant 1 : i32
    %scan3A_87 = scf.for %scan3A_394 = %scan3A_83 to %scan3A_85 step %scan3A_86 iter_args(%scan3A_395 = %scan3A_82) -> (i32)  : i32 {
      %dma_wait3A = arith.constant 0 : i32
      %dma_wait3A_396 = arith.constant 0 : i32
      %dma_wait3A_397 = tpu.memref_slice %arg14[%dma_wait3A_396] : memref<6272xf32, #tpu.memory_space<vmem>> -> memref<128xf32, #tpu.memory_space<vmem>>
      %dma_wait3A_398 = arith.constant 0 : i32
      %dma_wait3A_399 = tpu.memref_slice %arg12[%dma_wait3A, %dma_wait3A_398] : memref<98x128xi32, #tpu.memory_space<vmem>> -> memref<1x128xi32, #tpu.memory_space<vmem>>
      %dma_wait3A_400 = tpu.memref_squeeze %dma_wait3A_399 : memref<1x128xi32, #tpu.memory_space<vmem>> -> memref<128xi32, #tpu.memory_space<vmem>>
      %dma_wait3A_401 = arith.constant 0 : i32
      %dma_wait3A_402 = tpu.memref_slice %arg17[%dma_wait3A_401] : memref<401408xf32, #tpu.memory_space<vmem_shared>> -> memref<401408xf32, #tpu.memory_space<vmem_shared>>
      tpu.wait_indirect_dma semaphore(%arg19 : memref<!tpu.dma_semaphore, #tpu.memory_space<semaphore_mem>>) src(%dma_wait3A_397 : memref<128xf32, #tpu.memory_space<vmem>>) dst(%dma_wait3A_402 : memref<401408xf32, #tpu.memory_space<vmem_shared>>)
      %scan3A_403 = arith.constant 0 : i32
      scf.yield %scan3A_403 : i32
    }
    %scan3A_88 = arith.constant 98 : i32
    %run_scoped3A_89 = arith.constant 1 : i32
    "tpu.region"() ({
      %run_scoped3A_394 = tpu.sem_alloc : memref<!tpu.dma_semaphore, #tpu.memory_space<semaphore_mem>>
      %dma_start3A = arith.constant 0 : i32
      %dma_start3A_395 = arith.constant 0 : i32
      %dma_start3A_396 = tpu.memref_slice %arg2[%add3A, %run_scoped3A_89, %dma_start3A, %dma_start3A_395] : memref<32x2x98x128xi32, #tpu.memory_space<hbm>> -> memref<1x1x98x128xi32, #tpu.memory_space<hbm>>
      %dma_start3A_397 = tpu.memref_squeeze %dma_start3A_396 : memref<1x1x98x128xi32, #tpu.memory_space<hbm>> -> memref<98x128xi32, #tpu.memory_space<hbm>>
      %dma_start3A_398 = arith.constant 0 : i32
      %dma_start3A_399 = arith.constant 0 : i32
      %dma_start3A_400 = tpu.memref_slice %arg2[%add3A, %run_scoped3A_89, %dma_start3A_398, %dma_start3A_399] : memref<32x2x98x128xi32, #tpu.memory_space<hbm>> -> memref<1x1x98x128xi32, #tpu.memory_space<hbm>>
      %dma_start3A_401 = tpu.memref_squeeze %dma_start3A_400 : memref<1x1x98x128xi32, #tpu.memory_space<hbm>> -> memref<98x128xi32, #tpu.memory_space<hbm>>
      tpu.enqueue_dma source(%dma_start3A_401 : memref<98x128xi32, #tpu.memory_space<hbm>>) target(%arg9 : memref<98x128xi32, #tpu.memory_space<vmem>>) target_semaphore(%run_scoped3A_394 : memref<!tpu.dma_semaphore, #tpu.memory_space<semaphore_mem>>)
      %dma_wait3A = arith.constant 0 : i32
      %dma_wait3A_402 = arith.constant 0 : i32
      %dma_wait3A_403 = tpu.memref_slice %arg2[%add3A, %run_scoped3A_89, %dma_wait3A, %dma_wait3A_402] : memref<32x2x98x128xi32, #tpu.memory_space<hbm>> -> memref<1x1x98x128xi32, #tpu.memory_space<hbm>>
      %dma_wait3A_404 = tpu.memref_squeeze %dma_wait3A_403 : memref<1x1x98x128xi32, #tpu.memory_space<hbm>> -> memref<98x128xi32, #tpu.memory_space<hbm>>
      %dma_wait3A_405 = arith.constant 0 : i32
      %dma_wait3A_406 = arith.constant 0 : i32
      %dma_wait3A_407 = tpu.memref_slice %arg2[%add3A, %run_scoped3A_89, %dma_wait3A_405, %dma_wait3A_406] : memref<32x2x98x128xi32, #tpu.memory_space<hbm>> -> memref<1x1x98x128xi32, #tpu.memory_space<hbm>>
      %dma_wait3A_408 = tpu.memref_squeeze %dma_wait3A_407 : memref<1x1x98x128xi32, #tpu.memory_space<hbm>> -> memref<98x128xi32, #tpu.memory_space<hbm>>
      tpu.wait_dma2 semaphore(%run_scoped3A_394 : memref<!tpu.dma_semaphore, #tpu.memory_space<semaphore_mem>>) src(%dma_wait3A_408 : memref<98x128xi32, #tpu.memory_space<hbm>>) dst(%arg9 : memref<98x128xi32, #tpu.memory_space<vmem>>)
      tpu.yield
    }) : () -> ()
    %run_scoped3A_90 = arith.constant 1 : i32
    "tpu.region"() ({
      %run_scoped3A_394 = tpu.sem_alloc : memref<!tpu.dma_semaphore, #tpu.memory_space<semaphore_mem>>
      %dma_start3A = arith.constant 0 : i32
      %dma_start3A_395 = arith.constant 0 : i32
      %dma_start3A_396 = tpu.memref_slice %arg3[%add3A, %run_scoped3A_90, %dma_start3A, %dma_start3A_395] : memref<32x2x98x128xi32, #tpu.memory_space<hbm>> -> memref<1x1x98x128xi32, #tpu.memory_space<hbm>>
      %dma_start3A_397 = tpu.memref_squeeze %dma_start3A_396 : memref<1x1x98x128xi32, #tpu.memory_space<hbm>> -> memref<98x128xi32, #tpu.memory_space<hbm>>
      %dma_start3A_398 = arith.constant 0 : i32
      %dma_start3A_399 = arith.constant 0 : i32
      %dma_start3A_400 = tpu.memref_slice %arg3[%add3A, %run_scoped3A_90, %dma_start3A_398, %dma_start3A_399] : memref<32x2x98x128xi32, #tpu.memory_space<hbm>> -> memref<1x1x98x128xi32, #tpu.memory_space<hbm>>
      %dma_start3A_401 = tpu.memref_squeeze %dma_start3A_400 : memref<1x1x98x128xi32, #tpu.memory_space<hbm>> -> memref<98x128xi32, #tpu.memory_space<hbm>>
      tpu.enqueue_dma source(%dma_start3A_401 : memref<98x128xi32, #tpu.memory_space<hbm>>) target(%arg10 : memref<98x128xi32, #tpu.memory_space<vmem>>) target_semaphore(%run_scoped3A_394 : memref<!tpu.dma_semaphore, #tpu.memory_space<semaphore_mem>>)
      %dma_wait3A = arith.constant 0 : i32
      %dma_wait3A_402 = arith.constant 0 : i32
      %dma_wait3A_403 = tpu.memref_slice %arg3[%add3A, %run_scoped3A_90, %dma_wait3A, %dma_wait3A_402] : memref<32x2x98x128xi32, #tpu.memory_space<hbm>> -> memref<1x1x98x128xi32, #tpu.memory_space<hbm>>
      %dma_wait3A_404 = tpu.memref_squeeze %dma_wait3A_403 : memref<1x1x98x128xi32, #tpu.memory_space<hbm>> -> memref<98x128xi32, #tpu.memory_space<hbm>>
      %dma_wait3A_405 = arith.constant 0 : i32
      %dma_wait3A_406 = arith.constant 0 : i32
      %dma_wait3A_407 = tpu.memref_slice %arg3[%add3A, %run_scoped3A_90, %dma_wait3A_405, %dma_wait3A_406] : memref<32x2x98x128xi32, #tpu.memory_space<hbm>> -> memref<1x1x98x128xi32, #tpu.memory_space<hbm>>
      %dma_wait3A_408 = tpu.memref_squeeze %dma_wait3A_407 : memref<1x1x98x128xi32, #tpu.memory_space<hbm>> -> memref<98x128xi32, #tpu.memory_space<hbm>>
      tpu.wait_dma2 semaphore(%run_scoped3A_394 : memref<!tpu.dma_semaphore, #tpu.memory_space<semaphore_mem>>) src(%dma_wait3A_408 : memref<98x128xi32, #tpu.memory_space<hbm>>) dst(%arg10 : memref<98x128xi32, #tpu.memory_space<vmem>>)
      tpu.yield
    }) : () -> ()
    %scan3A_91 = arith.constant 0 : i32
    %scan3A_92 = arith.constant 0 : i32
    %scan3A_93 = arith.constant 98 : i32
    %scan3A_94 = arith.addi %scan3A_92, %scan3A_93 : i32
    %scan3A_95 = arith.constant 1 : i32
    %scan3A_96 = scf.for %scan3A_394 = %scan3A_92 to %scan3A_94 step %scan3A_95 iter_args(%scan3A_395 = %scan3A_91) -> (i32)  : i32 {
      %dma_start3A = arith.constant 0 : i32
      %dma_start3A_396 = tpu.memref_slice %arg11[%scan3A_394, %dma_start3A] : memref<98x128xi32, #tpu.memory_space<vmem>> -> memref<1x128xi32, #tpu.memory_space<vmem>>
      %dma_start3A_397 = tpu.memref_squeeze %dma_start3A_396 : memref<1x128xi32, #tpu.memory_space<vmem>> -> memref<128xi32, #tpu.memory_space<vmem>>
      %dma_start3A_398 = arith.constant 0 : i32
      %dma_start3A_399 = tpu.memref_slice %arg9[%scan3A_394, %dma_start3A_398] : memref<98x128xi32, #tpu.memory_space<vmem>> -> memref<1x128xi32, #tpu.memory_space<vmem>>
      %dma_start3A_400 = tpu.memref_squeeze %dma_start3A_399 : memref<1x128xi32, #tpu.memory_space<vmem>> -> memref<128xi32, #tpu.memory_space<vmem>>
      %dma_start3A_401 = arith.constant 0 : i32
      %dma_start3A_402 = tpu.memref_slice %arg4[%dma_start3A_401] : memref<50000xi32, #tpu.memory_space<hbm>> -> memref<50000xi32, #tpu.memory_space<hbm>>
      tpu.enqueue_indirect_dma source(%dma_start3A_402 : memref<50000xi32, #tpu.memory_space<hbm>>) target(%dma_start3A_397 : memref<128xi32, #tpu.memory_space<vmem>>) offsets(%dma_start3A_400 : memref<128xi32, #tpu.memory_space<vmem>>) semaphore(%arg19 : memref<!tpu.dma_semaphore, #tpu.memory_space<semaphore_mem>>)
      %scan3A_403 = arith.constant 0 : i32
      scf.yield %scan3A_403 : i32
    }
    %scan3A_97 = arith.constant 98 : i32
    %scan3A_98 = arith.constant 0 : i32
    %scan3A_99 = arith.constant 0 : i32
    %scan3A_100 = arith.constant 98 : i32
    %scan3A_101 = arith.addi %scan3A_99, %scan3A_100 : i32
    %scan3A_102 = arith.constant 1 : i32
    %scan3A_103 = scf.for %scan3A_394 = %scan3A_99 to %scan3A_101 step %scan3A_102 iter_args(%scan3A_395 = %scan3A_98) -> (i32)  : i32 {
      %dma_wait3A = arith.constant 0 : i32
      %dma_wait3A_396 = arith.constant 0 : i32
      %dma_wait3A_397 = arith.constant 0 : i32
      %dma_wait3A_398 = tpu.memref_slice %arg11[%dma_wait3A_396, %dma_wait3A_397] : memref<98x128xi32, #tpu.memory_space<vmem>> -> memref<1x128xi32, #tpu.memory_space<vmem>>
      %dma_wait3A_399 = tpu.memref_squeeze %dma_wait3A_398 : memref<1x128xi32, #tpu.memory_space<vmem>> -> memref<128xi32, #tpu.memory_space<vmem>>
      %dma_wait3A_400 = arith.constant 0 : i32
      %dma_wait3A_401 = tpu.memref_slice %arg9[%dma_wait3A, %dma_wait3A_400] : memref<98x128xi32, #tpu.memory_space<vmem>> -> memref<1x128xi32, #tpu.memory_space<vmem>>
      %dma_wait3A_402 = tpu.memref_squeeze %dma_wait3A_401 : memref<1x128xi32, #tpu.memory_space<vmem>> -> memref<128xi32, #tpu.memory_space<vmem>>
      %dma_wait3A_403 = arith.constant 0 : i32
      %dma_wait3A_404 = tpu.memref_slice %arg4[%dma_wait3A_403] : memref<50000xi32, #tpu.memory_space<hbm>> -> memref<50000xi32, #tpu.memory_space<hbm>>
      tpu.wait_indirect_dma semaphore(%arg19 : memref<!tpu.dma_semaphore, #tpu.memory_space<semaphore_mem>>) src(%dma_wait3A_404 : memref<50000xi32, #tpu.memory_space<hbm>>) dst(%dma_wait3A_399 : memref<128xi32, #tpu.memory_space<vmem>>)
      %scan3A_405 = arith.constant 0 : i32
      scf.yield %scan3A_405 : i32
    }
    %scan3A_104 = arith.constant 98 : i32
    %scan3A_105 = arith.constant 0 : i32
    %scan3A_106 = arith.constant 784 : i32
    %scan3A_107 = arith.addi %scan3A_105, %scan3A_106 : i32
    %scan3A_108 = arith.constant 1 : i32
    %scan3A_109 = scf.for %scan3A_394 = %scan3A_105 to %scan3A_107 step %scan3A_108 iter_args(%scan3A_395 = %scan3A_52) -> (vector<16xi32>)  : i32 {
      %shift_right_arithmetic3A = arith.constant 3 : i32
      %shift_right_arithmetic3A_396 = arith.shrsi %scan3A_394, %shift_right_arithmetic3A : i32
      %and3A = arith.constant 7 : i32
      %and3A_397 = arith.andi %scan3A_394, %and3A : i32
      %mul3A_398 = arith.constant 16 : i32
      %mul3A_399 = arith.muli %and3A_397, %mul3A_398 : i32
      %get3A = arith.index_cast %shift_right_arithmetic3A_396 : i32 to index
      %get3A_400 = arith.index_cast %mul3A_399 : i32 to index
      %get3A_401 = tpu.vector_load %arg9[%get3A, %get3A_400] {strides = array<i32>} : memref<98x128xi32, #tpu.memory_space<vmem>>, vector<1x16xi32>,
      %get3A_402 = vector.shape_cast %get3A_401 : vector<1x16xi32> to vector<16xi32>
      %get3A_403 = arith.index_cast %shift_right_arithmetic3A_396 : i32 to index
      %get3A_404 = arith.index_cast %mul3A_399 : i32 to index
      %get3A_405 = tpu.vector_load %arg10[%get3A_403, %get3A_404] {strides = array<i32>} : memref<98x128xi32, #tpu.memory_space<vmem>>, vector<1x16xi32>,
      %get3A_406 = vector.shape_cast %get3A_405 : vector<1x16xi32> to vector<16xi32>
      %lt3A_407 = arith.constant 8192 : i32
      %lt3A_408 = vector.broadcast %lt3A_407 : i32 to vector<16xi32>
      %lt3A_409 = arith.cmpi slt, %get3A_406, %lt3A_408 : vector<16xi32>
      %mul3A_410 = arith.constant 16384 : i32
      %mul3A_411 = vector.broadcast %mul3A_410 : i32 to vector<16xi32>
      %mul3A_412 = arith.muli %get3A_402, %mul3A_411 : vector<16xi32>
      %jit3A_413 = arith.constant 0 : i32
      %broadcast_in_dim3A_414 = vector.broadcast %jit3A_413 : i32 to vector<16xi32>
      %select_n3A_415 = arith.select %lt3A_409, %get3A_406, %broadcast_in_dim3A_414 : vector<16xi1>, vector<16xi32>
      %add3A_416 = arith.addi %mul3A_412, %select_n3A_415 : vector<16xi32>
      %iota3A_417 = tpu.iota {dimensions = array<i32: 0>} : vector<16xi32>
      %jit3A_418 = arith.constant 1 : i32
      %jit3A_419 = arith.constant 0 : i32
      %broadcast_in_dim3A_420 = vector.broadcast %jit3A_418 : i32 to vector<16xi32>
      %broadcast_in_dim3A_421 = vector.broadcast %jit3A_419 : i32 to vector<16xi32>
      %select_n3A_422 = arith.select %lt3A_409, %broadcast_in_dim3A_420, %broadcast_in_dim3A_421 : vector<16xi1>, vector<16xi32>
      %sub3A = arith.constant 1 : i32
      %sub3A_423 = vector.broadcast %sub3A : i32 to vector<16xi32>
      %sub3A_424 = arith.subi %iota3A_417, %sub3A_423 : vector<16xi32>
      %max3A = arith.constant 0 : i32
      %max3A_425 = vector.broadcast %max3A : i32 to vector<16xi32>
      %max3A_426 = arith.maxsi %sub3A_424, %max3A_425 : vector<16xi32>
      %broadcast_in_dim3A_427 = vector.shape_cast %max3A_426 : vector<16xi32> to vector<16x1xi32>
      %gather3A = vector.shape_cast %broadcast_in_dim3A_427 : vector<16x1xi32> to vector<16xi32>
      %gather3A_428 = tpu.dynamic_gather %select_n3A_422[%gather3A] in [0] : vector<16xi32>, vector<16xi32> -> vector<16xi32>
      %ge3A = arith.constant 1 : i32
      %ge3A_429 = vector.broadcast %ge3A : i32 to vector<16xi32>
      %ge3A_430 = arith.cmpi sge, %iota3A_417, %ge3A_429 : vector<16xi32>
      %jit3A_431 = arith.constant 0 : i32
      %broadcast_in_dim3A_432 = vector.broadcast %jit3A_431 : i32 to vector<16xi32>
      %select_n3A_433 = arith.select %ge3A_430, %gather3A_428, %broadcast_in_dim3A_432 : vector<16xi1>, vector<16xi32>
      %add3A_434 = arith.addi %select_n3A_422, %select_n3A_433 : vector<16xi32>
      %sub3A_435 = arith.constant 2 : i32
      %sub3A_436 = vector.broadcast %sub3A_435 : i32 to vector<16xi32>
      %sub3A_437 = arith.subi %iota3A_417, %sub3A_436 : vector<16xi32>
      %max3A_438 = arith.constant 0 : i32
      %max3A_439 = vector.broadcast %max3A_438 : i32 to vector<16xi32>
      %max3A_440 = arith.maxsi %sub3A_437, %max3A_439 : vector<16xi32>
      %broadcast_in_dim3A_441 = vector.shape_cast %max3A_440 : vector<16xi32> to vector<16x1xi32>
      %gather3A_442 = vector.shape_cast %broadcast_in_dim3A_441 : vector<16x1xi32> to vector<16xi32>
      %gather3A_443 = tpu.dynamic_gather %add3A_434[%gather3A_442] in [0] : vector<16xi32>, vector<16xi32> -> vector<16xi32>
      %ge3A_444 = arith.constant 2 : i32
      %ge3A_445 = vector.broadcast %ge3A_444 : i32 to vector<16xi32>
      %ge3A_446 = arith.cmpi sge, %iota3A_417, %ge3A_445 : vector<16xi32>
      %jit3A_447 = arith.constant 0 : i32
      %broadcast_in_dim3A_448 = vector.broadcast %jit3A_447 : i32 to vector<16xi32>
      %select_n3A_449 = arith.select %ge3A_446, %gather3A_443, %broadcast_in_dim3A_448 : vector<16xi1>, vector<16xi32>
      %add3A_450 = arith.addi %add3A_434, %select_n3A_449 : vector<16xi32>
      %sub3A_451 = arith.constant 4 : i32
      %sub3A_452 = vector.broadcast %sub3A_451 : i32 to vector<16xi32>
      %sub3A_453 = arith.subi %iota3A_417, %sub3A_452 : vector<16xi32>
      %max3A_454 = arith.constant 0 : i32
      %max3A_455 = vector.broadcast %max3A_454 : i32 to vector<16xi32>
      %max3A_456 = arith.maxsi %sub3A_453, %max3A_455 : vector<16xi32>
      %broadcast_in_dim3A_457 = vector.shape_cast %max3A_456 : vector<16xi32> to vector<16x1xi32>
      %gather3A_458 = vector.shape_cast %broadcast_in_dim3A_457 : vector<16x1xi32> to vector<16xi32>
      %gather3A_459 = tpu.dynamic_gather %add3A_450[%gather3A_458] in [0] : vector<16xi32>, vector<16xi32> -> vector<16xi32>
      %ge3A_460 = arith.constant 4 : i32
      %ge3A_461 = vector.broadcast %ge3A_460 : i32 to vector<16xi32>
      %ge3A_462 = arith.cmpi sge, %iota3A_417, %ge3A_461 : vector<16xi32>
      %jit3A_463 = arith.constant 0 : i32
      %broadcast_in_dim3A_464 = vector.broadcast %jit3A_463 : i32 to vector<16xi32>
      %select_n3A_465 = arith.select %ge3A_462, %gather3A_459, %broadcast_in_dim3A_464 : vector<16xi1>, vector<16xi32>
      %add3A_466 = arith.addi %add3A_450, %select_n3A_465 : vector<16xi32>
      %sub3A_467 = arith.constant 8 : i32
      %sub3A_468 = vector.broadcast %sub3A_467 : i32 to vector<16xi32>
      %sub3A_469 = arith.subi %iota3A_417, %sub3A_468 : vector<16xi32>
      %max3A_470 = arith.constant 0 : i32
      %max3A_471 = vector.broadcast %max3A_470 : i32 to vector<16xi32>
      %max3A_472 = arith.maxsi %sub3A_469, %max3A_471 : vector<16xi32>
      %broadcast_in_dim3A_473 = vector.shape_cast %max3A_472 : vector<16xi32> to vector<16x1xi32>
      %gather3A_474 = vector.shape_cast %broadcast_in_dim3A_473 : vector<16x1xi32> to vector<16xi32>
      %gather3A_475 = tpu.dynamic_gather %add3A_466[%gather3A_474] in [0] : vector<16xi32>, vector<16xi32> -> vector<16xi32>
      %ge3A_476 = arith.constant 8 : i32
      %ge3A_477 = vector.broadcast %ge3A_476 : i32 to vector<16xi32>
      %ge3A_478 = arith.cmpi sge, %iota3A_417, %ge3A_477 : vector<16xi32>
      %jit3A_479 = arith.constant 0 : i32
      %broadcast_in_dim3A_480 = vector.broadcast %jit3A_479 : i32 to vector<16xi32>
      %select_n3A_481 = arith.select %ge3A_478, %gather3A_475, %broadcast_in_dim3A_480 : vector<16xi1>, vector<16xi32>
      %add3A_482 = arith.addi %add3A_466, %select_n3A_481 : vector<16xi32>
      %add3A_483 = arith.addi %scan3A_395, %add3A_482 : vector<16xi32>
      %sub3A_484 = arith.constant 1 : i32
      %sub3A_485 = vector.broadcast %sub3A_484 : i32 to vector<16xi32>
      %sub3A_486 = arith.subi %add3A_483, %sub3A_485 : vector<16xi32>
      %jit3A_487 = arith.constant 25215 : i32
      %broadcast_in_dim3A_488 = vector.broadcast %jit3A_487 : i32 to vector<16xi32>
      %select_n3A_489 = arith.select %lt3A_409, %sub3A_486, %broadcast_in_dim3A_488 : vector<16xi1>, vector<16xi32>
      %add3A_490 = vector.broadcast %mul3A_2 : i32 to vector<16xi32>
      %add3A_491 = arith.addi %add3A_490, %select_n3A_489 : vector<16xi32>
      %swap3A_492 = arith.index_cast %shift_right_arithmetic3A_396 : i32 to index
      %swap3A_493 = arith.index_cast %mul3A_399 : i32 to index
      %swap3A_494 = tpu.vector_load %arg12[%swap3A_492, %swap3A_493] {strides = array<i32>} : memref<98x128xi32, #tpu.memory_space<vmem>>, vector<1x16xi32>,
      %swap3A_495 = vector.shape_cast %swap3A_494 : vector<1x16xi32> to vector<16xi32>
      %swap3A_496 = vector.shape_cast %add3A_491 : vector<16xi32> to vector<1x16xi32>
      tpu.vector_store %arg12[%swap3A_492, %swap3A_493], %swap3A_496 {strides = array<i32>} : memref<98x128xi32, #tpu.memory_space<vmem>>, vector<1x16xi32>,
      %swap3A_497 = arith.index_cast %shift_right_arithmetic3A_396 : i32 to index
      %swap3A_498 = arith.index_cast %mul3A_399 : i32 to index
      %swap3A_499 = tpu.vector_load %arg13[%swap3A_497, %swap3A_498] {strides = array<i32>} : memref<98x128xi32, #tpu.memory_space<vmem>>, vector<1x16xi32>,
      %swap3A_500 = vector.shape_cast %swap3A_499 : vector<1x16xi32> to vector<16xi32>
      %swap3A_501 = vector.shape_cast %add3A_416 : vector<16xi32> to vector<1x16xi32>
      tpu.vector_store %arg13[%swap3A_497, %swap3A_498], %swap3A_501 {strides = array<i32>} : memref<98x128xi32, #tpu.memory_space<vmem>>, vector<1x16xi32>,
      %broadcast_in_dim3A_502 = arith.constant 15 : i32
      %broadcast_in_dim3A_503 = vector.broadcast %broadcast_in_dim3A_502 : i32 to vector<16xi32>
      %broadcast_in_dim3A_504 = vector.shape_cast %broadcast_in_dim3A_503 : vector<16xi32> to vector<16x1xi32>
      %gather3A_505 = vector.shape_cast %broadcast_in_dim3A_504 : vector<16x1xi32> to vector<16xi32>
      %gather3A_506 = tpu.dynamic_gather %add3A_482[%gather3A_505] in [0] : vector<16xi32>, vector<16xi32> -> vector<16xi32>
      %add3A_507 = arith.addi %scan3A_395, %gather3A_506 : vector<16xi32>
      scf.yield %add3A_507 : vector<16xi32>
    }
    %scan3A_110 = arith.constant 784 : i32
    %scan3A_111 = arith.constant 0 : i32
    %scan3A_112 = arith.constant 0 : i32
    %scan3A_113 = arith.constant 98 : i32
    %scan3A_114 = arith.addi %scan3A_112, %scan3A_113 : i32
    %scan3A_115 = arith.constant 1 : i32
    %scan3A_116 = scf.for %scan3A_394 = %scan3A_112 to %scan3A_114 step %scan3A_115 iter_args(%scan3A_395 = %scan3A_111) -> (i32)  : i32 {
      %dma_start3A = arith.constant 0 : i32
      %dma_start3A_396 = tpu.memref_slice %arg13[%scan3A_394, %dma_start3A] : memref<98x128xi32, #tpu.memory_space<vmem>> -> memref<1x128xi32, #tpu.memory_space<vmem>>
      %dma_start3A_397 = tpu.memref_squeeze %dma_start3A_396 : memref<1x128xi32, #tpu.memory_space<vmem>> -> memref<128xi32, #tpu.memory_space<vmem>>
      %dma_start3A_398 = arith.constant 0 : i32
      %dma_start3A_399 = tpu.memref_slice %arg12[%scan3A_394, %dma_start3A_398] : memref<98x128xi32, #tpu.memory_space<vmem>> -> memref<1x128xi32, #tpu.memory_space<vmem>>
      %dma_start3A_400 = tpu.memref_squeeze %dma_start3A_399 : memref<1x128xi32, #tpu.memory_space<vmem>> -> memref<128xi32, #tpu.memory_space<vmem>>
      %dma_start3A_401 = arith.constant 0 : i32
      %dma_start3A_402 = tpu.memref_slice %arg18[%dma_start3A_401] : memref<403456xi32, #tpu.memory_space<vmem_shared>> -> memref<403456xi32, #tpu.memory_space<vmem_shared>>
      tpu.enqueue_indirect_dma source(%dma_start3A_397 : memref<128xi32, #tpu.memory_space<vmem>>) target(%dma_start3A_402 : memref<403456xi32, #tpu.memory_space<vmem_shared>>) offsets(%dma_start3A_400 : memref<128xi32, #tpu.memory_space<vmem>>) semaphore(%arg19 : memref<!tpu.dma_semaphore, #tpu.memory_space<semaphore_mem>>)
      %scan3A_403 = arith.constant 0 : i32
      scf.yield %scan3A_403 : i32
    }
    %scan3A_117 = arith.constant 98 : i32
    %scan3A_118 = arith.constant 0 : i32
    %scan3A_119 = arith.constant 0 : i32
    %scan3A_120 = arith.constant 98 : i32
    %scan3A_121 = arith.addi %scan3A_119, %scan3A_120 : i32
    %scan3A_122 = arith.constant 1 : i32
    %scan3A_123 = scf.for %scan3A_394 = %scan3A_119 to %scan3A_121 step %scan3A_122 iter_args(%scan3A_395 = %scan3A_118) -> (i32)  : i32 {
      %dma_wait3A = arith.constant 0 : i32
      %dma_wait3A_396 = arith.constant 0 : i32
      %dma_wait3A_397 = arith.constant 0 : i32
      %dma_wait3A_398 = tpu.memref_slice %arg13[%dma_wait3A, %dma_wait3A_397] : memref<98x128xi32, #tpu.memory_space<vmem>> -> memref<1x128xi32, #tpu.memory_space<vmem>>
      %dma_wait3A_399 = tpu.memref_squeeze %dma_wait3A_398 : memref<1x128xi32, #tpu.memory_space<vmem>> -> memref<128xi32, #tpu.memory_space<vmem>>
      %dma_wait3A_400 = arith.constant 0 : i32
      %dma_wait3A_401 = tpu.memref_slice %arg12[%dma_wait3A_396, %dma_wait3A_400] : memref<98x128xi32, #tpu.memory_space<vmem>> -> memref<1x128xi32, #tpu.memory_space<vmem>>
      %dma_wait3A_402 = tpu.memref_squeeze %dma_wait3A_401 : memref<1x128xi32, #tpu.memory_space<vmem>> -> memref<128xi32, #tpu.memory_space<vmem>>
      %dma_wait3A_403 = arith.constant 0 : i32
      %dma_wait3A_404 = tpu.memref_slice %arg18[%dma_wait3A_403] : memref<403456xi32, #tpu.memory_space<vmem_shared>> -> memref<403456xi32, #tpu.memory_space<vmem_shared>>
      tpu.wait_indirect_dma semaphore(%arg19 : memref<!tpu.dma_semaphore, #tpu.memory_space<semaphore_mem>>) src(%dma_wait3A_399 : memref<128xi32, #tpu.memory_space<vmem>>) dst(%dma_wait3A_404 : memref<403456xi32, #tpu.memory_space<vmem_shared>>)
      %scan3A_405 = arith.constant 0 : i32
      scf.yield %scan3A_405 : i32
    }
    %scan3A_124 = arith.constant 98 : i32
    %scan3A_125 = arith.constant 0 : i32
    %scan3A_126 = arith.constant 0 : i32
    %scan3A_127 = arith.constant 784 : i32
    %scan3A_128 = arith.addi %scan3A_126, %scan3A_127 : i32
    %scan3A_129 = arith.constant 1 : i32
    %scan3A_130 = scf.for %scan3A_394 = %scan3A_126 to %scan3A_128 step %scan3A_129 iter_args(%scan3A_395 = %scan3A_125) -> (i32)  : i32 {
      %shift_right_arithmetic3A = arith.constant 3 : i32
      %shift_right_arithmetic3A_396 = arith.shrsi %scan3A_394, %shift_right_arithmetic3A : i32
      %and3A = arith.constant 7 : i32
      %and3A_397 = arith.andi %scan3A_394, %and3A : i32
      %mul3A_398 = arith.constant 16 : i32
      %mul3A_399 = arith.muli %and3A_397, %mul3A_398 : i32
      %get3A = arith.index_cast %shift_right_arithmetic3A_396 : i32 to index
      %get3A_400 = arith.index_cast %mul3A_399 : i32 to index
      %get3A_401 = tpu.vector_load %arg10[%get3A, %get3A_400] {strides = array<i32>} : memref<98x128xi32, #tpu.memory_space<vmem>>, vector<1x16xi32>,
      %get3A_402 = vector.shape_cast %get3A_401 : vector<1x16xi32> to vector<16xi32>
      %get3A_403 = arith.index_cast %shift_right_arithmetic3A_396 : i32 to index
      %get3A_404 = arith.index_cast %mul3A_399 : i32 to index
      %get3A_405 = tpu.vector_load %arg11[%get3A_403, %get3A_404] {strides = array<i32>} : memref<98x128xi32, #tpu.memory_space<vmem>>, vector<1x16xi32>,
      %get3A_406 = vector.shape_cast %get3A_405 : vector<1x16xi32> to vector<16xi32>
      %mul3A_407 = arith.constant 8 : i32
      %mul3A_408 = vector.broadcast %mul3A_407 : i32 to vector<16xi32>
      %mul3A_409 = arith.muli %get3A_402, %mul3A_408 : vector<16xi32>
      %add3A_410 = arith.addi %mul3A_409, %get3A_406 : vector<16xi32>
      %swap3A_411 = arith.index_cast %shift_right_arithmetic3A_396 : i32 to index
      %swap3A_412 = arith.index_cast %mul3A_399 : i32 to index
      %swap3A_413 = tpu.vector_load %arg12[%swap3A_411, %swap3A_412] {strides = array<i32>} : memref<98x128xi32, #tpu.memory_space<vmem>>, vector<1x16xi32>,
      %swap3A_414 = vector.shape_cast %swap3A_413 : vector<1x16xi32> to vector<16xi32>
      %swap3A_415 = vector.shape_cast %add3A_410 : vector<16xi32> to vector<1x16xi32>
      tpu.vector_store %arg12[%swap3A_411, %swap3A_412], %swap3A_415 {strides = array<i32>} : memref<98x128xi32, #tpu.memory_space<vmem>>, vector<1x16xi32>,
      %scan3A_416 = arith.constant 0 : i32
      scf.yield %scan3A_416 : i32
    }
    %scan3A_131 = arith.constant 784 : i32
    %scan3A_132 = arith.constant 0 : i32
    %scan3A_133 = arith.constant 0 : i32
    %scan3A_134 = arith.constant 98 : i32
    %scan3A_135 = arith.addi %scan3A_133, %scan3A_134 : i32
    %scan3A_136 = arith.constant 1 : i32
    %scan3A_137 = scf.for %scan3A_394 = %scan3A_133 to %scan3A_135 step %scan3A_136 iter_args(%scan3A_395 = %scan3A_132) -> (i32)  : i32 {
      %dma_start3A = arith.constant 0 : i32
      %dma_start3A_396 = tpu.memref_slice %arg14[%dma_start3A] : memref<6272xf32, #tpu.memory_space<vmem>> -> memref<128xf32, #tpu.memory_space<vmem>>
      %dma_start3A_397 = arith.constant 0 : i32
      %dma_start3A_398 = tpu.memref_slice %arg12[%scan3A_394, %dma_start3A_397] : memref<98x128xi32, #tpu.memory_space<vmem>> -> memref<1x128xi32, #tpu.memory_space<vmem>>
      %dma_start3A_399 = tpu.memref_squeeze %dma_start3A_398 : memref<1x128xi32, #tpu.memory_space<vmem>> -> memref<128xi32, #tpu.memory_space<vmem>>
      %dma_start3A_400 = arith.constant 0 : i32
      %dma_start3A_401 = tpu.memref_slice %arg17[%dma_start3A_400] : memref<401408xf32, #tpu.memory_space<vmem_shared>> -> memref<401408xf32, #tpu.memory_space<vmem_shared>>
      tpu.enqueue_indirect_dma source(%dma_start3A_396 : memref<128xf32, #tpu.memory_space<vmem>>) target(%dma_start3A_401 : memref<401408xf32, #tpu.memory_space<vmem_shared>>) offsets(%dma_start3A_399 : memref<128xi32, #tpu.memory_space<vmem>>) semaphore(%arg19 : memref<!tpu.dma_semaphore, #tpu.memory_space<semaphore_mem>>) {add = true}
      %scan3A_402 = arith.constant 0 : i32
      scf.yield %scan3A_402 : i32
    }
    %scan3A_138 = arith.constant 98 : i32
    %scan3A_139 = arith.constant 0 : i32
    %scan3A_140 = arith.constant 0 : i32
    %scan3A_141 = arith.constant 98 : i32
    %scan3A_142 = arith.addi %scan3A_140, %scan3A_141 : i32
    %scan3A_143 = arith.constant 1 : i32
    %scan3A_144 = scf.for %scan3A_394 = %scan3A_140 to %scan3A_142 step %scan3A_143 iter_args(%scan3A_395 = %scan3A_139) -> (i32)  : i32 {
      %dma_wait3A = arith.constant 0 : i32
      %dma_wait3A_396 = arith.constant 0 : i32
      %dma_wait3A_397 = tpu.memref_slice %arg14[%dma_wait3A_396] : memref<6272xf32, #tpu.memory_space<vmem>> -> memref<128xf32, #tpu.memory_space<vmem>>
      %dma_wait3A_398 = arith.constant 0 : i32
      %dma_wait3A_399 = tpu.memref_slice %arg12[%dma_wait3A, %dma_wait3A_398] : memref<98x128xi32, #tpu.memory_space<vmem>> -> memref<1x128xi32, #tpu.memory_space<vmem>>
      %dma_wait3A_400 = tpu.memref_squeeze %dma_wait3A_399 : memref<1x128xi32, #tpu.memory_space<vmem>> -> memref<128xi32, #tpu.memory_space<vmem>>
      %dma_wait3A_401 = arith.constant 0 : i32
      %dma_wait3A_402 = tpu.memref_slice %arg17[%dma_wait3A_401] : memref<401408xf32, #tpu.memory_space<vmem_shared>> -> memref<401408xf32, #tpu.memory_space<vmem_shared>>
      tpu.wait_indirect_dma semaphore(%arg19 : memref<!tpu.dma_semaphore, #tpu.memory_space<semaphore_mem>>) src(%dma_wait3A_397 : memref<128xf32, #tpu.memory_space<vmem>>) dst(%dma_wait3A_402 : memref<401408xf32, #tpu.memory_space<vmem_shared>>)
      %scan3A_403 = arith.constant 0 : i32
      scf.yield %scan3A_403 : i32
    }
    %scan3A_145 = arith.constant 98 : i32
    %lt3A = arith.constant 8 : i32
    %lt3A_146 = arith.cmpi slt, %add3A, %lt3A : i32
    %jit3A = arith.constant 13 : i32
    %jit3A_147 = arith.constant 12 : i32
    %select_n3A = arith.select %lt3A_146, %jit3A, %jit3A_147 : i32
    %mul3A_148 = arith.constant 12 : i32
    %mul3A_149 = arith.muli %add3A, %mul3A_148 : i32
    %min3A = arith.constant 8 : i32
    %min3A_150 = arith.minsi %add3A, %min3A : i32
    %add3A_151 = arith.addi %mul3A_149, %min3A_150 : i32
    %mul3A_152 = arith.constant 128 : i32
    %mul3A_153 = arith.muli %add3A_151, %mul3A_152 : i32
    "tpu.region"() ({
      %run_scoped3A_394 = tpu.sem_alloc : memref<!tpu.dma_semaphore, #tpu.memory_space<semaphore_mem>>
      %dma_start3A = tpu.memref_slice %arg5[%mul3A_153] : memref<50304xi32, #tpu.memory_space<hbm>> -> memref<1664xi32, #tpu.memory_space<hbm>>
      %dma_start3A_395 = tpu.memref_slice %arg5[%mul3A_153] : memref<50304xi32, #tpu.memory_space<hbm>> -> memref<1664xi32, #tpu.memory_space<hbm>>
      tpu.enqueue_dma source(%dma_start3A_395 : memref<1664xi32, #tpu.memory_space<hbm>>) target(%arg15 : memref<1664xi32, #tpu.memory_space<vmem>>) target_semaphore(%run_scoped3A_394 : memref<!tpu.dma_semaphore, #tpu.memory_space<semaphore_mem>>)
      %dma_wait3A = tpu.memref_slice %arg5[%mul3A_153] : memref<50304xi32, #tpu.memory_space<hbm>> -> memref<1664xi32, #tpu.memory_space<hbm>>
      %dma_wait3A_396 = tpu.memref_slice %arg5[%mul3A_153] : memref<50304xi32, #tpu.memory_space<hbm>> -> memref<1664xi32, #tpu.memory_space<hbm>>
      tpu.wait_dma2 semaphore(%run_scoped3A_394 : memref<!tpu.dma_semaphore, #tpu.memory_space<semaphore_mem>>) src(%dma_wait3A_396 : memref<1664xi32, #tpu.memory_space<hbm>>) dst(%arg15 : memref<1664xi32, #tpu.memory_space<vmem>>)
      tpu.yield
    }) : () -> ()
    %mul3A_154 = arith.constant 8 : i32
    %mul3A_155 = arith.muli %select_n3A, %mul3A_154 : i32
    %while3A = arith.constant 0 : i32
    %while3A_156 = arith.constant 0 : i32
    %while3A_157 = arith.subi %mul3A_155, %while3A : i32
    %while3A_158 = arith.addi %while3A, %while3A_157 : i32
    %while3A_159 = arith.constant 1 : i32
    %while3A_160 = arith.divsi %while3A_157, %while3A_159 : i32
    %while3A_161 = arith.muli %while3A_160, %while3A_159 : i32
    %while3A_162 = arith.addi %while3A, %while3A_161 : i32
    %while3A_163 = arith.constant 1 : i32
    %while3A_164 = scf.for %while3A_394 = %while3A to %while3A_162 step %while3A_163 iter_args(%while3A_395 = %while3A_156) -> (i32)  : i32 {
      %shift_right_arithmetic3A = arith.constant 3 : i32
      %shift_right_arithmetic3A_396 = arith.shrsi %while3A_394, %shift_right_arithmetic3A : i32
      %and3A = arith.constant 7 : i32
      %and3A_397 = arith.andi %while3A_394, %and3A : i32
      %mul3A_398 = arith.constant 16 : i32
      %mul3A_399 = arith.muli %and3A_397, %mul3A_398 : i32
      %mul3A_400 = arith.constant 128 : i32
      %mul3A_401 = arith.muli %add3A_151, %mul3A_400 : i32
      %mul3A_402 = arith.constant 16 : i32
      %mul3A_403 = arith.muli %while3A_394, %mul3A_402 : i32
      %add3A_404 = arith.addi %mul3A_401, %mul3A_403 : i32
      %add3A_405 = vector.broadcast %add3A_404 : i32 to vector<16xi32>
      %add3A_406 = arith.addi %add3A_405, %iota3A : vector<16xi32>
      %mul3A_407 = arith.constant 16 : i32
      %mul3A_408 = arith.muli %while3A_394, %mul3A_407 : i32
      %get3A = arith.index_cast %mul3A_408 : i32 to index
      %get3A_409 = tpu.vector_load %arg15[%get3A] {strides = array<i32>} : memref<1664xi32, #tpu.memory_space<vmem>>, vector<16xi32>,
      %get3A_410 = vector.shape_cast %get3A_409 : vector<16xi32> to vector<16xi32>
      %mul3A_411 = arith.constant 8 : i32
      %mul3A_412 = vector.broadcast %mul3A_411 : i32 to vector<16xi32>
      %mul3A_413 = arith.muli %add3A_406, %mul3A_412 : vector<16xi32>
      %add3A_414 = arith.constant 4 : i32
      %add3A_415 = vector.broadcast %add3A_414 : i32 to vector<16xi32>
      %add3A_416 = arith.addi %mul3A_413, %add3A_415 : vector<16xi32>
      %add3A_417 = arith.addi %add3A_416, %get3A_410 : vector<16xi32>
      %swap3A_418 = arith.index_cast %shift_right_arithmetic3A_396 : i32 to index
      %swap3A_419 = arith.index_cast %mul3A_399 : i32 to index
      %swap3A_420 = tpu.vector_load %arg12[%swap3A_418, %swap3A_419] {strides = array<i32>} : memref<98x128xi32, #tpu.memory_space<vmem>>, vector<1x16xi32>,
      %swap3A_421 = vector.shape_cast %swap3A_420 : vector<1x16xi32> to vector<16xi32>
      %swap3A_422 = vector.shape_cast %add3A_417 : vector<16xi32> to vector<1x16xi32>
      tpu.vector_store %arg12[%swap3A_418, %swap3A_419], %swap3A_422 {strides = array<i32>} : memref<98x128xi32, #tpu.memory_space<vmem>>, vector<1x16xi32>,
      %while3A_423 = arith.constant 0 : i32
      scf.yield %while3A_423 : i32
    }
    %while3A_165 = arith.constant 1 : i32
    %while3A_166 = scf.for %while3A_394 = %while3A_162 to %while3A_158 step %while3A_165 iter_args(%while3A_395 = %while3A_164) -> (i32)  : i32 {
      %shift_right_arithmetic3A = arith.constant 3 : i32
      %shift_right_arithmetic3A_396 = arith.shrsi %while3A_394, %shift_right_arithmetic3A : i32
      %and3A = arith.constant 7 : i32
      %and3A_397 = arith.andi %while3A_394, %and3A : i32
      %mul3A_398 = arith.constant 16 : i32
      %mul3A_399 = arith.muli %and3A_397, %mul3A_398 : i32
      %mul3A_400 = arith.constant 128 : i32
      %mul3A_401 = arith.muli %add3A_151, %mul3A_400 : i32
      %mul3A_402 = arith.constant 16 : i32
      %mul3A_403 = arith.muli %while3A_394, %mul3A_402 : i32
      %add3A_404 = arith.addi %mul3A_401, %mul3A_403 : i32
      %add3A_405 = vector.broadcast %add3A_404 : i32 to vector<16xi32>
      %add3A_406 = arith.addi %add3A_405, %iota3A : vector<16xi32>
      %mul3A_407 = arith.constant 16 : i32
      %mul3A_408 = arith.muli %while3A_394, %mul3A_407 : i32
      %get3A = arith.index_cast %mul3A_408 : i32 to index
      %get3A_409 = tpu.vector_load %arg15[%get3A] {strides = array<i32>} : memref<1664xi32, #tpu.memory_space<vmem>>, vector<16xi32>,
      %get3A_410 = vector.shape_cast %get3A_409 : vector<16xi32> to vector<16xi32>
      %mul3A_411 = arith.constant 8 : i32
      %mul3A_412 = vector.broadcast %mul3A_411 : i32 to vector<16xi32>
      %mul3A_413 = arith.muli %add3A_406, %mul3A_412 : vector<16xi32>
      %add3A_414 = arith.constant 4 : i32
      %add3A_415 = vector.broadcast %add3A_414 : i32 to vector<16xi32>
      %add3A_416 = arith.addi %mul3A_413, %add3A_415 : vector<16xi32>
      %add3A_417 = arith.addi %add3A_416, %get3A_410 : vector<16xi32>
      %swap3A_418 = arith.index_cast %shift_right_arithmetic3A_396 : i32 to index
      %swap3A_419 = arith.index_cast %mul3A_399 : i32 to index
      %swap3A_420 = tpu.vector_load %arg12[%swap3A_418, %swap3A_419] {strides = array<i32>} : memref<98x128xi32, #tpu.memory_space<vmem>>, vector<1x16xi32>,
      %swap3A_421 = vector.shape_cast %swap3A_420 : vector<1x16xi32> to vector<16xi32>
      %swap3A_422 = vector.shape_cast %add3A_417 : vector<16xi32> to vector<1x16xi32>
      tpu.vector_store %arg12[%swap3A_418, %swap3A_419], %swap3A_422 {strides = array<i32>} : memref<98x128xi32, #tpu.memory_space<vmem>>, vector<1x16xi32>,
      %while3A_423 = arith.constant 0 : i32
      scf.yield %while3A_423 : i32
    }
    %while3A_167 = arith.constant 0 : i32
    %while3A_168 = arith.constant 0 : i32
    %while3A_169 = arith.subi %select_n3A, %while3A_167 : i32
    %while3A_170 = arith.addi %while3A_167, %while3A_169 : i32
    %while3A_171 = arith.constant 1 : i32
    %while3A_172 = arith.divsi %while3A_169, %while3A_171 : i32
    %while3A_173 = arith.muli %while3A_172, %while3A_171 : i32
    %while3A_174 = arith.addi %while3A_167, %while3A_173 : i32
    %while3A_175 = arith.constant 1 : i32
    %while3A_176 = scf.for %while3A_394 = %while3A_167 to %while3A_174 step %while3A_175 iter_args(%while3A_395 = %while3A_168) -> (i32)  : i32 {
      %dma_start3A = arith.constant 0 : i32
      %dma_start3A_396 = tpu.memref_slice %arg14[%dma_start3A] : memref<6272xf32, #tpu.memory_space<vmem>> -> memref<128xf32, #tpu.memory_space<vmem>>
      %dma_start3A_397 = arith.constant 0 : i32
      %dma_start3A_398 = tpu.memref_slice %arg12[%while3A_394, %dma_start3A_397] : memref<98x128xi32, #tpu.memory_space<vmem>> -> memref<1x128xi32, #tpu.memory_space<vmem>>
      %dma_start3A_399 = tpu.memref_squeeze %dma_start3A_398 : memref<1x128xi32, #tpu.memory_space<vmem>> -> memref<128xi32, #tpu.memory_space<vmem>>
      %dma_start3A_400 = arith.constant 0 : i32
      %dma_start3A_401 = tpu.memref_slice %arg17[%dma_start3A_400] : memref<401408xf32, #tpu.memory_space<vmem_shared>> -> memref<401408xf32, #tpu.memory_space<vmem_shared>>
      tpu.enqueue_indirect_dma source(%dma_start3A_396 : memref<128xf32, #tpu.memory_space<vmem>>) target(%dma_start3A_401 : memref<401408xf32, #tpu.memory_space<vmem_shared>>) offsets(%dma_start3A_399 : memref<128xi32, #tpu.memory_space<vmem>>) semaphore(%arg19 : memref<!tpu.dma_semaphore, #tpu.memory_space<semaphore_mem>>) {add = true}
      %while3A_402 = arith.constant 0 : i32
      scf.yield %while3A_402 : i32
    }
    %while3A_177 = arith.constant 1 : i32
    %while3A_178 = scf.for %while3A_394 = %while3A_174 to %while3A_170 step %while3A_177 iter_args(%while3A_395 = %while3A_176) -> (i32)  : i32 {
      %dma_start3A = arith.constant 0 : i32
      %dma_start3A_396 = tpu.memref_slice %arg14[%dma_start3A] : memref<6272xf32, #tpu.memory_space<vmem>> -> memref<128xf32, #tpu.memory_space<vmem>>
      %dma_start3A_397 = arith.constant 0 : i32
      %dma_start3A_398 = tpu.memref_slice %arg12[%while3A_394, %dma_start3A_397] : memref<98x128xi32, #tpu.memory_space<vmem>> -> memref<1x128xi32, #tpu.memory_space<vmem>>
      %dma_start3A_399 = tpu.memref_squeeze %dma_start3A_398 : memref<1x128xi32, #tpu.memory_space<vmem>> -> memref<128xi32, #tpu.memory_space<vmem>>
      %dma_start3A_400 = arith.constant 0 : i32
      %dma_start3A_401 = tpu.memref_slice %arg17[%dma_start3A_400] : memref<401408xf32, #tpu.memory_space<vmem_shared>> -> memref<401408xf32, #tpu.memory_space<vmem_shared>>
      tpu.enqueue_indirect_dma source(%dma_start3A_396 : memref<128xf32, #tpu.memory_space<vmem>>) target(%dma_start3A_401 : memref<401408xf32, #tpu.memory_space<vmem_shared>>) offsets(%dma_start3A_399 : memref<128xi32, #tpu.memory_space<vmem>>) semaphore(%arg19 : memref<!tpu.dma_semaphore, #tpu.memory_space<semaphore_mem>>) {add = true}
      %while3A_402 = arith.constant 0 : i32
      scf.yield %while3A_402 : i32
    }
    %while3A_179 = arith.constant 0 : i32
    %while3A_180 = arith.constant 0 : i32
    %while3A_181 = arith.subi %select_n3A, %while3A_179 : i32
    %while3A_182 = arith.addi %while3A_179, %while3A_181 : i32
    %while3A_183 = arith.constant 1 : i32
    %while3A_184 = arith.divsi %while3A_181, %while3A_183 : i32
    %while3A_185 = arith.muli %while3A_184, %while3A_183 : i32
    %while3A_186 = arith.addi %while3A_179, %while3A_185 : i32
    %while3A_187 = arith.constant 1 : i32
    %while3A_188 = scf.for %while3A_394 = %while3A_179 to %while3A_186 step %while3A_187 iter_args(%while3A_395 = %while3A_180) -> (i32)  : i32 {
      %dma_wait3A = arith.constant 0 : i32
      %dma_wait3A_396 = arith.constant 0 : i32
      %dma_wait3A_397 = tpu.memref_slice %arg14[%dma_wait3A_396] : memref<6272xf32, #tpu.memory_space<vmem>> -> memref<128xf32, #tpu.memory_space<vmem>>
      %dma_wait3A_398 = arith.constant 0 : i32
      %dma_wait3A_399 = tpu.memref_slice %arg12[%dma_wait3A, %dma_wait3A_398] : memref<98x128xi32, #tpu.memory_space<vmem>> -> memref<1x128xi32, #tpu.memory_space<vmem>>
      %dma_wait3A_400 = tpu.memref_squeeze %dma_wait3A_399 : memref<1x128xi32, #tpu.memory_space<vmem>> -> memref<128xi32, #tpu.memory_space<vmem>>
      %dma_wait3A_401 = arith.constant 0 : i32
      %dma_wait3A_402 = tpu.memref_slice %arg17[%dma_wait3A_401] : memref<401408xf32, #tpu.memory_space<vmem_shared>> -> memref<401408xf32, #tpu.memory_space<vmem_shared>>
      tpu.wait_indirect_dma semaphore(%arg19 : memref<!tpu.dma_semaphore, #tpu.memory_space<semaphore_mem>>) src(%dma_wait3A_397 : memref<128xf32, #tpu.memory_space<vmem>>) dst(%dma_wait3A_402 : memref<401408xf32, #tpu.memory_space<vmem_shared>>)
      %while3A_403 = arith.constant 0 : i32
      scf.yield %while3A_403 : i32
    }
    %while3A_189 = arith.constant 1 : i32
    %while3A_190 = scf.for %while3A_394 = %while3A_186 to %while3A_182 step %while3A_189 iter_args(%while3A_395 = %while3A_188) -> (i32)  : i32 {
      %dma_wait3A = arith.constant 0 : i32
      %dma_wait3A_396 = arith.constant 0 : i32
      %dma_wait3A_397 = tpu.memref_slice %arg14[%dma_wait3A_396] : memref<6272xf32, #tpu.memory_space<vmem>> -> memref<128xf32, #tpu.memory_space<vmem>>
      %dma_wait3A_398 = arith.constant 0 : i32
      %dma_wait3A_399 = tpu.memref_slice %arg12[%dma_wait3A, %dma_wait3A_398] : memref<98x128xi32, #tpu.memory_space<vmem>> -> memref<1x128xi32, #tpu.memory_space<vmem>>
      %dma_wait3A_400 = tpu.memref_squeeze %dma_wait3A_399 : memref<1x128xi32, #tpu.memory_space<vmem>> -> memref<128xi32, #tpu.memory_space<vmem>>
      %dma_wait3A_401 = arith.constant 0 : i32
      %dma_wait3A_402 = tpu.memref_slice %arg17[%dma_wait3A_401] : memref<401408xf32, #tpu.memory_space<vmem_shared>> -> memref<401408xf32, #tpu.memory_space<vmem_shared>>
      tpu.wait_indirect_dma semaphore(%arg19 : memref<!tpu.dma_semaphore, #tpu.memory_space<semaphore_mem>>) src(%dma_wait3A_397 : memref<128xf32, #tpu.memory_space<vmem>>) dst(%dma_wait3A_402 : memref<401408xf32, #tpu.memory_space<vmem_shared>>)
      %while3A_403 = arith.constant 0 : i32
      scf.yield %while3A_403 : i32
    }
    %add3A_191 = vector.broadcast %mul3A_2 : i32 to vector<16xi32>
    %add3A_192 = arith.addi %add3A_191, %scan3A_109 : vector<16xi32>
    %add3A_193 = arith.addi %add3A_192, %iota3A : vector<16xi32>
    %add3A_194 = arith.constant 0 : i32
    %add3A_195 = vector.broadcast %add3A_194 : i32 to vector<16xi32>
    %add3A_196 = arith.addi %add3A_193, %add3A_195 : vector<16xi32>
    %swap3A = arith.constant 0 : i32
    %swap3A_197 = arith.index_cast %swap3A : i32 to index
    %swap3A_198 = arith.constant 0 : index
    %swap3A_199 = tpu.vector_load %arg12[%swap3A_197, %swap3A_198] {strides = array<i32>} : memref<98x128xi32, #tpu.memory_space<vmem>>, vector<1x16xi32>,
    %swap3A_200 = vector.shape_cast %swap3A_199 : vector<1x16xi32> to vector<16xi32>
    %swap3A_201 = vector.shape_cast %add3A_196 : vector<16xi32> to vector<1x16xi32>
    tpu.vector_store %arg12[%swap3A_197, %swap3A_198], %swap3A_201 {strides = array<i32>} : memref<98x128xi32, #tpu.memory_space<vmem>>, vector<1x16xi32>,
    %broadcast_in_dim3A_202 = arith.constant 8192 : i32
    %broadcast_in_dim3A_203 = vector.broadcast %broadcast_in_dim3A_202 : i32 to vector<16xi32>
    %swap3A_204 = arith.constant 0 : i32
    %swap3A_205 = arith.index_cast %swap3A_204 : i32 to index
    %swap3A_206 = arith.constant 0 : index
    %swap3A_207 = tpu.vector_load %arg13[%swap3A_205, %swap3A_206] {strides = array<i32>} : memref<98x128xi32, #tpu.memory_space<vmem>>, vector<1x16xi32>,
    %swap3A_208 = vector.shape_cast %swap3A_207 : vector<1x16xi32> to vector<16xi32>
    %swap3A_209 = vector.shape_cast %broadcast_in_dim3A_203 : vector<16xi32> to vector<1x16xi32>
    tpu.vector_store %arg13[%swap3A_205, %swap3A_206], %swap3A_209 {strides = array<i32>} : memref<98x128xi32, #tpu.memory_space<vmem>>, vector<1x16xi32>,
    %add3A_210 = vector.broadcast %mul3A_2 : i32 to vector<16xi32>
    %add3A_211 = arith.addi %add3A_210, %scan3A_109 : vector<16xi32>
    %add3A_212 = arith.addi %add3A_211, %iota3A : vector<16xi32>
    %add3A_213 = arith.constant 16 : i32
    %add3A_214 = vector.broadcast %add3A_213 : i32 to vector<16xi32>
    %add3A_215 = arith.addi %add3A_212, %add3A_214 : vector<16xi32>
    %swap3A_216 = arith.constant 0 : i32
    %swap3A_217 = arith.index_cast %swap3A_216 : i32 to index
    %swap3A_218 = arith.constant 16 : index
    %swap3A_219 = tpu.vector_load %arg12[%swap3A_217, %swap3A_218] {strides = array<i32>} : memref<98x128xi32, #tpu.memory_space<vmem>>, vector<1x16xi32>,
    %swap3A_220 = vector.shape_cast %swap3A_219 : vector<1x16xi32> to vector<16xi32>
    %swap3A_221 = vector.shape_cast %add3A_215 : vector<16xi32> to vector<1x16xi32>
    tpu.vector_store %arg12[%swap3A_217, %swap3A_218], %swap3A_221 {strides = array<i32>} : memref<98x128xi32, #tpu.memory_space<vmem>>, vector<1x16xi32>,
    %broadcast_in_dim3A_222 = arith.constant 8192 : i32
    %broadcast_in_dim3A_223 = vector.broadcast %broadcast_in_dim3A_222 : i32 to vector<16xi32>
    %swap3A_224 = arith.constant 0 : i32
    %swap3A_225 = arith.index_cast %swap3A_224 : i32 to index
    %swap3A_226 = arith.constant 16 : index
    %swap3A_227 = tpu.vector_load %arg13[%swap3A_225, %swap3A_226] {strides = array<i32>} : memref<98x128xi32, #tpu.memory_space<vmem>>, vector<1x16xi32>,
    %swap3A_228 = vector.shape_cast %swap3A_227 : vector<1x16xi32> to vector<16xi32>
    %swap3A_229 = vector.shape_cast %broadcast_in_dim3A_223 : vector<16xi32> to vector<1x16xi32>
    tpu.vector_store %arg13[%swap3A_225, %swap3A_226], %swap3A_229 {strides = array<i32>} : memref<98x128xi32, #tpu.memory_space<vmem>>, vector<1x16xi32>,
    %add3A_230 = vector.broadcast %mul3A_2 : i32 to vector<16xi32>
    %add3A_231 = arith.addi %add3A_230, %scan3A_109 : vector<16xi32>
    %add3A_232 = arith.addi %add3A_231, %iota3A : vector<16xi32>
    %add3A_233 = arith.constant 32 : i32
    %add3A_234 = vector.broadcast %add3A_233 : i32 to vector<16xi32>
    %add3A_235 = arith.addi %add3A_232, %add3A_234 : vector<16xi32>
    %swap3A_236 = arith.constant 0 : i32
    %swap3A_237 = arith.index_cast %swap3A_236 : i32 to index
    %swap3A_238 = arith.constant 32 : index
    %swap3A_239 = tpu.vector_load %arg12[%swap3A_237, %swap3A_238] {strides = array<i32>} : memref<98x128xi32, #tpu.memory_space<vmem>>, vector<1x16xi32>,
    %swap3A_240 = vector.shape_cast %swap3A_239 : vector<1x16xi32> to vector<16xi32>
    %swap3A_241 = vector.shape_cast %add3A_235 : vector<16xi32> to vector<1x16xi32>
    tpu.vector_store %arg12[%swap3A_237, %swap3A_238], %swap3A_241 {strides = array<i32>} : memref<98x128xi32, #tpu.memory_space<vmem>>, vector<1x16xi32>,
    %broadcast_in_dim3A_242 = arith.constant 8192 : i32
    %broadcast_in_dim3A_243 = vector.broadcast %broadcast_in_dim3A_242 : i32 to vector<16xi32>
    %swap3A_244 = arith.constant 0 : i32
    %swap3A_245 = arith.index_cast %swap3A_244 : i32 to index
    %swap3A_246 = arith.constant 32 : index
    %swap3A_247 = tpu.vector_load %arg13[%swap3A_245, %swap3A_246] {strides = array<i32>} : memref<98x128xi32, #tpu.memory_space<vmem>>, vector<1x16xi32>,
    %swap3A_248 = vector.shape_cast %swap3A_247 : vector<1x16xi32> to vector<16xi32>
    %swap3A_249 = vector.shape_cast %broadcast_in_dim3A_243 : vector<16xi32> to vector<1x16xi32>
    tpu.vector_store %arg13[%swap3A_245, %swap3A_246], %swap3A_249 {strides = array<i32>} : memref<98x128xi32, #tpu.memory_space<vmem>>, vector<1x16xi32>,
    %add3A_250 = vector.broadcast %mul3A_2 : i32 to vector<16xi32>
    %add3A_251 = arith.addi %add3A_250, %scan3A_109 : vector<16xi32>
    %add3A_252 = arith.addi %add3A_251, %iota3A : vector<16xi32>
    %add3A_253 = arith.constant 48 : i32
    %add3A_254 = vector.broadcast %add3A_253 : i32 to vector<16xi32>
    %add3A_255 = arith.addi %add3A_252, %add3A_254 : vector<16xi32>
    %swap3A_256 = arith.constant 0 : i32
    %swap3A_257 = arith.index_cast %swap3A_256 : i32 to index
    %swap3A_258 = arith.constant 48 : index
    %swap3A_259 = tpu.vector_load %arg12[%swap3A_257, %swap3A_258] {strides = array<i32>} : memref<98x128xi32, #tpu.memory_space<vmem>>, vector<1x16xi32>,
    %swap3A_260 = vector.shape_cast %swap3A_259 : vector<1x16xi32> to vector<16xi32>
    %swap3A_261 = vector.shape_cast %add3A_255 : vector<16xi32> to vector<1x16xi32>
    tpu.vector_store %arg12[%swap3A_257, %swap3A_258], %swap3A_261 {strides = array<i32>} : memref<98x128xi32, #tpu.memory_space<vmem>>, vector<1x16xi32>,
    %broadcast_in_dim3A_262 = arith.constant 8192 : i32
    %broadcast_in_dim3A_263 = vector.broadcast %broadcast_in_dim3A_262 : i32 to vector<16xi32>
    %swap3A_264 = arith.constant 0 : i32
    %swap3A_265 = arith.index_cast %swap3A_264 : i32 to index
    %swap3A_266 = arith.constant 48 : index
    %swap3A_267 = tpu.vector_load %arg13[%swap3A_265, %swap3A_266] {strides = array<i32>} : memref<98x128xi32, #tpu.memory_space<vmem>>, vector<1x16xi32>,
    %swap3A_268 = vector.shape_cast %swap3A_267 : vector<1x16xi32> to vector<16xi32>
    %swap3A_269 = vector.shape_cast %broadcast_in_dim3A_263 : vector<16xi32> to vector<1x16xi32>
    tpu.vector_store %arg13[%swap3A_265, %swap3A_266], %swap3A_269 {strides = array<i32>} : memref<98x128xi32, #tpu.memory_space<vmem>>, vector<1x16xi32>,
    %add3A_270 = vector.broadcast %mul3A_2 : i32 to vector<16xi32>
    %add3A_271 = arith.addi %add3A_270, %scan3A_109 : vector<16xi32>
    %add3A_272 = arith.addi %add3A_271, %iota3A : vector<16xi32>
    %add3A_273 = arith.constant 64 : i32
    %add3A_274 = vector.broadcast %add3A_273 : i32 to vector<16xi32>
    %add3A_275 = arith.addi %add3A_272, %add3A_274 : vector<16xi32>
    %swap3A_276 = arith.constant 0 : i32
    %swap3A_277 = arith.index_cast %swap3A_276 : i32 to index
    %swap3A_278 = arith.constant 64 : index
    %swap3A_279 = tpu.vector_load %arg12[%swap3A_277, %swap3A_278] {strides = array<i32>} : memref<98x128xi32, #tpu.memory_space<vmem>>, vector<1x16xi32>,
    %swap3A_280 = vector.shape_cast %swap3A_279 : vector<1x16xi32> to vector<16xi32>
    %swap3A_281 = vector.shape_cast %add3A_275 : vector<16xi32> to vector<1x16xi32>
    tpu.vector_store %arg12[%swap3A_277, %swap3A_278], %swap3A_281 {strides = array<i32>} : memref<98x128xi32, #tpu.memory_space<vmem>>, vector<1x16xi32>,
    %broadcast_in_dim3A_282 = arith.constant 8192 : i32
    %broadcast_in_dim3A_283 = vector.broadcast %broadcast_in_dim3A_282 : i32 to vector<16xi32>
    %swap3A_284 = arith.constant 0 : i32
    %swap3A_285 = arith.index_cast %swap3A_284 : i32 to index
    %swap3A_286 = arith.constant 64 : index
    %swap3A_287 = tpu.vector_load %arg13[%swap3A_285, %swap3A_286] {strides = array<i32>} : memref<98x128xi32, #tpu.memory_space<vmem>>, vector<1x16xi32>,
    %swap3A_288 = vector.shape_cast %swap3A_287 : vector<1x16xi32> to vector<16xi32>
    %swap3A_289 = vector.shape_cast %broadcast_in_dim3A_283 : vector<16xi32> to vector<1x16xi32>
    tpu.vector_store %arg13[%swap3A_285, %swap3A_286], %swap3A_289 {strides = array<i32>} : memref<98x128xi32, #tpu.memory_space<vmem>>, vector<1x16xi32>,
    %add3A_290 = vector.broadcast %mul3A_2 : i32 to vector<16xi32>
    %add3A_291 = arith.addi %add3A_290, %scan3A_109 : vector<16xi32>
    %add3A_292 = arith.addi %add3A_291, %iota3A : vector<16xi32>
    %add3A_293 = arith.constant 80 : i32
    %add3A_294 = vector.broadcast %add3A_293 : i32 to vector<16xi32>
    %add3A_295 = arith.addi %add3A_292, %add3A_294 : vector<16xi32>
    %swap3A_296 = arith.constant 0 : i32
    %swap3A_297 = arith.index_cast %swap3A_296 : i32 to index
    %swap3A_298 = arith.constant 80 : index
    %swap3A_299 = tpu.vector_load %arg12[%swap3A_297, %swap3A_298] {strides = array<i32>} : memref<98x128xi32, #tpu.memory_space<vmem>>, vector<1x16xi32>,
    %swap3A_300 = vector.shape_cast %swap3A_299 : vector<1x16xi32> to vector<16xi32>
    %swap3A_301 = vector.shape_cast %add3A_295 : vector<16xi32> to vector<1x16xi32>
    tpu.vector_store %arg12[%swap3A_297, %swap3A_298], %swap3A_301 {strides = array<i32>} : memref<98x128xi32, #tpu.memory_space<vmem>>, vector<1x16xi32>,
    %broadcast_in_dim3A_302 = arith.constant 8192 : i32
    %broadcast_in_dim3A_303 = vector.broadcast %broadcast_in_dim3A_302 : i32 to vector<16xi32>
    %swap3A_304 = arith.constant 0 : i32
    %swap3A_305 = arith.index_cast %swap3A_304 : i32 to index
    %swap3A_306 = arith.constant 80 : index
    %swap3A_307 = tpu.vector_load %arg13[%swap3A_305, %swap3A_306] {strides = array<i32>} : memref<98x128xi32, #tpu.memory_space<vmem>>, vector<1x16xi32>,
    %swap3A_308 = vector.shape_cast %swap3A_307 : vector<1x16xi32> to vector<16xi32>
    %swap3A_309 = vector.shape_cast %broadcast_in_dim3A_303 : vector<16xi32> to vector<1x16xi32>
    tpu.vector_store %arg13[%swap3A_305, %swap3A_306], %swap3A_309 {strides = array<i32>} : memref<98x128xi32, #tpu.memory_space<vmem>>, vector<1x16xi32>,
    %add3A_310 = vector.broadcast %mul3A_2 : i32 to vector<16xi32>
    %add3A_311 = arith.addi %add3A_310, %scan3A_109 : vector<16xi32>
    %add3A_312 = arith.addi %add3A_311, %iota3A : vector<16xi32>
    %add3A_313 = arith.constant 96 : i32
    %add3A_314 = vector.broadcast %add3A_313 : i32 to vector<16xi32>
    %add3A_315 = arith.addi %add3A_312, %add3A_314 : vector<16xi32>
    %swap3A_316 = arith.constant 0 : i32
    %swap3A_317 = arith.index_cast %swap3A_316 : i32 to index
    %swap3A_318 = arith.constant 96 : index
    %swap3A_319 = tpu.vector_load %arg12[%swap3A_317, %swap3A_318] {strides = array<i32>} : memref<98x128xi32, #tpu.memory_space<vmem>>, vector<1x16xi32>,
    %swap3A_320 = vector.shape_cast %swap3A_319 : vector<1x16xi32> to vector<16xi32>
    %swap3A_321 = vector.shape_cast %add3A_315 : vector<16xi32> to vector<1x16xi32>
    tpu.vector_store %arg12[%swap3A_317, %swap3A_318], %swap3A_321 {strides = array<i32>} : memref<98x128xi32, #tpu.memory_space<vmem>>, vector<1x16xi32>,
    %broadcast_in_dim3A_322 = arith.constant 8192 : i32
    %broadcast_in_dim3A_323 = vector.broadcast %broadcast_in_dim3A_322 : i32 to vector<16xi32>
    %swap3A_324 = arith.constant 0 : i32
    %swap3A_325 = arith.index_cast %swap3A_324 : i32 to index
    %swap3A_326 = arith.constant 96 : index
    %swap3A_327 = tpu.vector_load %arg13[%swap3A_325, %swap3A_326] {strides = array<i32>} : memref<98x128xi32, #tpu.memory_space<vmem>>, vector<1x16xi32>,
    %swap3A_328 = vector.shape_cast %swap3A_327 : vector<1x16xi32> to vector<16xi32>
    %swap3A_329 = vector.shape_cast %broadcast_in_dim3A_323 : vector<16xi32> to vector<1x16xi32>
    tpu.vector_store %arg13[%swap3A_325, %swap3A_326], %swap3A_329 {strides = array<i32>} : memref<98x128xi32, #tpu.memory_space<vmem>>, vector<1x16xi32>,
    %add3A_330 = vector.broadcast %mul3A_2 : i32 to vector<16xi32>
    %add3A_331 = arith.addi %add3A_330, %scan3A_109 : vector<16xi32>
    %add3A_332 = arith.addi %add3A_331, %iota3A : vector<16xi32>
    %add3A_333 = arith.constant 112 : i32
    %add3A_334 = vector.broadcast %add3A_333 : i32 to vector<16xi32>
    %add3A_335 = arith.addi %add3A_332, %add3A_334 : vector<16xi32>
    %swap3A_336 = arith.constant 0 : i32
    %swap3A_337 = arith.index_cast %swap3A_336 : i32 to index
    %swap3A_338 = arith.constant 112 : index
    %swap3A_339 = tpu.vector_load %arg12[%swap3A_337, %swap3A_338] {strides = array<i32>} : memref<98x128xi32, #tpu.memory_space<vmem>>, vector<1x16xi32>,
    %swap3A_340 = vector.shape_cast %swap3A_339 : vector<1x16xi32> to vector<16xi32>
    %swap3A_341 = vector.shape_cast %add3A_335 : vector<16xi32> to vector<1x16xi32>
    tpu.vector_store %arg12[%swap3A_337, %swap3A_338], %swap3A_341 {strides = array<i32>} : memref<98x128xi32, #tpu.memory_space<vmem>>, vector<1x16xi32>,
    %broadcast_in_dim3A_342 = arith.constant 8192 : i32
    %broadcast_in_dim3A_343 = vector.broadcast %broadcast_in_dim3A_342 : i32 to vector<16xi32>
    %swap3A_344 = arith.constant 0 : i32
    %swap3A_345 = arith.index_cast %swap3A_344 : i32 to index
    %swap3A_346 = arith.constant 112 : index
    %swap3A_347 = tpu.vector_load %arg13[%swap3A_345, %swap3A_346] {strides = array<i32>} : memref<98x128xi32, #tpu.memory_space<vmem>>, vector<1x16xi32>,
    %swap3A_348 = vector.shape_cast %swap3A_347 : vector<1x16xi32> to vector<16xi32>
    %swap3A_349 = vector.shape_cast %broadcast_in_dim3A_343 : vector<16xi32> to vector<1x16xi32>
    tpu.vector_store %arg13[%swap3A_345, %swap3A_346], %swap3A_349 {strides = array<i32>} : memref<98x128xi32, #tpu.memory_space<vmem>>, vector<1x16xi32>,
    %run_scoped3A_350 = arith.constant 0 : i32
    %run_scoped3A_351 = arith.constant 0 : i32
    "tpu.region"() ({
      %run_scoped3A_394 = tpu.sem_alloc : memref<!tpu.dma_semaphore, #tpu.memory_space<semaphore_mem>>
      %dma_start3A = arith.constant 0 : i32
      %dma_start3A_395 = tpu.memref_slice %arg13[%run_scoped3A_350, %dma_start3A] : memref<98x128xi32, #tpu.memory_space<vmem>> -> memref<1x128xi32, #tpu.memory_space<vmem>>
      %dma_start3A_396 = tpu.memref_squeeze %dma_start3A_395 : memref<1x128xi32, #tpu.memory_space<vmem>> -> memref<128xi32, #tpu.memory_space<vmem>>
      %dma_start3A_397 = arith.constant 0 : i32
      %dma_start3A_398 = tpu.memref_slice %arg12[%run_scoped3A_351, %dma_start3A_397] : memref<98x128xi32, #tpu.memory_space<vmem>> -> memref<1x128xi32, #tpu.memory_space<vmem>>
      %dma_start3A_399 = tpu.memref_squeeze %dma_start3A_398 : memref<1x128xi32, #tpu.memory_space<vmem>> -> memref<128xi32, #tpu.memory_space<vmem>>
      %dma_start3A_400 = arith.constant 0 : i32
      %dma_start3A_401 = tpu.memref_slice %arg18[%dma_start3A_400] : memref<403456xi32, #tpu.memory_space<vmem_shared>> -> memref<403456xi32, #tpu.memory_space<vmem_shared>>
      tpu.enqueue_indirect_dma source(%dma_start3A_396 : memref<128xi32, #tpu.memory_space<vmem>>) target(%dma_start3A_401 : memref<403456xi32, #tpu.memory_space<vmem_shared>>) offsets(%dma_start3A_399 : memref<128xi32, #tpu.memory_space<vmem>>) semaphore(%run_scoped3A_394 : memref<!tpu.dma_semaphore, #tpu.memory_space<semaphore_mem>>)
      %dma_wait3A = arith.constant 0 : i32
      %dma_wait3A_402 = tpu.memref_slice %arg13[%run_scoped3A_350, %dma_wait3A] : memref<98x128xi32, #tpu.memory_space<vmem>> -> memref<1x128xi32, #tpu.memory_space<vmem>>
      %dma_wait3A_403 = tpu.memref_squeeze %dma_wait3A_402 : memref<1x128xi32, #tpu.memory_space<vmem>> -> memref<128xi32, #tpu.memory_space<vmem>>
      %dma_wait3A_404 = arith.constant 0 : i32
      %dma_wait3A_405 = tpu.memref_slice %arg12[%run_scoped3A_351, %dma_wait3A_404] : memref<98x128xi32, #tpu.memory_space<vmem>> -> memref<1x128xi32, #tpu.memory_space<vmem>>
      %dma_wait3A_406 = tpu.memref_squeeze %dma_wait3A_405 : memref<1x128xi32, #tpu.memory_space<vmem>> -> memref<128xi32, #tpu.memory_space<vmem>>
      %dma_wait3A_407 = arith.constant 0 : i32
      %dma_wait3A_408 = tpu.memref_slice %arg18[%dma_wait3A_407] : memref<403456xi32, #tpu.memory_space<vmem_shared>> -> memref<403456xi32, #tpu.memory_space<vmem_shared>>
      tpu.wait_indirect_dma semaphore(%run_scoped3A_394 : memref<!tpu.dma_semaphore, #tpu.memory_space<semaphore_mem>>) src(%dma_wait3A_403 : memref<128xi32, #tpu.memory_space<vmem>>) dst(%dma_wait3A_408 : memref<403456xi32, #tpu.memory_space<vmem_shared>>)
      tpu.yield
    }) : () -> ()
    %add3A_352 = arith.constant 127 : i32
    %add3A_353 = vector.broadcast %add3A_352 : i32 to vector<16xi32>
    %add3A_354 = arith.addi %scan3A_109, %add3A_353 : vector<16xi32>
    %shift_right_logical3A = arith.constant 7 : i32
    %shift_right_logical3A_355 = vector.broadcast %shift_right_logical3A : i32 to vector<16xi32>
    %shift_right_logical3A_356 = arith.shrui %add3A_354, %shift_right_logical3A_355 : vector<16xi32>
    %swap3A_357 = arith.constant 0 : index
    %swap3A_358 = tpu.vector_load %arg16[%swap3A_357] {strides = array<i32>} : memref<128xi32, #tpu.memory_space<vmem>>, vector<16xi32>,
    %swap3A_359 = vector.shape_cast %swap3A_358 : vector<16xi32> to vector<16xi32>
    %swap3A_360 = vector.shape_cast %shift_right_logical3A_356 : vector<16xi32> to vector<16xi32>
    tpu.vector_store %arg16[%swap3A_357], %swap3A_360 {strides = array<i32>} : memref<128xi32, #tpu.memory_space<vmem>>, vector<16xi32>,
    %swap3A_361 = arith.constant 16 : index
    %swap3A_362 = tpu.vector_load %arg16[%swap3A_361] {strides = array<i32>} : memref<128xi32, #tpu.memory_space<vmem>>, vector<16xi32>,
    %swap3A_363 = vector.shape_cast %swap3A_362 : vector<16xi32> to vector<16xi32>
    %swap3A_364 = vector.shape_cast %shift_right_logical3A_356 : vector<16xi32> to vector<16xi32>
    tpu.vector_store %arg16[%swap3A_361], %swap3A_364 {strides = array<i32>} : memref<128xi32, #tpu.memory_space<vmem>>, vector<16xi32>,
    %swap3A_365 = arith.constant 32 : index
    %swap3A_366 = tpu.vector_load %arg16[%swap3A_365] {strides = array<i32>} : memref<128xi32, #tpu.memory_space<vmem>>, vector<16xi32>,
    %swap3A_367 = vector.shape_cast %swap3A_366 : vector<16xi32> to vector<16xi32>
    %swap3A_368 = vector.shape_cast %shift_right_logical3A_356 : vector<16xi32> to vector<16xi32>
    tpu.vector_store %arg16[%swap3A_365], %swap3A_368 {strides = array<i32>} : memref<128xi32, #tpu.memory_space<vmem>>, vector<16xi32>,
    %swap3A_369 = arith.constant 48 : index
    %swap3A_370 = tpu.vector_load %arg16[%swap3A_369] {strides = array<i32>} : memref<128xi32, #tpu.memory_space<vmem>>, vector<16xi32>,
    %swap3A_371 = vector.shape_cast %swap3A_370 : vector<16xi32> to vector<16xi32>
    %swap3A_372 = vector.shape_cast %shift_right_logical3A_356 : vector<16xi32> to vector<16xi32>
    tpu.vector_store %arg16[%swap3A_369], %swap3A_372 {strides = array<i32>} : memref<128xi32, #tpu.memory_space<vmem>>, vector<16xi32>,
    %swap3A_373 = arith.constant 64 : index
    %swap3A_374 = tpu.vector_load %arg16[%swap3A_373] {strides = array<i32>} : memref<128xi32, #tpu.memory_space<vmem>>, vector<16xi32>,
    %swap3A_375 = vector.shape_cast %swap3A_374 : vector<16xi32> to vector<16xi32>
    %swap3A_376 = vector.shape_cast %shift_right_logical3A_356 : vector<16xi32> to vector<16xi32>
    tpu.vector_store %arg16[%swap3A_373], %swap3A_376 {strides = array<i32>} : memref<128xi32, #tpu.memory_space<vmem>>, vector<16xi32>,
    %swap3A_377 = arith.constant 80 : index
    %swap3A_378 = tpu.vector_load %arg16[%swap3A_377] {strides = array<i32>} : memref<128xi32, #tpu.memory_space<vmem>>, vector<16xi32>,
    %swap3A_379 = vector.shape_cast %swap3A_378 : vector<16xi32> to vector<16xi32>
    %swap3A_380 = vector.shape_cast %shift_right_logical3A_356 : vector<16xi32> to vector<16xi32>
    tpu.vector_store %arg16[%swap3A_377], %swap3A_380 {strides = array<i32>} : memref<128xi32, #tpu.memory_space<vmem>>, vector<16xi32>,
    %swap3A_381 = arith.constant 96 : index
    %swap3A_382 = tpu.vector_load %arg16[%swap3A_381] {strides = array<i32>} : memref<128xi32, #tpu.memory_space<vmem>>, vector<16xi32>,
    %swap3A_383 = vector.shape_cast %swap3A_382 : vector<16xi32> to vector<16xi32>
    %swap3A_384 = vector.shape_cast %shift_right_logical3A_356 : vector<16xi32> to vector<16xi32>
    tpu.vector_store %arg16[%swap3A_381], %swap3A_384 {strides = array<i32>} : memref<128xi32, #tpu.memory_space<vmem>>, vector<16xi32>,
    %swap3A_385 = arith.constant 112 : index
    %swap3A_386 = tpu.vector_load %arg16[%swap3A_385] {strides = array<i32>} : memref<128xi32, #tpu.memory_space<vmem>>, vector<16xi32>,
    %swap3A_387 = vector.shape_cast %swap3A_386 : vector<16xi32> to vector<16xi32>
    %swap3A_388 = vector.shape_cast %shift_right_logical3A_356 : vector<16xi32> to vector<16xi32>
    tpu.vector_store %arg16[%swap3A_385], %swap3A_388 {strides = array<i32>} : memref<128xi32, #tpu.memory_space<vmem>>, vector<16xi32>,
    "tpu.region"() ({
      %run_scoped3A_394 = tpu.sem_alloc : memref<!tpu.dma_semaphore, #tpu.memory_space<semaphore_mem>>
      %dma_start3A = arith.constant 0 : i32
      %dma_start3A_395 = tpu.memref_slice %arg8[%add3A, %dma_start3A] : memref<32x128xi32, #tpu.memory_space<hbm>> -> memref<1x128xi32, #tpu.memory_space<hbm>>
      %dma_start3A_396 = tpu.memref_squeeze %dma_start3A_395 : memref<1x128xi32, #tpu.memory_space<hbm>> -> memref<128xi32, #tpu.memory_space<hbm>>
      %dma_start3A_397 = arith.constant 0 : i32
      %dma_start3A_398 = tpu.memref_slice %arg8[%add3A, %dma_start3A_397] : memref<32x128xi32, #tpu.memory_space<hbm>> -> memref<1x128xi32, #tpu.memory_space<hbm>>
      %dma_start3A_399 = tpu.memref_squeeze %dma_start3A_398 : memref<1x128xi32, #tpu.memory_space<hbm>> -> memref<128xi32, #tpu.memory_space<hbm>>
      tpu.enqueue_dma source(%arg16 : memref<128xi32, #tpu.memory_space<vmem>>) target(%dma_start3A_399 : memref<128xi32, #tpu.memory_space<hbm>>) target_semaphore(%run_scoped3A_394 : memref<!tpu.dma_semaphore, #tpu.memory_space<semaphore_mem>>)
      %dma_wait3A = arith.constant 0 : i32
      %dma_wait3A_400 = tpu.memref_slice %arg8[%add3A, %dma_wait3A] : memref<32x128xi32, #tpu.memory_space<hbm>> -> memref<1x128xi32, #tpu.memory_space<hbm>>
      %dma_wait3A_401 = tpu.memref_squeeze %dma_wait3A_400 : memref<1x128xi32, #tpu.memory_space<hbm>> -> memref<128xi32, #tpu.memory_space<hbm>>
      %dma_wait3A_402 = arith.constant 0 : i32
      %dma_wait3A_403 = tpu.memref_slice %arg8[%add3A, %dma_wait3A_402] : memref<32x128xi32, #tpu.memory_space<hbm>> -> memref<1x128xi32, #tpu.memory_space<hbm>>
      %dma_wait3A_404 = tpu.memref_squeeze %dma_wait3A_403 : memref<1x128xi32, #tpu.memory_space<hbm>> -> memref<128xi32, #tpu.memory_space<hbm>>
      tpu.wait_dma2 semaphore(%run_scoped3A_394 : memref<!tpu.dma_semaphore, #tpu.memory_space<semaphore_mem>>) src(%arg16 : memref<128xi32, #tpu.memory_space<vmem>>) dst(%dma_wait3A_404 : memref<128xi32, #tpu.memory_space<hbm>>)
      tpu.yield
    }) : () -> ()
    "tpu.region"() ({
      %run_scoped3A_394 = tpu.sem_alloc : memref<!tpu.dma_semaphore, #tpu.memory_space<semaphore_mem>>
      %dma_start3A = arith.constant 0 : i32
      %dma_start3A_395 = tpu.memref_slice %arg7[%add3A, %dma_start3A] : memref<32x25216xi32, #tpu.memory_space<hbm>> -> memref<1x25216xi32, #tpu.memory_space<hbm>>
      %dma_start3A_396 = tpu.memref_squeeze %dma_start3A_395 : memref<1x25216xi32, #tpu.memory_space<hbm>> -> memref<25216xi32, #tpu.memory_space<hbm>>
      %dma_start3A_397 = tpu.memref_slice %arg18[%mul3A_2] : memref<403456xi32, #tpu.memory_space<vmem_shared>> -> memref<25216xi32, #tpu.memory_space<vmem_shared>>
      tpu.enqueue_dma source(%dma_start3A_397 : memref<25216xi32, #tpu.memory_space<vmem_shared>>) target(%dma_start3A_396 : memref<25216xi32, #tpu.memory_space<hbm>>) target_semaphore(%run_scoped3A_394 : memref<!tpu.dma_semaphore, #tpu.memory_space<semaphore_mem>>)
      %dma_wait3A = arith.constant 0 : i32
      %dma_wait3A_398 = tpu.memref_slice %arg7[%add3A, %dma_wait3A] : memref<32x25216xi32, #tpu.memory_space<hbm>> -> memref<1x25216xi32, #tpu.memory_space<hbm>>
      %dma_wait3A_399 = tpu.memref_squeeze %dma_wait3A_398 : memref<1x25216xi32, #tpu.memory_space<hbm>> -> memref<25216xi32, #tpu.memory_space<hbm>>
      %dma_wait3A_400 = tpu.memref_slice %arg18[%mul3A_2] : memref<403456xi32, #tpu.memory_space<vmem_shared>> -> memref<25216xi32, #tpu.memory_space<vmem_shared>>
      tpu.wait_dma2 semaphore(%run_scoped3A_394 : memref<!tpu.dma_semaphore, #tpu.memory_space<semaphore_mem>>) src(%dma_wait3A_400 : memref<25216xi32, #tpu.memory_space<vmem_shared>>) dst(%dma_wait3A_399 : memref<25216xi32, #tpu.memory_space<hbm>>)
      tpu.yield
    }) : () -> ()
    %barrier3A_389 = arith.constant 0 : index
    tpu.barrier barrier_id(%barrier3A_389)
    %mul3A_390 = arith.constant 25088 : i32
    %mul3A_391 = arith.muli %arg1, %mul3A_390 : i32
    %mul3A_392 = arith.constant 25088 : i32
    %mul3A_393 = arith.muli %arg1, %mul3A_392 : i32
    "tpu.region"() ({
      %run_scoped3A_394 = tpu.sem_alloc : memref<!tpu.dma_semaphore, #tpu.memory_space<semaphore_mem>>
      %dma_start3A = tpu.memref_slice %arg6[%arg0, %mul3A_393] : memref<2x401408xf32, #tpu.memory_space<hbm>> -> memref<1x25088xf32, #tpu.memory_space<hbm>>
      %dma_start3A_395 = tpu.memref_squeeze %dma_start3A : memref<1x25088xf32, #tpu.memory_space<hbm>> -> memref<25088xf32, #tpu.memory_space<hbm>>
      %dma_start3A_396 = tpu.memref_slice %arg17[%mul3A_391] : memref<401408xf32, #tpu.memory_space<vmem_shared>> -> memref<25088xf32, #tpu.memory_space<vmem_shared>>
      tpu.enqueue_dma source(%dma_start3A_396 : memref<25088xf32, #tpu.memory_space<vmem_shared>>) target(%dma_start3A_395 : memref<25088xf32, #tpu.memory_space<hbm>>) target_semaphore(%run_scoped3A_394 : memref<!tpu.dma_semaphore, #tpu.memory_space<semaphore_mem>>)
      %dma_wait3A = tpu.memref_slice %arg6[%arg0, %mul3A_393] : memref<2x401408xf32, #tpu.memory_space<hbm>> -> memref<1x25088xf32, #tpu.memory_space<hbm>>
      %dma_wait3A_397 = tpu.memref_squeeze %dma_wait3A : memref<1x25088xf32, #tpu.memory_space<hbm>> -> memref<25088xf32, #tpu.memory_space<hbm>>
      %dma_wait3A_398 = tpu.memref_slice %arg17[%mul3A_391] : memref<401408xf32, #tpu.memory_space<vmem_shared>> -> memref<25088xf32, #tpu.memory_space<vmem_shared>>
      tpu.wait_dma2 semaphore(%run_scoped3A_394 : memref<!tpu.dma_semaphore, #tpu.memory_space<semaphore_mem>>) src(%dma_wait3A_398 : memref<25088xf32, #tpu.memory_space<vmem_shared>>) dst(%dma_wait3A_397 : memref<25088xf32, #tpu.memory_space<hbm>>)
      tpu.yield
    }) : () -> ()
    return
  }
}

#map = affine_map<(d0, d1) -> (0, 0)>
#map1 = affine_map<(d0, d1) -> (0, 0, 0)>
module attributes {stable_mosaic.version = 14 : i64} {
  func.func @_stage_c_body(%arg0: i32, %arg1: i32, %arg2: memref<50176x128xf32, #tpu.memory_space<hbm>>, %arg3: memref<32x25216xi32, #tpu.memory_space<hbm>>, %arg4: memref<32x128xi32, #tpu.memory_space<hbm>>, %arg5: memref<2x8192x128xf32, #tpu.memory_space<hbm>>, %arg6: memref<25216xi32, #tpu.memory_space<vmem>>, %arg7: memref<128xi32, #tpu.memory_space<vmem>>, %arg8: memref<128xi32, #tpu.memory_space<vmem>>, %arg9: memref<128xi32, #tpu.memory_space<vmem>>, %arg10: memref<128xi32, #tpu.memory_space<vmem>>, %arg11: memref<128x128xf32, #tpu.memory_space<vmem>>, %arg12: memref<128x128xf32, #tpu.memory_space<vmem>>, %arg13: memref<16xi32, #tpu.memory_space<vmem>>, %arg14: memref<8448x128xf32, #tpu.memory_space<vmem_shared>>, %arg15: memref<!tpu.dma_semaphore, #tpu.memory_space<semaphore_mem>>, %arg16: memref<!tpu.dma_semaphore, #tpu.memory_space<semaphore_mem>>, %arg17: memref<!tpu.dma_semaphore, #tpu.memory_space<semaphore_mem>>) attributes {dimension_semantics = [#tpu.dimension_semantics<core_parallel>, #tpu.dimension_semantics<subcore_parallel>], iteration_bounds = array<i64: 2, 16>, scalar_prefetch = 0 : i64, scratch_operands = 12 : i64, tpu.core_type = #tpu.core_type<sc_vector_subcore>, window_params = [{transform_indices = #map}, {transform_indices = #map}, {transform_indices = #map}, {transform_indices = #map1}]} {
    %mul3A = arith.constant 16 : i32
    %mul3A_0 = arith.muli %arg0, %mul3A : i32
    %add3A = arith.addi %mul3A_0, %arg1 : i32
    %scan3A = arith.constant 0 : i32
    %scan3A_1 = arith.constant 0 : i32
    %scan3A_2 = arith.constant 1024 : i32
    %scan3A_3 = arith.addi %scan3A_1, %scan3A_2 : i32
    %scan3A_4 = arith.constant 1 : i32
    %scan3A_5 = scf.for %scan3A_82 = %scan3A_1 to %scan3A_3 step %scan3A_4 iter_args(%scan3A_83 = %scan3A) -> (i32)  : i32 {
      %shift_right_arithmetic3A = arith.constant 3 : i32
      %shift_right_arithmetic3A_84 = arith.shrsi %scan3A_82, %shift_right_arithmetic3A : i32
      %and3A_85 = arith.constant 7 : i32
      %and3A_86 = arith.andi %scan3A_82, %and3A_85 : i32
      %mul3A_87 = arith.constant 16 : i32
      %mul3A_88 = arith.muli %and3A_86, %mul3A_87 : i32
      %broadcast_in_dim3A = arith.constant 0.000000e+00 : f32
      %broadcast_in_dim3A_89 = vector.broadcast %broadcast_in_dim3A : f32 to vector<16xf32>
      %swap3A = arith.index_cast %shift_right_arithmetic3A_84 : i32 to index
      %swap3A_90 = arith.index_cast %mul3A_88 : i32 to index
      %swap3A_91 = tpu.vector_load %arg11[%swap3A, %swap3A_90] {strides = array<i32>} : memref<128x128xf32, #tpu.memory_space<vmem>>, vector<1x16xf32>,
      %swap3A_92 = vector.shape_cast %swap3A_91 : vector<1x16xf32> to vector<16xf32>
      %swap3A_93 = vector.shape_cast %broadcast_in_dim3A_89 : vector<16xf32> to vector<1x16xf32>
      tpu.vector_store %arg11[%swap3A, %swap3A_90], %swap3A_93 {strides = array<i32>} : memref<128x128xf32, #tpu.memory_space<vmem>>, vector<1x16xf32>,
      %scan3A_94 = arith.constant 0 : i32
      scf.yield %scan3A_94 : i32
    }
    %scan3A_6 = arith.constant 1024 : i32
    %mul3A_7 = arith.constant 528 : i32
    %mul3A_8 = arith.muli %arg1, %mul3A_7 : i32
    %add3A_9 = arith.constant 0 : i32
    %add3A_10 = arith.addi %mul3A_8, %add3A_9 : i32
    "tpu.region"() ({
      %run_scoped3A = tpu.sem_alloc : memref<!tpu.dma_semaphore, #tpu.memory_space<semaphore_mem>>
      %dma_start3A = arith.constant 0 : i32
      %dma_start3A_82 = tpu.memref_slice %arg14[%add3A_10, %dma_start3A] : memref<8448x128xf32, #tpu.memory_space<vmem_shared>> -> memref<128x128xf32, #tpu.memory_space<vmem_shared>>
      %dma_start3A_83 = arith.constant 0 : i32
      %dma_start3A_84 = tpu.memref_slice %arg14[%add3A_10, %dma_start3A_83] : memref<8448x128xf32, #tpu.memory_space<vmem_shared>> -> memref<128x128xf32, #tpu.memory_space<vmem_shared>>
      tpu.enqueue_dma source(%arg11 : memref<128x128xf32, #tpu.memory_space<vmem>>) target(%dma_start3A_84 : memref<128x128xf32, #tpu.memory_space<vmem_shared>>) target_semaphore(%run_scoped3A : memref<!tpu.dma_semaphore, #tpu.memory_space<semaphore_mem>>)
      %dma_wait3A = arith.constant 0 : i32
      %dma_wait3A_85 = tpu.memref_slice %arg14[%add3A_10, %dma_wait3A] : memref<8448x128xf32, #tpu.memory_space<vmem_shared>> -> memref<128x128xf32, #tpu.memory_space<vmem_shared>>
      %dma_wait3A_86 = arith.constant 0 : i32
      %dma_wait3A_87 = tpu.memref_slice %arg14[%add3A_10, %dma_wait3A_86] : memref<8448x128xf32, #tpu.memory_space<vmem_shared>> -> memref<128x128xf32, #tpu.memory_space<vmem_shared>>
      tpu.wait_dma2 semaphore(%run_scoped3A : memref<!tpu.dma_semaphore, #tpu.memory_space<semaphore_mem>>) src(%arg11 : memref<128x128xf32, #tpu.memory_space<vmem>>) dst(%dma_wait3A_87 : memref<128x128xf32, #tpu.memory_space<vmem_shared>>)
      tpu.yield
    }) : () -> ()
    %add3A_11 = arith.constant 128 : i32
    %add3A_12 = arith.addi %mul3A_8, %add3A_11 : i32
    "tpu.region"() ({
      %run_scoped3A = tpu.sem_alloc : memref<!tpu.dma_semaphore, #tpu.memory_space<semaphore_mem>>
      %dma_start3A = arith.constant 0 : i32
      %dma_start3A_82 = tpu.memref_slice %arg14[%add3A_12, %dma_start3A] : memref<8448x128xf32, #tpu.memory_space<vmem_shared>> -> memref<128x128xf32, #tpu.memory_space<vmem_shared>>
      %dma_start3A_83 = arith.constant 0 : i32
      %dma_start3A_84 = tpu.memref_slice %arg14[%add3A_12, %dma_start3A_83] : memref<8448x128xf32, #tpu.memory_space<vmem_shared>> -> memref<128x128xf32, #tpu.memory_space<vmem_shared>>
      tpu.enqueue_dma source(%arg11 : memref<128x128xf32, #tpu.memory_space<vmem>>) target(%dma_start3A_84 : memref<128x128xf32, #tpu.memory_space<vmem_shared>>) target_semaphore(%run_scoped3A : memref<!tpu.dma_semaphore, #tpu.memory_space<semaphore_mem>>)
      %dma_wait3A = arith.constant 0 : i32
      %dma_wait3A_85 = tpu.memref_slice %arg14[%add3A_12, %dma_wait3A] : memref<8448x128xf32, #tpu.memory_space<vmem_shared>> -> memref<128x128xf32, #tpu.memory_space<vmem_shared>>
      %dma_wait3A_86 = arith.constant 0 : i32
      %dma_wait3A_87 = tpu.memref_slice %arg14[%add3A_12, %dma_wait3A_86] : memref<8448x128xf32, #tpu.memory_space<vmem_shared>> -> memref<128x128xf32, #tpu.memory_space<vmem_shared>>
      tpu.wait_dma2 semaphore(%run_scoped3A : memref<!tpu.dma_semaphore, #tpu.memory_space<semaphore_mem>>) src(%arg11 : memref<128x128xf32, #tpu.memory_space<vmem>>) dst(%dma_wait3A_87 : memref<128x128xf32, #tpu.memory_space<vmem_shared>>)
      tpu.yield
    }) : () -> ()
    %add3A_13 = arith.constant 256 : i32
    %add3A_14 = arith.addi %mul3A_8, %add3A_13 : i32
    "tpu.region"() ({
      %run_scoped3A = tpu.sem_alloc : memref<!tpu.dma_semaphore, #tpu.memory_space<semaphore_mem>>
      %dma_start3A = arith.constant 0 : i32
      %dma_start3A_82 = tpu.memref_slice %arg14[%add3A_14, %dma_start3A] : memref<8448x128xf32, #tpu.memory_space<vmem_shared>> -> memref<128x128xf32, #tpu.memory_space<vmem_shared>>
      %dma_start3A_83 = arith.constant 0 : i32
      %dma_start3A_84 = tpu.memref_slice %arg14[%add3A_14, %dma_start3A_83] : memref<8448x128xf32, #tpu.memory_space<vmem_shared>> -> memref<128x128xf32, #tpu.memory_space<vmem_shared>>
      tpu.enqueue_dma source(%arg11 : memref<128x128xf32, #tpu.memory_space<vmem>>) target(%dma_start3A_84 : memref<128x128xf32, #tpu.memory_space<vmem_shared>>) target_semaphore(%run_scoped3A : memref<!tpu.dma_semaphore, #tpu.memory_space<semaphore_mem>>)
      %dma_wait3A = arith.constant 0 : i32
      %dma_wait3A_85 = tpu.memref_slice %arg14[%add3A_14, %dma_wait3A] : memref<8448x128xf32, #tpu.memory_space<vmem_shared>> -> memref<128x128xf32, #tpu.memory_space<vmem_shared>>
      %dma_wait3A_86 = arith.constant 0 : i32
      %dma_wait3A_87 = tpu.memref_slice %arg14[%add3A_14, %dma_wait3A_86] : memref<8448x128xf32, #tpu.memory_space<vmem_shared>> -> memref<128x128xf32, #tpu.memory_space<vmem_shared>>
      tpu.wait_dma2 semaphore(%run_scoped3A : memref<!tpu.dma_semaphore, #tpu.memory_space<semaphore_mem>>) src(%arg11 : memref<128x128xf32, #tpu.memory_space<vmem>>) dst(%dma_wait3A_87 : memref<128x128xf32, #tpu.memory_space<vmem_shared>>)
      tpu.yield
    }) : () -> ()
    %add3A_15 = arith.constant 384 : i32
    %add3A_16 = arith.addi %mul3A_8, %add3A_15 : i32
    "tpu.region"() ({
      %run_scoped3A = tpu.sem_alloc : memref<!tpu.dma_semaphore, #tpu.memory_space<semaphore_mem>>
      %dma_start3A = arith.constant 0 : i32
      %dma_start3A_82 = tpu.memref_slice %arg14[%add3A_16, %dma_start3A] : memref<8448x128xf32, #tpu.memory_space<vmem_shared>> -> memref<128x128xf32, #tpu.memory_space<vmem_shared>>
      %dma_start3A_83 = arith.constant 0 : i32
      %dma_start3A_84 = tpu.memref_slice %arg14[%add3A_16, %dma_start3A_83] : memref<8448x128xf32, #tpu.memory_space<vmem_shared>> -> memref<128x128xf32, #tpu.memory_space<vmem_shared>>
      tpu.enqueue_dma source(%arg11 : memref<128x128xf32, #tpu.memory_space<vmem>>) target(%dma_start3A_84 : memref<128x128xf32, #tpu.memory_space<vmem_shared>>) target_semaphore(%run_scoped3A : memref<!tpu.dma_semaphore, #tpu.memory_space<semaphore_mem>>)
      %dma_wait3A = arith.constant 0 : i32
      %dma_wait3A_85 = tpu.memref_slice %arg14[%add3A_16, %dma_wait3A] : memref<8448x128xf32, #tpu.memory_space<vmem_shared>> -> memref<128x128xf32, #tpu.memory_space<vmem_shared>>
      %dma_wait3A_86 = arith.constant 0 : i32
      %dma_wait3A_87 = tpu.memref_slice %arg14[%add3A_16, %dma_wait3A_86] : memref<8448x128xf32, #tpu.memory_space<vmem_shared>> -> memref<128x128xf32, #tpu.memory_space<vmem_shared>>
      tpu.wait_dma2 semaphore(%run_scoped3A : memref<!tpu.dma_semaphore, #tpu.memory_space<semaphore_mem>>) src(%arg11 : memref<128x128xf32, #tpu.memory_space<vmem>>) dst(%dma_wait3A_87 : memref<128x128xf32, #tpu.memory_space<vmem_shared>>)
      tpu.yield
    }) : () -> ()
    %add3A_17 = arith.constant 512 : i32
    %add3A_18 = arith.addi %mul3A_8, %add3A_17 : i32
    "tpu.region"() ({
      %run_scoped3A = tpu.sem_alloc : memref<!tpu.dma_semaphore, #tpu.memory_space<semaphore_mem>>
      %dma_start3A = arith.constant 0 : i32
      %dma_start3A_82 = arith.constant 0 : i32
      %dma_start3A_83 = tpu.memref_slice %arg11[%dma_start3A, %dma_start3A_82] : memref<128x128xf32, #tpu.memory_space<vmem>> -> memref<16x128xf32, #tpu.memory_space<vmem>>
      %dma_start3A_84 = arith.constant 0 : i32
      %dma_start3A_85 = tpu.memref_slice %arg14[%add3A_18, %dma_start3A_84] : memref<8448x128xf32, #tpu.memory_space<vmem_shared>> -> memref<16x128xf32, #tpu.memory_space<vmem_shared>>
      %dma_start3A_86 = arith.constant 0 : i32
      %dma_start3A_87 = tpu.memref_slice %arg14[%add3A_18, %dma_start3A_86] : memref<8448x128xf32, #tpu.memory_space<vmem_shared>> -> memref<16x128xf32, #tpu.memory_space<vmem_shared>>
      %dma_start3A_88 = arith.constant 0 : i32
      %dma_start3A_89 = arith.constant 0 : i32
      %dma_start3A_90 = tpu.memref_slice %arg11[%dma_start3A_88, %dma_start3A_89] : memref<128x128xf32, #tpu.memory_space<vmem>> -> memref<16x128xf32, #tpu.memory_space<vmem>>
      tpu.enqueue_dma source(%dma_start3A_90 : memref<16x128xf32, #tpu.memory_space<vmem>>) target(%dma_start3A_87 : memref<16x128xf32, #tpu.memory_space<vmem_shared>>) target_semaphore(%run_scoped3A : memref<!tpu.dma_semaphore, #tpu.memory_space<semaphore_mem>>)
      %dma_wait3A = arith.constant 0 : i32
      %dma_wait3A_91 = arith.constant 0 : i32
      %dma_wait3A_92 = tpu.memref_slice %arg11[%dma_wait3A, %dma_wait3A_91] : memref<128x128xf32, #tpu.memory_space<vmem>> -> memref<16x128xf32, #tpu.memory_space<vmem>>
      %dma_wait3A_93 = arith.constant 0 : i32
      %dma_wait3A_94 = tpu.memref_slice %arg14[%add3A_18, %dma_wait3A_93] : memref<8448x128xf32, #tpu.memory_space<vmem_shared>> -> memref<16x128xf32, #tpu.memory_space<vmem_shared>>
      %dma_wait3A_95 = arith.constant 0 : i32
      %dma_wait3A_96 = tpu.memref_slice %arg14[%add3A_18, %dma_wait3A_95] : memref<8448x128xf32, #tpu.memory_space<vmem_shared>> -> memref<16x128xf32, #tpu.memory_space<vmem_shared>>
      %dma_wait3A_97 = arith.constant 0 : i32
      %dma_wait3A_98 = arith.constant 0 : i32
      %dma_wait3A_99 = tpu.memref_slice %arg11[%dma_wait3A_97, %dma_wait3A_98] : memref<128x128xf32, #tpu.memory_space<vmem>> -> memref<16x128xf32, #tpu.memory_space<vmem>>
      tpu.wait_dma2 semaphore(%run_scoped3A : memref<!tpu.dma_semaphore, #tpu.memory_space<semaphore_mem>>) src(%dma_wait3A_99 : memref<16x128xf32, #tpu.memory_space<vmem>>) dst(%dma_wait3A_96 : memref<16x128xf32, #tpu.memory_space<vmem_shared>>)
      tpu.yield
    }) : () -> ()
    %barrier3A = arith.constant 0 : index
    tpu.barrier barrier_id(%barrier3A)
    "tpu.region"() ({
      %run_scoped3A = tpu.sem_alloc : memref<!tpu.dma_semaphore, #tpu.memory_space<semaphore_mem>>
      %dma_start3A = arith.constant 0 : i32
      %dma_start3A_82 = tpu.memref_slice %arg3[%add3A, %dma_start3A] : memref<32x25216xi32, #tpu.memory_space<hbm>> -> memref<1x25216xi32, #tpu.memory_space<hbm>>
      %dma_start3A_83 = tpu.memref_squeeze %dma_start3A_82 : memref<1x25216xi32, #tpu.memory_space<hbm>> -> memref<25216xi32, #tpu.memory_space<hbm>>
      %dma_start3A_84 = arith.constant 0 : i32
      %dma_start3A_85 = tpu.memref_slice %arg3[%add3A, %dma_start3A_84] : memref<32x25216xi32, #tpu.memory_space<hbm>> -> memref<1x25216xi32, #tpu.memory_space<hbm>>
      %dma_start3A_86 = tpu.memref_squeeze %dma_start3A_85 : memref<1x25216xi32, #tpu.memory_space<hbm>> -> memref<25216xi32, #tpu.memory_space<hbm>>
      tpu.enqueue_dma source(%dma_start3A_86 : memref<25216xi32, #tpu.memory_space<hbm>>) target(%arg6 : memref<25216xi32, #tpu.memory_space<vmem>>) target_semaphore(%run_scoped3A : memref<!tpu.dma_semaphore, #tpu.memory_space<semaphore_mem>>)
      %dma_wait3A = arith.constant 0 : i32
      %dma_wait3A_87 = tpu.memref_slice %arg3[%add3A, %dma_wait3A] : memref<32x25216xi32, #tpu.memory_space<hbm>> -> memref<1x25216xi32, #tpu.memory_space<hbm>>
      %dma_wait3A_88 = tpu.memref_squeeze %dma_wait3A_87 : memref<1x25216xi32, #tpu.memory_space<hbm>> -> memref<25216xi32, #tpu.memory_space<hbm>>
      %dma_wait3A_89 = arith.constant 0 : i32
      %dma_wait3A_90 = tpu.memref_slice %arg3[%add3A, %dma_wait3A_89] : memref<32x25216xi32, #tpu.memory_space<hbm>> -> memref<1x25216xi32, #tpu.memory_space<hbm>>
      %dma_wait3A_91 = tpu.memref_squeeze %dma_wait3A_90 : memref<1x25216xi32, #tpu.memory_space<hbm>> -> memref<25216xi32, #tpu.memory_space<hbm>>
      tpu.wait_dma2 semaphore(%run_scoped3A : memref<!tpu.dma_semaphore, #tpu.memory_space<semaphore_mem>>) src(%dma_wait3A_91 : memref<25216xi32, #tpu.memory_space<hbm>>) dst(%arg6 : memref<25216xi32, #tpu.memory_space<vmem>>)
      tpu.yield
    }) : () -> ()
    "tpu.region"() ({
      %run_scoped3A = tpu.sem_alloc : memref<!tpu.dma_semaphore, #tpu.memory_space<semaphore_mem>>
      %dma_start3A = arith.constant 0 : i32
      %dma_start3A_82 = tpu.memref_slice %arg4[%add3A, %dma_start3A] : memref<32x128xi32, #tpu.memory_space<hbm>> -> memref<1x16xi32, #tpu.memory_space<hbm>>
      %dma_start3A_83 = tpu.memref_squeeze %dma_start3A_82 : memref<1x16xi32, #tpu.memory_space<hbm>> -> memref<16xi32, #tpu.memory_space<hbm>>
      %dma_start3A_84 = arith.constant 0 : i32
      %dma_start3A_85 = tpu.memref_slice %arg4[%add3A, %dma_start3A_84] : memref<32x128xi32, #tpu.memory_space<hbm>> -> memref<1x16xi32, #tpu.memory_space<hbm>>
      %dma_start3A_86 = tpu.memref_squeeze %dma_start3A_85 : memref<1x16xi32, #tpu.memory_space<hbm>> -> memref<16xi32, #tpu.memory_space<hbm>>
      tpu.enqueue_dma source(%dma_start3A_86 : memref<16xi32, #tpu.memory_space<hbm>>) target(%arg13 : memref<16xi32, #tpu.memory_space<vmem>>) target_semaphore(%run_scoped3A : memref<!tpu.dma_semaphore, #tpu.memory_space<semaphore_mem>>)
      %dma_wait3A = arith.constant 0 : i32
      %dma_wait3A_87 = tpu.memref_slice %arg4[%add3A, %dma_wait3A] : memref<32x128xi32, #tpu.memory_space<hbm>> -> memref<1x16xi32, #tpu.memory_space<hbm>>
      %dma_wait3A_88 = tpu.memref_squeeze %dma_wait3A_87 : memref<1x16xi32, #tpu.memory_space<hbm>> -> memref<16xi32, #tpu.memory_space<hbm>>
      %dma_wait3A_89 = arith.constant 0 : i32
      %dma_wait3A_90 = tpu.memref_slice %arg4[%add3A, %dma_wait3A_89] : memref<32x128xi32, #tpu.memory_space<hbm>> -> memref<1x16xi32, #tpu.memory_space<hbm>>
      %dma_wait3A_91 = tpu.memref_squeeze %dma_wait3A_90 : memref<1x16xi32, #tpu.memory_space<hbm>> -> memref<16xi32, #tpu.memory_space<hbm>>
      tpu.wait_dma2 semaphore(%run_scoped3A : memref<!tpu.dma_semaphore, #tpu.memory_space<semaphore_mem>>) src(%dma_wait3A_91 : memref<16xi32, #tpu.memory_space<hbm>>) dst(%arg13 : memref<16xi32, #tpu.memory_space<vmem>>)
      tpu.yield
    }) : () -> ()
    %get3A = arith.constant 0 : index
    %get3A_19 = tpu.vector_load %arg13[%get3A] {strides = array<i32>} : memref<16xi32, #tpu.memory_space<vmem>>, vector<16xi32>,
    %get3A_20 = vector.shape_cast %get3A_19 : vector<16xi32> to vector<16xi32>
    %slice3A = vector.extract_strided_slice %get3A_20 {offsets = [0], sizes = [1], strides = [1]} : vector<16xi32> to vector<1xi32>
    %squeeze3A = vector.extract %slice3A[0] : i32 from vector<1xi32>
    %add3A_21 = arith.constant 1 : i32
    %add3A_22 = arith.addi %squeeze3A, %add3A_21 : i32
    %jit3A = arith.constant 2 : i32
    %div3A = arith.divsi %add3A_22, %jit3A : i32
    %sign3A = arith.constant 0 : i32
    %sign3A_23 = arith.cmpi sgt, %add3A_22, %sign3A : i32
    %sign3A_24 = arith.extui %sign3A_23 : i1 to i32
    %sign3A_25 = arith.constant 0 : i32
    %sign3A_26 = arith.cmpi slt, %add3A_22, %sign3A_25 : i32
    %sign3A_27 = arith.extui %sign3A_26 : i1 to i32
    %sign3A_28 = arith.subi %sign3A_24, %sign3A_27 : i32
    %sign3A_29 = arith.constant 0 : i32
    %sign3A_30 = arith.cmpi sgt, %jit3A, %sign3A_29 : i32
    %sign3A_31 = arith.extui %sign3A_30 : i1 to i32
    %sign3A_32 = arith.constant 0 : i32
    %sign3A_33 = arith.cmpi slt, %jit3A, %sign3A_32 : i32
    %sign3A_34 = arith.extui %sign3A_33 : i1 to i32
    %sign3A_35 = arith.subi %sign3A_31, %sign3A_34 : i32
    %ne3A = arith.cmpi ne, %sign3A_28, %sign3A_35 : i32
    %rem3A = arith.remsi %add3A_22, %jit3A : i32
    %ne3A_36 = arith.constant 0 : i32
    %ne3A_37 = arith.cmpi ne, %rem3A, %ne3A_36 : i32
    %and3A = arith.andi %ne3A, %ne3A_37 : i1
    %sub3A = arith.constant 1 : i32
    %sub3A_38 = arith.subi %div3A, %sub3A : i32
    %select_n3A = arith.select %and3A, %sub3A_38, %div3A : i32
    %while3A = arith.constant 0 : i32
    %while3A_39 = arith.constant 0 : i32
    %while3A_40 = arith.subi %select_n3A, %while3A : i32
    %while3A_41 = arith.addi %while3A, %while3A_40 : i32
    %while3A_42 = arith.constant 1 : i32
    %while3A_43 = arith.divsi %while3A_40, %while3A_42 : i32
    %while3A_44 = arith.muli %while3A_43, %while3A_42 : i32
    %while3A_45 = arith.addi %while3A, %while3A_44 : i32
    %while3A_46 = arith.constant 1 : i32
    %while3A_47 = scf.for %while3A_82 = %while3A to %while3A_45 step %while3A_46 iter_args(%while3A_83 = %while3A_39) -> (i32)  : i32 {
      %mul3A_84 = arith.constant 2 : i32
      %mul3A_85 = arith.muli %while3A_82, %mul3A_84 : i32
      %add3A_86 = arith.constant 0 : i32
      %add3A_87 = arith.addi %mul3A_85, %add3A_86 : i32
      %lt3A = arith.cmpi slt, %add3A_87, %squeeze3A : i32
      %convert_element_type3A_88 = arith.extui %lt3A : i1 to i32
      %cond3A_89 = arith.constant 0 : i32
      %cond3A_90 = arith.cmpi ne, %convert_element_type3A_88, %cond3A_89 : i32
      scf.if %cond3A_90 {
        %mul3A_100 = arith.constant 128 : i32
        %mul3A_101 = arith.muli %add3A_87, %mul3A_100 : i32
        %add3A_102 = arith.constant 0 : i32
        %add3A_103 = arith.addi %mul3A_101, %add3A_102 : i32
        %get3A_104 = arith.index_cast %add3A_103 : i32 to index
        %get3A_105 = tpu.vector_load %arg6[%get3A_104] {strides = array<i32>} : memref<25216xi32, #tpu.memory_space<vmem>>, vector<16xi32>,
        %get3A_106 = vector.shape_cast %get3A_105 : vector<16xi32> to vector<16xi32>
        %shift_right_logical3A = arith.constant 14 : i32
        %shift_right_logical3A_107 = vector.broadcast %shift_right_logical3A : i32 to vector<16xi32>
        %shift_right_logical3A_108 = arith.shrui %get3A_106, %shift_right_logical3A_107 : vector<16xi32>
        %swap3A = arith.constant 0 : index
        %swap3A_109 = tpu.vector_load %arg7[%swap3A] {strides = array<i32>} : memref<128xi32, #tpu.memory_space<vmem>>, vector<16xi32>,
        %swap3A_110 = vector.shape_cast %swap3A_109 : vector<16xi32> to vector<16xi32>
        %swap3A_111 = vector.shape_cast %shift_right_logical3A_108 : vector<16xi32> to vector<16xi32>
        tpu.vector_store %arg7[%swap3A], %swap3A_111 {strides = array<i32>} : memref<128xi32, #tpu.memory_space<vmem>>, vector<16xi32>,
        %and3A_112 = arith.constant 16383 : i32
        %and3A_113 = vector.broadcast %and3A_112 : i32 to vector<16xi32>
        %and3A_114 = arith.andi %get3A_106, %and3A_113 : vector<16xi32>
        %swap3A_115 = arith.constant 0 : index
        %swap3A_116 = tpu.vector_load %arg8[%swap3A_115] {strides = array<i32>} : memref<128xi32, #tpu.memory_space<vmem>>, vector<16xi32>,
        %swap3A_117 = vector.shape_cast %swap3A_116 : vector<16xi32> to vector<16xi32>
        %swap3A_118 = vector.shape_cast %and3A_114 : vector<16xi32> to vector<16xi32>
        tpu.vector_store %arg8[%swap3A_115], %swap3A_118 {strides = array<i32>} : memref<128xi32, #tpu.memory_space<vmem>>, vector<16xi32>,
        %mul3A_119 = arith.constant 128 : i32
        %mul3A_120 = arith.muli %add3A_87, %mul3A_119 : i32
        %add3A_121 = arith.constant 16 : i32
        %add3A_122 = arith.addi %mul3A_120, %add3A_121 : i32
        %get3A_123 = arith.index_cast %add3A_122 : i32 to index
        %get3A_124 = tpu.vector_load %arg6[%get3A_123] {strides = array<i32>} : memref<25216xi32, #tpu.memory_space<vmem>>, vector<16xi32>,
        %get3A_125 = vector.shape_cast %get3A_124 : vector<16xi32> to vector<16xi32>
        %shift_right_logical3A_126 = arith.constant 14 : i32
        %shift_right_logical3A_127 = vector.broadcast %shift_right_logical3A_126 : i32 to vector<16xi32>
        %shift_right_logical3A_128 = arith.shrui %get3A_125, %shift_right_logical3A_127 : vector<16xi32>
        %swap3A_129 = arith.constant 16 : index
        %swap3A_130 = tpu.vector_load %arg7[%swap3A_129] {strides = array<i32>} : memref<128xi32, #tpu.memory_space<vmem>>, vector<16xi32>,
        %swap3A_131 = vector.shape_cast %swap3A_130 : vector<16xi32> to vector<16xi32>
        %swap3A_132 = vector.shape_cast %shift_right_logical3A_128 : vector<16xi32> to vector<16xi32>
        tpu.vector_store %arg7[%swap3A_129], %swap3A_132 {strides = array<i32>} : memref<128xi32, #tpu.memory_space<vmem>>, vector<16xi32>,
        %and3A_133 = arith.constant 16383 : i32
        %and3A_134 = vector.broadcast %and3A_133 : i32 to vector<16xi32>
        %and3A_135 = arith.andi %get3A_125, %and3A_134 : vector<16xi32>
        %swap3A_136 = arith.constant 16 : index
        %swap3A_137 = tpu.vector_load %arg8[%swap3A_136] {strides = array<i32>} : memref<128xi32, #tpu.memory_space<vmem>>, vector<16xi32>,
        %swap3A_138 = vector.shape_cast %swap3A_137 : vector<16xi32> to vector<16xi32>
        %swap3A_139 = vector.shape_cast %and3A_135 : vector<16xi32> to vector<16xi32>
        tpu.vector_store %arg8[%swap3A_136], %swap3A_139 {strides = array<i32>} : memref<128xi32, #tpu.memory_space<vmem>>, vector<16xi32>,
        %mul3A_140 = arith.constant 128 : i32
        %mul3A_141 = arith.muli %add3A_87, %mul3A_140 : i32
        %add3A_142 = arith.constant 32 : i32
        %add3A_143 = arith.addi %mul3A_141, %add3A_142 : i32
        %get3A_144 = arith.index_cast %add3A_143 : i32 to index
        %get3A_145 = tpu.vector_load %arg6[%get3A_144] {strides = array<i32>} : memref<25216xi32, #tpu.memory_space<vmem>>, vector<16xi32>,
        %get3A_146 = vector.shape_cast %get3A_145 : vector<16xi32> to vector<16xi32>
        %shift_right_logical3A_147 = arith.constant 14 : i32
        %shift_right_logical3A_148 = vector.broadcast %shift_right_logical3A_147 : i32 to vector<16xi32>
        %shift_right_logical3A_149 = arith.shrui %get3A_146, %shift_right_logical3A_148 : vector<16xi32>
        %swap3A_150 = arith.constant 32 : index
        %swap3A_151 = tpu.vector_load %arg7[%swap3A_150] {strides = array<i32>} : memref<128xi32, #tpu.memory_space<vmem>>, vector<16xi32>,
        %swap3A_152 = vector.shape_cast %swap3A_151 : vector<16xi32> to vector<16xi32>
        %swap3A_153 = vector.shape_cast %shift_right_logical3A_149 : vector<16xi32> to vector<16xi32>
        tpu.vector_store %arg7[%swap3A_150], %swap3A_153 {strides = array<i32>} : memref<128xi32, #tpu.memory_space<vmem>>, vector<16xi32>,
        %and3A_154 = arith.constant 16383 : i32
        %and3A_155 = vector.broadcast %and3A_154 : i32 to vector<16xi32>
        %and3A_156 = arith.andi %get3A_146, %and3A_155 : vector<16xi32>
        %swap3A_157 = arith.constant 32 : index
        %swap3A_158 = tpu.vector_load %arg8[%swap3A_157] {strides = array<i32>} : memref<128xi32, #tpu.memory_space<vmem>>, vector<16xi32>,
        %swap3A_159 = vector.shape_cast %swap3A_158 : vector<16xi32> to vector<16xi32>
        %swap3A_160 = vector.shape_cast %and3A_156 : vector<16xi32> to vector<16xi32>
        tpu.vector_store %arg8[%swap3A_157], %swap3A_160 {strides = array<i32>} : memref<128xi32, #tpu.memory_space<vmem>>, vector<16xi32>,
        %mul3A_161 = arith.constant 128 : i32
        %mul3A_162 = arith.muli %add3A_87, %mul3A_161 : i32
        %add3A_163 = arith.constant 48 : i32
        %add3A_164 = arith.addi %mul3A_162, %add3A_163 : i32
        %get3A_165 = arith.index_cast %add3A_164 : i32 to index
        %get3A_166 = tpu.vector_load %arg6[%get3A_165] {strides = array<i32>} : memref<25216xi32, #tpu.memory_space<vmem>>, vector<16xi32>,
        %get3A_167 = vector.shape_cast %get3A_166 : vector<16xi32> to vector<16xi32>
        %shift_right_logical3A_168 = arith.constant 14 : i32
        %shift_right_logical3A_169 = vector.broadcast %shift_right_logical3A_168 : i32 to vector<16xi32>
        %shift_right_logical3A_170 = arith.shrui %get3A_167, %shift_right_logical3A_169 : vector<16xi32>
        %swap3A_171 = arith.constant 48 : index
        %swap3A_172 = tpu.vector_load %arg7[%swap3A_171] {strides = array<i32>} : memref<128xi32, #tpu.memory_space<vmem>>, vector<16xi32>,
        %swap3A_173 = vector.shape_cast %swap3A_172 : vector<16xi32> to vector<16xi32>
        %swap3A_174 = vector.shape_cast %shift_right_logical3A_170 : vector<16xi32> to vector<16xi32>
        tpu.vector_store %arg7[%swap3A_171], %swap3A_174 {strides = array<i32>} : memref<128xi32, #tpu.memory_space<vmem>>, vector<16xi32>,
        %and3A_175 = arith.constant 16383 : i32
        %and3A_176 = vector.broadcast %and3A_175 : i32 to vector<16xi32>
        %and3A_177 = arith.andi %get3A_167, %and3A_176 : vector<16xi32>
        %swap3A_178 = arith.constant 48 : index
        %swap3A_179 = tpu.vector_load %arg8[%swap3A_178] {strides = array<i32>} : memref<128xi32, #tpu.memory_space<vmem>>, vector<16xi32>,
        %swap3A_180 = vector.shape_cast %swap3A_179 : vector<16xi32> to vector<16xi32>
        %swap3A_181 = vector.shape_cast %and3A_177 : vector<16xi32> to vector<16xi32>
        tpu.vector_store %arg8[%swap3A_178], %swap3A_181 {strides = array<i32>} : memref<128xi32, #tpu.memory_space<vmem>>, vector<16xi32>,
        %mul3A_182 = arith.constant 128 : i32
        %mul3A_183 = arith.muli %add3A_87, %mul3A_182 : i32
        %add3A_184 = arith.constant 64 : i32
        %add3A_185 = arith.addi %mul3A_183, %add3A_184 : i32
        %get3A_186 = arith.index_cast %add3A_185 : i32 to index
        %get3A_187 = tpu.vector_load %arg6[%get3A_186] {strides = array<i32>} : memref<25216xi32, #tpu.memory_space<vmem>>, vector<16xi32>,
        %get3A_188 = vector.shape_cast %get3A_187 : vector<16xi32> to vector<16xi32>
        %shift_right_logical3A_189 = arith.constant 14 : i32
        %shift_right_logical3A_190 = vector.broadcast %shift_right_logical3A_189 : i32 to vector<16xi32>
        %shift_right_logical3A_191 = arith.shrui %get3A_188, %shift_right_logical3A_190 : vector<16xi32>
        %swap3A_192 = arith.constant 64 : index
        %swap3A_193 = tpu.vector_load %arg7[%swap3A_192] {strides = array<i32>} : memref<128xi32, #tpu.memory_space<vmem>>, vector<16xi32>,
        %swap3A_194 = vector.shape_cast %swap3A_193 : vector<16xi32> to vector<16xi32>
        %swap3A_195 = vector.shape_cast %shift_right_logical3A_191 : vector<16xi32> to vector<16xi32>
        tpu.vector_store %arg7[%swap3A_192], %swap3A_195 {strides = array<i32>} : memref<128xi32, #tpu.memory_space<vmem>>, vector<16xi32>,
        %and3A_196 = arith.constant 16383 : i32
        %and3A_197 = vector.broadcast %and3A_196 : i32 to vector<16xi32>
        %and3A_198 = arith.andi %get3A_188, %and3A_197 : vector<16xi32>
        %swap3A_199 = arith.constant 64 : index
        %swap3A_200 = tpu.vector_load %arg8[%swap3A_199] {strides = array<i32>} : memref<128xi32, #tpu.memory_space<vmem>>, vector<16xi32>,
        %swap3A_201 = vector.shape_cast %swap3A_200 : vector<16xi32> to vector<16xi32>
        %swap3A_202 = vector.shape_cast %and3A_198 : vector<16xi32> to vector<16xi32>
        tpu.vector_store %arg8[%swap3A_199], %swap3A_202 {strides = array<i32>} : memref<128xi32, #tpu.memory_space<vmem>>, vector<16xi32>,
        %mul3A_203 = arith.constant 128 : i32
        %mul3A_204 = arith.muli %add3A_87, %mul3A_203 : i32
        %add3A_205 = arith.constant 80 : i32
        %add3A_206 = arith.addi %mul3A_204, %add3A_205 : i32
        %get3A_207 = arith.index_cast %add3A_206 : i32 to index
        %get3A_208 = tpu.vector_load %arg6[%get3A_207] {strides = array<i32>} : memref<25216xi32, #tpu.memory_space<vmem>>, vector<16xi32>,
        %get3A_209 = vector.shape_cast %get3A_208 : vector<16xi32> to vector<16xi32>
        %shift_right_logical3A_210 = arith.constant 14 : i32
        %shift_right_logical3A_211 = vector.broadcast %shift_right_logical3A_210 : i32 to vector<16xi32>
        %shift_right_logical3A_212 = arith.shrui %get3A_209, %shift_right_logical3A_211 : vector<16xi32>
        %swap3A_213 = arith.constant 80 : index
        %swap3A_214 = tpu.vector_load %arg7[%swap3A_213] {strides = array<i32>} : memref<128xi32, #tpu.memory_space<vmem>>, vector<16xi32>,
        %swap3A_215 = vector.shape_cast %swap3A_214 : vector<16xi32> to vector<16xi32>
        %swap3A_216 = vector.shape_cast %shift_right_logical3A_212 : vector<16xi32> to vector<16xi32>
        tpu.vector_store %arg7[%swap3A_213], %swap3A_216 {strides = array<i32>} : memref<128xi32, #tpu.memory_space<vmem>>, vector<16xi32>,
        %and3A_217 = arith.constant 16383 : i32
        %and3A_218 = vector.broadcast %and3A_217 : i32 to vector<16xi32>
        %and3A_219 = arith.andi %get3A_209, %and3A_218 : vector<16xi32>
        %swap3A_220 = arith.constant 80 : index
        %swap3A_221 = tpu.vector_load %arg8[%swap3A_220] {strides = array<i32>} : memref<128xi32, #tpu.memory_space<vmem>>, vector<16xi32>,
        %swap3A_222 = vector.shape_cast %swap3A_221 : vector<16xi32> to vector<16xi32>
        %swap3A_223 = vector.shape_cast %and3A_219 : vector<16xi32> to vector<16xi32>
        tpu.vector_store %arg8[%swap3A_220], %swap3A_223 {strides = array<i32>} : memref<128xi32, #tpu.memory_space<vmem>>, vector<16xi32>,
        %mul3A_224 = arith.constant 128 : i32
        %mul3A_225 = arith.muli %add3A_87, %mul3A_224 : i32
        %add3A_226 = arith.constant 96 : i32
        %add3A_227 = arith.addi %mul3A_225, %add3A_226 : i32
        %get3A_228 = arith.index_cast %add3A_227 : i32 to index
        %get3A_229 = tpu.vector_load %arg6[%get3A_228] {strides = array<i32>} : memref<25216xi32, #tpu.memory_space<vmem>>, vector<16xi32>,
        %get3A_230 = vector.shape_cast %get3A_229 : vector<16xi32> to vector<16xi32>
        %shift_right_logical3A_231 = arith.constant 14 : i32
        %shift_right_logical3A_232 = vector.broadcast %shift_right_logical3A_231 : i32 to vector<16xi32>
        %shift_right_logical3A_233 = arith.shrui %get3A_230, %shift_right_logical3A_232 : vector<16xi32>
        %swap3A_234 = arith.constant 96 : index
        %swap3A_235 = tpu.vector_load %arg7[%swap3A_234] {strides = array<i32>} : memref<128xi32, #tpu.memory_space<vmem>>, vector<16xi32>,
        %swap3A_236 = vector.shape_cast %swap3A_235 : vector<16xi32> to vector<16xi32>
        %swap3A_237 = vector.shape_cast %shift_right_logical3A_233 : vector<16xi32> to vector<16xi32>
        tpu.vector_store %arg7[%swap3A_234], %swap3A_237 {strides = array<i32>} : memref<128xi32, #tpu.memory_space<vmem>>, vector<16xi32>,
        %and3A_238 = arith.constant 16383 : i32
        %and3A_239 = vector.broadcast %and3A_238 : i32 to vector<16xi32>
        %and3A_240 = arith.andi %get3A_230, %and3A_239 : vector<16xi32>
        %swap3A_241 = arith.constant 96 : index
        %swap3A_242 = tpu.vector_load %arg8[%swap3A_241] {strides = array<i32>} : memref<128xi32, #tpu.memory_space<vmem>>, vector<16xi32>,
        %swap3A_243 = vector.shape_cast %swap3A_242 : vector<16xi32> to vector<16xi32>
        %swap3A_244 = vector.shape_cast %and3A_240 : vector<16xi32> to vector<16xi32>
        tpu.vector_store %arg8[%swap3A_241], %swap3A_244 {strides = array<i32>} : memref<128xi32, #tpu.memory_space<vmem>>, vector<16xi32>,
        %mul3A_245 = arith.constant 128 : i32
        %mul3A_246 = arith.muli %add3A_87, %mul3A_245 : i32
        %add3A_247 = arith.constant 112 : i32
        %add3A_248 = arith.addi %mul3A_246, %add3A_247 : i32
        %get3A_249 = arith.index_cast %add3A_248 : i32 to index
        %get3A_250 = tpu.vector_load %arg6[%get3A_249] {strides = array<i32>} : memref<25216xi32, #tpu.memory_space<vmem>>, vector<16xi32>,
        %get3A_251 = vector.shape_cast %get3A_250 : vector<16xi32> to vector<16xi32>
        %shift_right_logical3A_252 = arith.constant 14 : i32
        %shift_right_logical3A_253 = vector.broadcast %shift_right_logical3A_252 : i32 to vector<16xi32>
        %shift_right_logical3A_254 = arith.shrui %get3A_251, %shift_right_logical3A_253 : vector<16xi32>
        %swap3A_255 = arith.constant 112 : index
        %swap3A_256 = tpu.vector_load %arg7[%swap3A_255] {strides = array<i32>} : memref<128xi32, #tpu.memory_space<vmem>>, vector<16xi32>,
        %swap3A_257 = vector.shape_cast %swap3A_256 : vector<16xi32> to vector<16xi32>
        %swap3A_258 = vector.shape_cast %shift_right_logical3A_254 : vector<16xi32> to vector<16xi32>
        tpu.vector_store %arg7[%swap3A_255], %swap3A_258 {strides = array<i32>} : memref<128xi32, #tpu.memory_space<vmem>>, vector<16xi32>,
        %and3A_259 = arith.constant 16383 : i32
        %and3A_260 = vector.broadcast %and3A_259 : i32 to vector<16xi32>
        %and3A_261 = arith.andi %get3A_251, %and3A_260 : vector<16xi32>
        %swap3A_262 = arith.constant 112 : index
        %swap3A_263 = tpu.vector_load %arg8[%swap3A_262] {strides = array<i32>} : memref<128xi32, #tpu.memory_space<vmem>>, vector<16xi32>,
        %swap3A_264 = vector.shape_cast %swap3A_263 : vector<16xi32> to vector<16xi32>
        %swap3A_265 = vector.shape_cast %and3A_261 : vector<16xi32> to vector<16xi32>
        tpu.vector_store %arg8[%swap3A_262], %swap3A_265 {strides = array<i32>} : memref<128xi32, #tpu.memory_space<vmem>>, vector<16xi32>,
        %ge3A_266 = arith.constant 2 : i32
        %ge3A_267 = arith.cmpi sge, %add3A_87, %ge3A_266 : i32
        %convert_element_type3A_268 = arith.extui %ge3A_267 : i1 to i32
        %cond3A_269 = arith.constant 0 : i32
        %cond3A_270 = arith.cmpi ne, %convert_element_type3A_268, %cond3A_269 : i32
        scf.if %cond3A_270 {
          %dma_wait3A_278 = arith.constant 0 : i32
          %dma_wait3A_279 = arith.constant 0 : i32
          %dma_wait3A_280 = tpu.memref_slice %arg14[%dma_wait3A_278, %dma_wait3A_279] : memref<8448x128xf32, #tpu.memory_space<vmem_shared>> -> memref<8448x128xf32, #tpu.memory_space<vmem_shared>>
          tpu.wait_indirect_dma semaphore(%arg16 : memref<!tpu.dma_semaphore, #tpu.memory_space<semaphore_mem>>) src(%arg11 : memref<128x128xf32, #tpu.memory_space<vmem>>) dst(%dma_wait3A_280 : memref<8448x128xf32, #tpu.memory_space<vmem_shared>>)
        } else {
        }
        %dma_start3A = arith.constant 0 : i32
        %dma_start3A_271 = arith.constant 0 : i32
        %dma_start3A_272 = tpu.memref_slice %arg2[%dma_start3A, %dma_start3A_271] : memref<50176x128xf32, #tpu.memory_space<hbm>> -> memref<50176x128xf32, #tpu.memory_space<hbm>>
        tpu.enqueue_indirect_dma source(%dma_start3A_272 : memref<50176x128xf32, #tpu.memory_space<hbm>>) target(%arg11 : memref<128x128xf32, #tpu.memory_space<vmem>>) offsets(%arg7 : memref<128xi32, #tpu.memory_space<vmem>>) semaphore(%arg15 : memref<!tpu.dma_semaphore, #tpu.memory_space<semaphore_mem>>)
        %dma_wait3A = arith.constant 0 : i32
        %dma_wait3A_273 = arith.constant 0 : i32
        %dma_wait3A_274 = tpu.memref_slice %arg2[%dma_wait3A, %dma_wait3A_273] : memref<50176x128xf32, #tpu.memory_space<hbm>> -> memref<50176x128xf32, #tpu.memory_space<hbm>>
        tpu.wait_indirect_dma semaphore(%arg15 : memref<!tpu.dma_semaphore, #tpu.memory_space<semaphore_mem>>) src(%dma_wait3A_274 : memref<50176x128xf32, #tpu.memory_space<hbm>>) dst(%arg11 : memref<128x128xf32, #tpu.memory_space<vmem>>)
        %dma_start3A_275 = arith.constant 0 : i32
        %dma_start3A_276 = arith.constant 0 : i32
        %dma_start3A_277 = tpu.memref_slice %arg14[%dma_start3A_275, %dma_start3A_276] : memref<8448x128xf32, #tpu.memory_space<vmem_shared>> -> memref<8448x128xf32, #tpu.memory_space<vmem_shared>>
        tpu.enqueue_indirect_dma source(%arg11 : memref<128x128xf32, #tpu.memory_space<vmem>>) target(%dma_start3A_277 : memref<8448x128xf32, #tpu.memory_space<vmem_shared>>) offsets(%arg8 : memref<128xi32, #tpu.memory_space<vmem>>) semaphore(%arg16 : memref<!tpu.dma_semaphore, #tpu.memory_space<semaphore_mem>>) {add = true}
      } else {
      }
      %mul3A_91 = arith.constant 2 : i32
      %mul3A_92 = arith.muli %while3A_82, %mul3A_91 : i32
      %add3A_93 = arith.constant 1 : i32
      %add3A_94 = arith.addi %mul3A_92, %add3A_93 : i32
      %lt3A_95 = arith.cmpi slt, %add3A_94, %squeeze3A : i32
      %convert_element_type3A_96 = arith.extui %lt3A_95 : i1 to i32
      %cond3A_97 = arith.constant 0 : i32
      %cond3A_98 = arith.cmpi ne, %convert_element_type3A_96, %cond3A_97 : i32
      scf.if %cond3A_98 {
        %mul3A_100 = arith.constant 128 : i32
        %mul3A_101 = arith.muli %add3A_94, %mul3A_100 : i32
        %add3A_102 = arith.constant 0 : i32
        %add3A_103 = arith.addi %mul3A_101, %add3A_102 : i32
        %get3A_104 = arith.index_cast %add3A_103 : i32 to index
        %get3A_105 = tpu.vector_load %arg6[%get3A_104] {strides = array<i32>} : memref<25216xi32, #tpu.memory_space<vmem>>, vector<16xi32>,
        %get3A_106 = vector.shape_cast %get3A_105 : vector<16xi32> to vector<16xi32>
        %shift_right_logical3A = arith.constant 14 : i32
        %shift_right_logical3A_107 = vector.broadcast %shift_right_logical3A : i32 to vector<16xi32>
        %shift_right_logical3A_108 = arith.shrui %get3A_106, %shift_right_logical3A_107 : vector<16xi32>
        %swap3A = arith.constant 0 : index
        %swap3A_109 = tpu.vector_load %arg9[%swap3A] {strides = array<i32>} : memref<128xi32, #tpu.memory_space<vmem>>, vector<16xi32>,
        %swap3A_110 = vector.shape_cast %swap3A_109 : vector<16xi32> to vector<16xi32>
        %swap3A_111 = vector.shape_cast %shift_right_logical3A_108 : vector<16xi32> to vector<16xi32>
        tpu.vector_store %arg9[%swap3A], %swap3A_111 {strides = array<i32>} : memref<128xi32, #tpu.memory_space<vmem>>, vector<16xi32>,
        %and3A_112 = arith.constant 16383 : i32
        %and3A_113 = vector.broadcast %and3A_112 : i32 to vector<16xi32>
        %and3A_114 = arith.andi %get3A_106, %and3A_113 : vector<16xi32>
        %swap3A_115 = arith.constant 0 : index
        %swap3A_116 = tpu.vector_load %arg10[%swap3A_115] {strides = array<i32>} : memref<128xi32, #tpu.memory_space<vmem>>, vector<16xi32>,
        %swap3A_117 = vector.shape_cast %swap3A_116 : vector<16xi32> to vector<16xi32>
        %swap3A_118 = vector.shape_cast %and3A_114 : vector<16xi32> to vector<16xi32>
        tpu.vector_store %arg10[%swap3A_115], %swap3A_118 {strides = array<i32>} : memref<128xi32, #tpu.memory_space<vmem>>, vector<16xi32>,
        %mul3A_119 = arith.constant 128 : i32
        %mul3A_120 = arith.muli %add3A_94, %mul3A_119 : i32
        %add3A_121 = arith.constant 16 : i32
        %add3A_122 = arith.addi %mul3A_120, %add3A_121 : i32
        %get3A_123 = arith.index_cast %add3A_122 : i32 to index
        %get3A_124 = tpu.vector_load %arg6[%get3A_123] {strides = array<i32>} : memref<25216xi32, #tpu.memory_space<vmem>>, vector<16xi32>,
        %get3A_125 = vector.shape_cast %get3A_124 : vector<16xi32> to vector<16xi32>
        %shift_right_logical3A_126 = arith.constant 14 : i32
        %shift_right_logical3A_127 = vector.broadcast %shift_right_logical3A_126 : i32 to vector<16xi32>
        %shift_right_logical3A_128 = arith.shrui %get3A_125, %shift_right_logical3A_127 : vector<16xi32>
        %swap3A_129 = arith.constant 16 : index
        %swap3A_130 = tpu.vector_load %arg9[%swap3A_129] {strides = array<i32>} : memref<128xi32, #tpu.memory_space<vmem>>, vector<16xi32>,
        %swap3A_131 = vector.shape_cast %swap3A_130 : vector<16xi32> to vector<16xi32>
        %swap3A_132 = vector.shape_cast %shift_right_logical3A_128 : vector<16xi32> to vector<16xi32>
        tpu.vector_store %arg9[%swap3A_129], %swap3A_132 {strides = array<i32>} : memref<128xi32, #tpu.memory_space<vmem>>, vector<16xi32>,
        %and3A_133 = arith.constant 16383 : i32
        %and3A_134 = vector.broadcast %and3A_133 : i32 to vector<16xi32>
        %and3A_135 = arith.andi %get3A_125, %and3A_134 : vector<16xi32>
        %swap3A_136 = arith.constant 16 : index
        %swap3A_137 = tpu.vector_load %arg10[%swap3A_136] {strides = array<i32>} : memref<128xi32, #tpu.memory_space<vmem>>, vector<16xi32>,
        %swap3A_138 = vector.shape_cast %swap3A_137 : vector<16xi32> to vector<16xi32>
        %swap3A_139 = vector.shape_cast %and3A_135 : vector<16xi32> to vector<16xi32>
        tpu.vector_store %arg10[%swap3A_136], %swap3A_139 {strides = array<i32>} : memref<128xi32, #tpu.memory_space<vmem>>, vector<16xi32>,
        %mul3A_140 = arith.constant 128 : i32
        %mul3A_141 = arith.muli %add3A_94, %mul3A_140 : i32
        %add3A_142 = arith.constant 32 : i32
        %add3A_143 = arith.addi %mul3A_141, %add3A_142 : i32
        %get3A_144 = arith.index_cast %add3A_143 : i32 to index
        %get3A_145 = tpu.vector_load %arg6[%get3A_144] {strides = array<i32>} : memref<25216xi32, #tpu.memory_space<vmem>>, vector<16xi32>,
        %get3A_146 = vector.shape_cast %get3A_145 : vector<16xi32> to vector<16xi32>
        %shift_right_logical3A_147 = arith.constant 14 : i32
        %shift_right_logical3A_148 = vector.broadcast %shift_right_logical3A_147 : i32 to vector<16xi32>
        %shift_right_logical3A_149 = arith.shrui %get3A_146, %shift_right_logical3A_148 : vector<16xi32>
        %swap3A_150 = arith.constant 32 : index
        %swap3A_151 = tpu.vector_load %arg9[%swap3A_150] {strides = array<i32>} : memref<128xi32, #tpu.memory_space<vmem>>, vector<16xi32>,
        %swap3A_152 = vector.shape_cast %swap3A_151 : vector<16xi32> to vector<16xi32>
        %swap3A_153 = vector.shape_cast %shift_right_logical3A_149 : vector<16xi32> to vector<16xi32>
        tpu.vector_store %arg9[%swap3A_150], %swap3A_153 {strides = array<i32>} : memref<128xi32, #tpu.memory_space<vmem>>, vector<16xi32>,
        %and3A_154 = arith.constant 16383 : i32
        %and3A_155 = vector.broadcast %and3A_154 : i32 to vector<16xi32>
        %and3A_156 = arith.andi %get3A_146, %and3A_155 : vector<16xi32>
        %swap3A_157 = arith.constant 32 : index
        %swap3A_158 = tpu.vector_load %arg10[%swap3A_157] {strides = array<i32>} : memref<128xi32, #tpu.memory_space<vmem>>, vector<16xi32>,
        %swap3A_159 = vector.shape_cast %swap3A_158 : vector<16xi32> to vector<16xi32>
        %swap3A_160 = vector.shape_cast %and3A_156 : vector<16xi32> to vector<16xi32>
        tpu.vector_store %arg10[%swap3A_157], %swap3A_160 {strides = array<i32>} : memref<128xi32, #tpu.memory_space<vmem>>, vector<16xi32>,
        %mul3A_161 = arith.constant 128 : i32
        %mul3A_162 = arith.muli %add3A_94, %mul3A_161 : i32
        %add3A_163 = arith.constant 48 : i32
        %add3A_164 = arith.addi %mul3A_162, %add3A_163 : i32
        %get3A_165 = arith.index_cast %add3A_164 : i32 to index
        %get3A_166 = tpu.vector_load %arg6[%get3A_165] {strides = array<i32>} : memref<25216xi32, #tpu.memory_space<vmem>>, vector<16xi32>,
        %get3A_167 = vector.shape_cast %get3A_166 : vector<16xi32> to vector<16xi32>
        %shift_right_logical3A_168 = arith.constant 14 : i32
        %shift_right_logical3A_169 = vector.broadcast %shift_right_logical3A_168 : i32 to vector<16xi32>
        %shift_right_logical3A_170 = arith.shrui %get3A_167, %shift_right_logical3A_169 : vector<16xi32>
        %swap3A_171 = arith.constant 48 : index
        %swap3A_172 = tpu.vector_load %arg9[%swap3A_171] {strides = array<i32>} : memref<128xi32, #tpu.memory_space<vmem>>, vector<16xi32>,
        %swap3A_173 = vector.shape_cast %swap3A_172 : vector<16xi32> to vector<16xi32>
        %swap3A_174 = vector.shape_cast %shift_right_logical3A_170 : vector<16xi32> to vector<16xi32>
        tpu.vector_store %arg9[%swap3A_171], %swap3A_174 {strides = array<i32>} : memref<128xi32, #tpu.memory_space<vmem>>, vector<16xi32>,
        %and3A_175 = arith.constant 16383 : i32
        %and3A_176 = vector.broadcast %and3A_175 : i32 to vector<16xi32>
        %and3A_177 = arith.andi %get3A_167, %and3A_176 : vector<16xi32>
        %swap3A_178 = arith.constant 48 : index
        %swap3A_179 = tpu.vector_load %arg10[%swap3A_178] {strides = array<i32>} : memref<128xi32, #tpu.memory_space<vmem>>, vector<16xi32>,
        %swap3A_180 = vector.shape_cast %swap3A_179 : vector<16xi32> to vector<16xi32>
        %swap3A_181 = vector.shape_cast %and3A_177 : vector<16xi32> to vector<16xi32>
        tpu.vector_store %arg10[%swap3A_178], %swap3A_181 {strides = array<i32>} : memref<128xi32, #tpu.memory_space<vmem>>, vector<16xi32>,
        %mul3A_182 = arith.constant 128 : i32
        %mul3A_183 = arith.muli %add3A_94, %mul3A_182 : i32
        %add3A_184 = arith.constant 64 : i32
        %add3A_185 = arith.addi %mul3A_183, %add3A_184 : i32
        %get3A_186 = arith.index_cast %add3A_185 : i32 to index
        %get3A_187 = tpu.vector_load %arg6[%get3A_186] {strides = array<i32>} : memref<25216xi32, #tpu.memory_space<vmem>>, vector<16xi32>,
        %get3A_188 = vector.shape_cast %get3A_187 : vector<16xi32> to vector<16xi32>
        %shift_right_logical3A_189 = arith.constant 14 : i32
        %shift_right_logical3A_190 = vector.broadcast %shift_right_logical3A_189 : i32 to vector<16xi32>
        %shift_right_logical3A_191 = arith.shrui %get3A_188, %shift_right_logical3A_190 : vector<16xi32>
        %swap3A_192 = arith.constant 64 : index
        %swap3A_193 = tpu.vector_load %arg9[%swap3A_192] {strides = array<i32>} : memref<128xi32, #tpu.memory_space<vmem>>, vector<16xi32>,
        %swap3A_194 = vector.shape_cast %swap3A_193 : vector<16xi32> to vector<16xi32>
        %swap3A_195 = vector.shape_cast %shift_right_logical3A_191 : vector<16xi32> to vector<16xi32>
        tpu.vector_store %arg9[%swap3A_192], %swap3A_195 {strides = array<i32>} : memref<128xi32, #tpu.memory_space<vmem>>, vector<16xi32>,
        %and3A_196 = arith.constant 16383 : i32
        %and3A_197 = vector.broadcast %and3A_196 : i32 to vector<16xi32>
        %and3A_198 = arith.andi %get3A_188, %and3A_197 : vector<16xi32>
        %swap3A_199 = arith.constant 64 : index
        %swap3A_200 = tpu.vector_load %arg10[%swap3A_199] {strides = array<i32>} : memref<128xi32, #tpu.memory_space<vmem>>, vector<16xi32>,
        %swap3A_201 = vector.shape_cast %swap3A_200 : vector<16xi32> to vector<16xi32>
        %swap3A_202 = vector.shape_cast %and3A_198 : vector<16xi32> to vector<16xi32>
        tpu.vector_store %arg10[%swap3A_199], %swap3A_202 {strides = array<i32>} : memref<128xi32, #tpu.memory_space<vmem>>, vector<16xi32>,
        %mul3A_203 = arith.constant 128 : i32
        %mul3A_204 = arith.muli %add3A_94, %mul3A_203 : i32
        %add3A_205 = arith.constant 80 : i32
        %add3A_206 = arith.addi %mul3A_204, %add3A_205 : i32
        %get3A_207 = arith.index_cast %add3A_206 : i32 to index
        %get3A_208 = tpu.vector_load %arg6[%get3A_207] {strides = array<i32>} : memref<25216xi32, #tpu.memory_space<vmem>>, vector<16xi32>,
        %get3A_209 = vector.shape_cast %get3A_208 : vector<16xi32> to vector<16xi32>
        %shift_right_logical3A_210 = arith.constant 14 : i32
        %shift_right_logical3A_211 = vector.broadcast %shift_right_logical3A_210 : i32 to vector<16xi32>
        %shift_right_logical3A_212 = arith.shrui %get3A_209, %shift_right_logical3A_211 : vector<16xi32>
        %swap3A_213 = arith.constant 80 : index
        %swap3A_214 = tpu.vector_load %arg9[%swap3A_213] {strides = array<i32>} : memref<128xi32, #tpu.memory_space<vmem>>, vector<16xi32>,
        %swap3A_215 = vector.shape_cast %swap3A_214 : vector<16xi32> to vector<16xi32>
        %swap3A_216 = vector.shape_cast %shift_right_logical3A_212 : vector<16xi32> to vector<16xi32>
        tpu.vector_store %arg9[%swap3A_213], %swap3A_216 {strides = array<i32>} : memref<128xi32, #tpu.memory_space<vmem>>, vector<16xi32>,
        %and3A_217 = arith.constant 16383 : i32
        %and3A_218 = vector.broadcast %and3A_217 : i32 to vector<16xi32>
        %and3A_219 = arith.andi %get3A_209, %and3A_218 : vector<16xi32>
        %swap3A_220 = arith.constant 80 : index
        %swap3A_221 = tpu.vector_load %arg10[%swap3A_220] {strides = array<i32>} : memref<128xi32, #tpu.memory_space<vmem>>, vector<16xi32>,
        %swap3A_222 = vector.shape_cast %swap3A_221 : vector<16xi32> to vector<16xi32>
        %swap3A_223 = vector.shape_cast %and3A_219 : vector<16xi32> to vector<16xi32>
        tpu.vector_store %arg10[%swap3A_220], %swap3A_223 {strides = array<i32>} : memref<128xi32, #tpu.memory_space<vmem>>, vector<16xi32>,
        %mul3A_224 = arith.constant 128 : i32
        %mul3A_225 = arith.muli %add3A_94, %mul3A_224 : i32
        %add3A_226 = arith.constant 96 : i32
        %add3A_227 = arith.addi %mul3A_225, %add3A_226 : i32
        %get3A_228 = arith.index_cast %add3A_227 : i32 to index
        %get3A_229 = tpu.vector_load %arg6[%get3A_228] {strides = array<i32>} : memref<25216xi32, #tpu.memory_space<vmem>>, vector<16xi32>,
        %get3A_230 = vector.shape_cast %get3A_229 : vector<16xi32> to vector<16xi32>
        %shift_right_logical3A_231 = arith.constant 14 : i32
        %shift_right_logical3A_232 = vector.broadcast %shift_right_logical3A_231 : i32 to vector<16xi32>
        %shift_right_logical3A_233 = arith.shrui %get3A_230, %shift_right_logical3A_232 : vector<16xi32>
        %swap3A_234 = arith.constant 96 : index
        %swap3A_235 = tpu.vector_load %arg9[%swap3A_234] {strides = array<i32>} : memref<128xi32, #tpu.memory_space<vmem>>, vector<16xi32>,
        %swap3A_236 = vector.shape_cast %swap3A_235 : vector<16xi32> to vector<16xi32>
        %swap3A_237 = vector.shape_cast %shift_right_logical3A_233 : vector<16xi32> to vector<16xi32>
        tpu.vector_store %arg9[%swap3A_234], %swap3A_237 {strides = array<i32>} : memref<128xi32, #tpu.memory_space<vmem>>, vector<16xi32>,
        %and3A_238 = arith.constant 16383 : i32
        %and3A_239 = vector.broadcast %and3A_238 : i32 to vector<16xi32>
        %and3A_240 = arith.andi %get3A_230, %and3A_239 : vector<16xi32>
        %swap3A_241 = arith.constant 96 : index
        %swap3A_242 = tpu.vector_load %arg10[%swap3A_241] {strides = array<i32>} : memref<128xi32, #tpu.memory_space<vmem>>, vector<16xi32>,
        %swap3A_243 = vector.shape_cast %swap3A_242 : vector<16xi32> to vector<16xi32>
        %swap3A_244 = vector.shape_cast %and3A_240 : vector<16xi32> to vector<16xi32>
        tpu.vector_store %arg10[%swap3A_241], %swap3A_244 {strides = array<i32>} : memref<128xi32, #tpu.memory_space<vmem>>, vector<16xi32>,
        %mul3A_245 = arith.constant 128 : i32
        %mul3A_246 = arith.muli %add3A_94, %mul3A_245 : i32
        %add3A_247 = arith.constant 112 : i32
        %add3A_248 = arith.addi %mul3A_246, %add3A_247 : i32
        %get3A_249 = arith.index_cast %add3A_248 : i32 to index
        %get3A_250 = tpu.vector_load %arg6[%get3A_249] {strides = array<i32>} : memref<25216xi32, #tpu.memory_space<vmem>>, vector<16xi32>,
        %get3A_251 = vector.shape_cast %get3A_250 : vector<16xi32> to vector<16xi32>
        %shift_right_logical3A_252 = arith.constant 14 : i32
        %shift_right_logical3A_253 = vector.broadcast %shift_right_logical3A_252 : i32 to vector<16xi32>
        %shift_right_logical3A_254 = arith.shrui %get3A_251, %shift_right_logical3A_253 : vector<16xi32>
        %swap3A_255 = arith.constant 112 : index
        %swap3A_256 = tpu.vector_load %arg9[%swap3A_255] {strides = array<i32>} : memref<128xi32, #tpu.memory_space<vmem>>, vector<16xi32>,
        %swap3A_257 = vector.shape_cast %swap3A_256 : vector<16xi32> to vector<16xi32>
        %swap3A_258 = vector.shape_cast %shift_right_logical3A_254 : vector<16xi32> to vector<16xi32>
        tpu.vector_store %arg9[%swap3A_255], %swap3A_258 {strides = array<i32>} : memref<128xi32, #tpu.memory_space<vmem>>, vector<16xi32>,
        %and3A_259 = arith.constant 16383 : i32
        %and3A_260 = vector.broadcast %and3A_259 : i32 to vector<16xi32>
        %and3A_261 = arith.andi %get3A_251, %and3A_260 : vector<16xi32>
        %swap3A_262 = arith.constant 112 : index
        %swap3A_263 = tpu.vector_load %arg10[%swap3A_262] {strides = array<i32>} : memref<128xi32, #tpu.memory_space<vmem>>, vector<16xi32>,
        %swap3A_264 = vector.shape_cast %swap3A_263 : vector<16xi32> to vector<16xi32>
        %swap3A_265 = vector.shape_cast %and3A_261 : vector<16xi32> to vector<16xi32>
        tpu.vector_store %arg10[%swap3A_262], %swap3A_265 {strides = array<i32>} : memref<128xi32, #tpu.memory_space<vmem>>, vector<16xi32>,
        %ge3A_266 = arith.constant 2 : i32
        %ge3A_267 = arith.cmpi sge, %add3A_94, %ge3A_266 : i32
        %convert_element_type3A_268 = arith.extui %ge3A_267 : i1 to i32
        %cond3A_269 = arith.constant 0 : i32
        %cond3A_270 = arith.cmpi ne, %convert_element_type3A_268, %cond3A_269 : i32
        scf.if %cond3A_270 {
          %dma_wait3A_278 = arith.constant 0 : i32
          %dma_wait3A_279 = arith.constant 0 : i32
          %dma_wait3A_280 = tpu.memref_slice %arg14[%dma_wait3A_278, %dma_wait3A_279] : memref<8448x128xf32, #tpu.memory_space<vmem_shared>> -> memref<8448x128xf32, #tpu.memory_space<vmem_shared>>
          tpu.wait_indirect_dma semaphore(%arg17 : memref<!tpu.dma_semaphore, #tpu.memory_space<semaphore_mem>>) src(%arg12 : memref<128x128xf32, #tpu.memory_space<vmem>>) dst(%dma_wait3A_280 : memref<8448x128xf32, #tpu.memory_space<vmem_shared>>)
        } else {
        }
        %dma_start3A = arith.constant 0 : i32
        %dma_start3A_271 = arith.constant 0 : i32
        %dma_start3A_272 = tpu.memref_slice %arg2[%dma_start3A, %dma_start3A_271] : memref<50176x128xf32, #tpu.memory_space<hbm>> -> memref<50176x128xf32, #tpu.memory_space<hbm>>
        tpu.enqueue_indirect_dma source(%dma_start3A_272 : memref<50176x128xf32, #tpu.memory_space<hbm>>) target(%arg12 : memref<128x128xf32, #tpu.memory_space<vmem>>) offsets(%arg9 : memref<128xi32, #tpu.memory_space<vmem>>) semaphore(%arg15 : memref<!tpu.dma_semaphore, #tpu.memory_space<semaphore_mem>>)
        %dma_wait3A = arith.constant 0 : i32
        %dma_wait3A_273 = arith.constant 0 : i32
        %dma_wait3A_274 = tpu.memref_slice %arg2[%dma_wait3A, %dma_wait3A_273] : memref<50176x128xf32, #tpu.memory_space<hbm>> -> memref<50176x128xf32, #tpu.memory_space<hbm>>
        tpu.wait_indirect_dma semaphore(%arg15 : memref<!tpu.dma_semaphore, #tpu.memory_space<semaphore_mem>>) src(%dma_wait3A_274 : memref<50176x128xf32, #tpu.memory_space<hbm>>) dst(%arg12 : memref<128x128xf32, #tpu.memory_space<vmem>>)
        %dma_start3A_275 = arith.constant 0 : i32
        %dma_start3A_276 = arith.constant 0 : i32
        %dma_start3A_277 = tpu.memref_slice %arg14[%dma_start3A_275, %dma_start3A_276] : memref<8448x128xf32, #tpu.memory_space<vmem_shared>> -> memref<8448x128xf32, #tpu.memory_space<vmem_shared>>
        tpu.enqueue_indirect_dma source(%arg12 : memref<128x128xf32, #tpu.memory_space<vmem>>) target(%dma_start3A_277 : memref<8448x128xf32, #tpu.memory_space<vmem_shared>>) offsets(%arg10 : memref<128xi32, #tpu.memory_space<vmem>>) semaphore(%arg17 : memref<!tpu.dma_semaphore, #tpu.memory_space<semaphore_mem>>) {add = true}
      } else {
      }
      %while3A_99 = arith.constant 0 : i32
      scf.yield %while3A_99 : i32
    }
    %while3A_48 = arith.constant 1 : i32
    %while3A_49 = scf.for %while3A_82 = %while3A_45 to %while3A_41 step %while3A_48 iter_args(%while3A_83 = %while3A_47) -> (i32)  : i32 {
      %mul3A_84 = arith.constant 2 : i32
      %mul3A_85 = arith.muli %while3A_82, %mul3A_84 : i32
      %add3A_86 = arith.constant 0 : i32
      %add3A_87 = arith.addi %mul3A_85, %add3A_86 : i32
      %lt3A = arith.cmpi slt, %add3A_87, %squeeze3A : i32
      %convert_element_type3A_88 = arith.extui %lt3A : i1 to i32
      %cond3A_89 = arith.constant 0 : i32
      %cond3A_90 = arith.cmpi ne, %convert_element_type3A_88, %cond3A_89 : i32
      scf.if %cond3A_90 {
        %mul3A_100 = arith.constant 128 : i32
        %mul3A_101 = arith.muli %add3A_87, %mul3A_100 : i32
        %add3A_102 = arith.constant 0 : i32
        %add3A_103 = arith.addi %mul3A_101, %add3A_102 : i32
        %get3A_104 = arith.index_cast %add3A_103 : i32 to index
        %get3A_105 = tpu.vector_load %arg6[%get3A_104] {strides = array<i32>} : memref<25216xi32, #tpu.memory_space<vmem>>, vector<16xi32>,
        %get3A_106 = vector.shape_cast %get3A_105 : vector<16xi32> to vector<16xi32>
        %shift_right_logical3A = arith.constant 14 : i32
        %shift_right_logical3A_107 = vector.broadcast %shift_right_logical3A : i32 to vector<16xi32>
        %shift_right_logical3A_108 = arith.shrui %get3A_106, %shift_right_logical3A_107 : vector<16xi32>
        %swap3A = arith.constant 0 : index
        %swap3A_109 = tpu.vector_load %arg7[%swap3A] {strides = array<i32>} : memref<128xi32, #tpu.memory_space<vmem>>, vector<16xi32>,
        %swap3A_110 = vector.shape_cast %swap3A_109 : vector<16xi32> to vector<16xi32>
        %swap3A_111 = vector.shape_cast %shift_right_logical3A_108 : vector<16xi32> to vector<16xi32>
        tpu.vector_store %arg7[%swap3A], %swap3A_111 {strides = array<i32>} : memref<128xi32, #tpu.memory_space<vmem>>, vector<16xi32>,
        %and3A_112 = arith.constant 16383 : i32
        %and3A_113 = vector.broadcast %and3A_112 : i32 to vector<16xi32>
        %and3A_114 = arith.andi %get3A_106, %and3A_113 : vector<16xi32>
        %swap3A_115 = arith.constant 0 : index
        %swap3A_116 = tpu.vector_load %arg8[%swap3A_115] {strides = array<i32>} : memref<128xi32, #tpu.memory_space<vmem>>, vector<16xi32>,
        %swap3A_117 = vector.shape_cast %swap3A_116 : vector<16xi32> to vector<16xi32>
        %swap3A_118 = vector.shape_cast %and3A_114 : vector<16xi32> to vector<16xi32>
        tpu.vector_store %arg8[%swap3A_115], %swap3A_118 {strides = array<i32>} : memref<128xi32, #tpu.memory_space<vmem>>, vector<16xi32>,
        %mul3A_119 = arith.constant 128 : i32
        %mul3A_120 = arith.muli %add3A_87, %mul3A_119 : i32
        %add3A_121 = arith.constant 16 : i32
        %add3A_122 = arith.addi %mul3A_120, %add3A_121 : i32
        %get3A_123 = arith.index_cast %add3A_122 : i32 to index
        %get3A_124 = tpu.vector_load %arg6[%get3A_123] {strides = array<i32>} : memref<25216xi32, #tpu.memory_space<vmem>>, vector<16xi32>,
        %get3A_125 = vector.shape_cast %get3A_124 : vector<16xi32> to vector<16xi32>
        %shift_right_logical3A_126 = arith.constant 14 : i32
        %shift_right_logical3A_127 = vector.broadcast %shift_right_logical3A_126 : i32 to vector<16xi32>
        %shift_right_logical3A_128 = arith.shrui %get3A_125, %shift_right_logical3A_127 : vector<16xi32>
        %swap3A_129 = arith.constant 16 : index
        %swap3A_130 = tpu.vector_load %arg7[%swap3A_129] {strides = array<i32>} : memref<128xi32, #tpu.memory_space<vmem>>, vector<16xi32>,
        %swap3A_131 = vector.shape_cast %swap3A_130 : vector<16xi32> to vector<16xi32>
        %swap3A_132 = vector.shape_cast %shift_right_logical3A_128 : vector<16xi32> to vector<16xi32>
        tpu.vector_store %arg7[%swap3A_129], %swap3A_132 {strides = array<i32>} : memref<128xi32, #tpu.memory_space<vmem>>, vector<16xi32>,
        %and3A_133 = arith.constant 16383 : i32
        %and3A_134 = vector.broadcast %and3A_133 : i32 to vector<16xi32>
        %and3A_135 = arith.andi %get3A_125, %and3A_134 : vector<16xi32>
        %swap3A_136 = arith.constant 16 : index
        %swap3A_137 = tpu.vector_load %arg8[%swap3A_136] {strides = array<i32>} : memref<128xi32, #tpu.memory_space<vmem>>, vector<16xi32>,
        %swap3A_138 = vector.shape_cast %swap3A_137 : vector<16xi32> to vector<16xi32>
        %swap3A_139 = vector.shape_cast %and3A_135 : vector<16xi32> to vector<16xi32>
        tpu.vector_store %arg8[%swap3A_136], %swap3A_139 {strides = array<i32>} : memref<128xi32, #tpu.memory_space<vmem>>, vector<16xi32>,
        %mul3A_140 = arith.constant 128 : i32
        %mul3A_141 = arith.muli %add3A_87, %mul3A_140 : i32
        %add3A_142 = arith.constant 32 : i32
        %add3A_143 = arith.addi %mul3A_141, %add3A_142 : i32
        %get3A_144 = arith.index_cast %add3A_143 : i32 to index
        %get3A_145 = tpu.vector_load %arg6[%get3A_144] {strides = array<i32>} : memref<25216xi32, #tpu.memory_space<vmem>>, vector<16xi32>,
        %get3A_146 = vector.shape_cast %get3A_145 : vector<16xi32> to vector<16xi32>
        %shift_right_logical3A_147 = arith.constant 14 : i32
        %shift_right_logical3A_148 = vector.broadcast %shift_right_logical3A_147 : i32 to vector<16xi32>
        %shift_right_logical3A_149 = arith.shrui %get3A_146, %shift_right_logical3A_148 : vector<16xi32>
        %swap3A_150 = arith.constant 32 : index
        %swap3A_151 = tpu.vector_load %arg7[%swap3A_150] {strides = array<i32>} : memref<128xi32, #tpu.memory_space<vmem>>, vector<16xi32>,
        %swap3A_152 = vector.shape_cast %swap3A_151 : vector<16xi32> to vector<16xi32>
        %swap3A_153 = vector.shape_cast %shift_right_logical3A_149 : vector<16xi32> to vector<16xi32>
        tpu.vector_store %arg7[%swap3A_150], %swap3A_153 {strides = array<i32>} : memref<128xi32, #tpu.memory_space<vmem>>, vector<16xi32>,
        %and3A_154 = arith.constant 16383 : i32
        %and3A_155 = vector.broadcast %and3A_154 : i32 to vector<16xi32>
        %and3A_156 = arith.andi %get3A_146, %and3A_155 : vector<16xi32>
        %swap3A_157 = arith.constant 32 : index
        %swap3A_158 = tpu.vector_load %arg8[%swap3A_157] {strides = array<i32>} : memref<128xi32, #tpu.memory_space<vmem>>, vector<16xi32>,
        %swap3A_159 = vector.shape_cast %swap3A_158 : vector<16xi32> to vector<16xi32>
        %swap3A_160 = vector.shape_cast %and3A_156 : vector<16xi32> to vector<16xi32>
        tpu.vector_store %arg8[%swap3A_157], %swap3A_160 {strides = array<i32>} : memref<128xi32, #tpu.memory_space<vmem>>, vector<16xi32>,
        %mul3A_161 = arith.constant 128 : i32
        %mul3A_162 = arith.muli %add3A_87, %mul3A_161 : i32
        %add3A_163 = arith.constant 48 : i32
        %add3A_164 = arith.addi %mul3A_162, %add3A_163 : i32
        %get3A_165 = arith.index_cast %add3A_164 : i32 to index
        %get3A_166 = tpu.vector_load %arg6[%get3A_165] {strides = array<i32>} : memref<25216xi32, #tpu.memory_space<vmem>>, vector<16xi32>,
        %get3A_167 = vector.shape_cast %get3A_166 : vector<16xi32> to vector<16xi32>
        %shift_right_logical3A_168 = arith.constant 14 : i32
        %shift_right_logical3A_169 = vector.broadcast %shift_right_logical3A_168 : i32 to vector<16xi32>
        %shift_right_logical3A_170 = arith.shrui %get3A_167, %shift_right_logical3A_169 : vector<16xi32>
        %swap3A_171 = arith.constant 48 : index
        %swap3A_172 = tpu.vector_load %arg7[%swap3A_171] {strides = array<i32>} : memref<128xi32, #tpu.memory_space<vmem>>, vector<16xi32>,
        %swap3A_173 = vector.shape_cast %swap3A_172 : vector<16xi32> to vector<16xi32>
        %swap3A_174 = vector.shape_cast %shift_right_logical3A_170 : vector<16xi32> to vector<16xi32>
        tpu.vector_store %arg7[%swap3A_171], %swap3A_174 {strides = array<i32>} : memref<128xi32, #tpu.memory_space<vmem>>, vector<16xi32>,
        %and3A_175 = arith.constant 16383 : i32
        %and3A_176 = vector.broadcast %and3A_175 : i32 to vector<16xi32>
        %and3A_177 = arith.andi %get3A_167, %and3A_176 : vector<16xi32>
        %swap3A_178 = arith.constant 48 : index
        %swap3A_179 = tpu.vector_load %arg8[%swap3A_178] {strides = array<i32>} : memref<128xi32, #tpu.memory_space<vmem>>, vector<16xi32>,
        %swap3A_180 = vector.shape_cast %swap3A_179 : vector<16xi32> to vector<16xi32>
        %swap3A_181 = vector.shape_cast %and3A_177 : vector<16xi32> to vector<16xi32>
        tpu.vector_store %arg8[%swap3A_178], %swap3A_181 {strides = array<i32>} : memref<128xi32, #tpu.memory_space<vmem>>, vector<16xi32>,
        %mul3A_182 = arith.constant 128 : i32
        %mul3A_183 = arith.muli %add3A_87, %mul3A_182 : i32
        %add3A_184 = arith.constant 64 : i32
        %add3A_185 = arith.addi %mul3A_183, %add3A_184 : i32
        %get3A_186 = arith.index_cast %add3A_185 : i32 to index
        %get3A_187 = tpu.vector_load %arg6[%get3A_186] {strides = array<i32>} : memref<25216xi32, #tpu.memory_space<vmem>>, vector<16xi32>,
        %get3A_188 = vector.shape_cast %get3A_187 : vector<16xi32> to vector<16xi32>
        %shift_right_logical3A_189 = arith.constant 14 : i32
        %shift_right_logical3A_190 = vector.broadcast %shift_right_logical3A_189 : i32 to vector<16xi32>
        %shift_right_logical3A_191 = arith.shrui %get3A_188, %shift_right_logical3A_190 : vector<16xi32>
        %swap3A_192 = arith.constant 64 : index
        %swap3A_193 = tpu.vector_load %arg7[%swap3A_192] {strides = array<i32>} : memref<128xi32, #tpu.memory_space<vmem>>, vector<16xi32>,
        %swap3A_194 = vector.shape_cast %swap3A_193 : vector<16xi32> to vector<16xi32>
        %swap3A_195 = vector.shape_cast %shift_right_logical3A_191 : vector<16xi32> to vector<16xi32>
        tpu.vector_store %arg7[%swap3A_192], %swap3A_195 {strides = array<i32>} : memref<128xi32, #tpu.memory_space<vmem>>, vector<16xi32>,
        %and3A_196 = arith.constant 16383 : i32
        %and3A_197 = vector.broadcast %and3A_196 : i32 to vector<16xi32>
        %and3A_198 = arith.andi %get3A_188, %and3A_197 : vector<16xi32>
        %swap3A_199 = arith.constant 64 : index
        %swap3A_200 = tpu.vector_load %arg8[%swap3A_199] {strides = array<i32>} : memref<128xi32, #tpu.memory_space<vmem>>, vector<16xi32>,
        %swap3A_201 = vector.shape_cast %swap3A_200 : vector<16xi32> to vector<16xi32>
        %swap3A_202 = vector.shape_cast %and3A_198 : vector<16xi32> to vector<16xi32>
        tpu.vector_store %arg8[%swap3A_199], %swap3A_202 {strides = array<i32>} : memref<128xi32, #tpu.memory_space<vmem>>, vector<16xi32>,
        %mul3A_203 = arith.constant 128 : i32
        %mul3A_204 = arith.muli %add3A_87, %mul3A_203 : i32
        %add3A_205 = arith.constant 80 : i32
        %add3A_206 = arith.addi %mul3A_204, %add3A_205 : i32
        %get3A_207 = arith.index_cast %add3A_206 : i32 to index
        %get3A_208 = tpu.vector_load %arg6[%get3A_207] {strides = array<i32>} : memref<25216xi32, #tpu.memory_space<vmem>>, vector<16xi32>,
        %get3A_209 = vector.shape_cast %get3A_208 : vector<16xi32> to vector<16xi32>
        %shift_right_logical3A_210 = arith.constant 14 : i32
        %shift_right_logical3A_211 = vector.broadcast %shift_right_logical3A_210 : i32 to vector<16xi32>
        %shift_right_logical3A_212 = arith.shrui %get3A_209, %shift_right_logical3A_211 : vector<16xi32>
        %swap3A_213 = arith.constant 80 : index
        %swap3A_214 = tpu.vector_load %arg7[%swap3A_213] {strides = array<i32>} : memref<128xi32, #tpu.memory_space<vmem>>, vector<16xi32>,
        %swap3A_215 = vector.shape_cast %swap3A_214 : vector<16xi32> to vector<16xi32>
        %swap3A_216 = vector.shape_cast %shift_right_logical3A_212 : vector<16xi32> to vector<16xi32>
        tpu.vector_store %arg7[%swap3A_213], %swap3A_216 {strides = array<i32>} : memref<128xi32, #tpu.memory_space<vmem>>, vector<16xi32>,
        %and3A_217 = arith.constant 16383 : i32
        %and3A_218 = vector.broadcast %and3A_217 : i32 to vector<16xi32>
        %and3A_219 = arith.andi %get3A_209, %and3A_218 : vector<16xi32>
        %swap3A_220 = arith.constant 80 : index
        %swap3A_221 = tpu.vector_load %arg8[%swap3A_220] {strides = array<i32>} : memref<128xi32, #tpu.memory_space<vmem>>, vector<16xi32>,
        %swap3A_222 = vector.shape_cast %swap3A_221 : vector<16xi32> to vector<16xi32>
        %swap3A_223 = vector.shape_cast %and3A_219 : vector<16xi32> to vector<16xi32>
        tpu.vector_store %arg8[%swap3A_220], %swap3A_223 {strides = array<i32>} : memref<128xi32, #tpu.memory_space<vmem>>, vector<16xi32>,
        %mul3A_224 = arith.constant 128 : i32
        %mul3A_225 = arith.muli %add3A_87, %mul3A_224 : i32
        %add3A_226 = arith.constant 96 : i32
        %add3A_227 = arith.addi %mul3A_225, %add3A_226 : i32
        %get3A_228 = arith.index_cast %add3A_227 : i32 to index
        %get3A_229 = tpu.vector_load %arg6[%get3A_228] {strides = array<i32>} : memref<25216xi32, #tpu.memory_space<vmem>>, vector<16xi32>,
        %get3A_230 = vector.shape_cast %get3A_229 : vector<16xi32> to vector<16xi32>
        %shift_right_logical3A_231 = arith.constant 14 : i32
        %shift_right_logical3A_232 = vector.broadcast %shift_right_logical3A_231 : i32 to vector<16xi32>
        %shift_right_logical3A_233 = arith.shrui %get3A_230, %shift_right_logical3A_232 : vector<16xi32>
        %swap3A_234 = arith.constant 96 : index
        %swap3A_235 = tpu.vector_load %arg7[%swap3A_234] {strides = array<i32>} : memref<128xi32, #tpu.memory_space<vmem>>, vector<16xi32>,
        %swap3A_236 = vector.shape_cast %swap3A_235 : vector<16xi32> to vector<16xi32>
        %swap3A_237 = vector.shape_cast %shift_right_logical3A_233 : vector<16xi32> to vector<16xi32>
        tpu.vector_store %arg7[%swap3A_234], %swap3A_237 {strides = array<i32>} : memref<128xi32, #tpu.memory_space<vmem>>, vector<16xi32>,
        %and3A_238 = arith.constant 16383 : i32
        %and3A_239 = vector.broadcast %and3A_238 : i32 to vector<16xi32>
        %and3A_240 = arith.andi %get3A_230, %and3A_239 : vector<16xi32>
        %swap3A_241 = arith.constant 96 : index
        %swap3A_242 = tpu.vector_load %arg8[%swap3A_241] {strides = array<i32>} : memref<128xi32, #tpu.memory_space<vmem>>, vector<16xi32>,
        %swap3A_243 = vector.shape_cast %swap3A_242 : vector<16xi32> to vector<16xi32>
        %swap3A_244 = vector.shape_cast %and3A_240 : vector<16xi32> to vector<16xi32>
        tpu.vector_store %arg8[%swap3A_241], %swap3A_244 {strides = array<i32>} : memref<128xi32, #tpu.memory_space<vmem>>, vector<16xi32>,
        %mul3A_245 = arith.constant 128 : i32
        %mul3A_246 = arith.muli %add3A_87, %mul3A_245 : i32
        %add3A_247 = arith.constant 112 : i32
        %add3A_248 = arith.addi %mul3A_246, %add3A_247 : i32
        %get3A_249 = arith.index_cast %add3A_248 : i32 to index
        %get3A_250 = tpu.vector_load %arg6[%get3A_249] {strides = array<i32>} : memref<25216xi32, #tpu.memory_space<vmem>>, vector<16xi32>,
        %get3A_251 = vector.shape_cast %get3A_250 : vector<16xi32> to vector<16xi32>
        %shift_right_logical3A_252 = arith.constant 14 : i32
        %shift_right_logical3A_253 = vector.broadcast %shift_right_logical3A_252 : i32 to vector<16xi32>
        %shift_right_logical3A_254 = arith.shrui %get3A_251, %shift_right_logical3A_253 : vector<16xi32>
        %swap3A_255 = arith.constant 112 : index
        %swap3A_256 = tpu.vector_load %arg7[%swap3A_255] {strides = array<i32>} : memref<128xi32, #tpu.memory_space<vmem>>, vector<16xi32>,
        %swap3A_257 = vector.shape_cast %swap3A_256 : vector<16xi32> to vector<16xi32>
        %swap3A_258 = vector.shape_cast %shift_right_logical3A_254 : vector<16xi32> to vector<16xi32>
        tpu.vector_store %arg7[%swap3A_255], %swap3A_258 {strides = array<i32>} : memref<128xi32, #tpu.memory_space<vmem>>, vector<16xi32>,
        %and3A_259 = arith.constant 16383 : i32
        %and3A_260 = vector.broadcast %and3A_259 : i32 to vector<16xi32>
        %and3A_261 = arith.andi %get3A_251, %and3A_260 : vector<16xi32>
        %swap3A_262 = arith.constant 112 : index
        %swap3A_263 = tpu.vector_load %arg8[%swap3A_262] {strides = array<i32>} : memref<128xi32, #tpu.memory_space<vmem>>, vector<16xi32>,
        %swap3A_264 = vector.shape_cast %swap3A_263 : vector<16xi32> to vector<16xi32>
        %swap3A_265 = vector.shape_cast %and3A_261 : vector<16xi32> to vector<16xi32>
        tpu.vector_store %arg8[%swap3A_262], %swap3A_265 {strides = array<i32>} : memref<128xi32, #tpu.memory_space<vmem>>, vector<16xi32>,
        %ge3A_266 = arith.constant 2 : i32
        %ge3A_267 = arith.cmpi sge, %add3A_87, %ge3A_266 : i32
        %convert_element_type3A_268 = arith.extui %ge3A_267 : i1 to i32
        %cond3A_269 = arith.constant 0 : i32
        %cond3A_270 = arith.cmpi ne, %convert_element_type3A_268, %cond3A_269 : i32
        scf.if %cond3A_270 {
          %dma_wait3A_278 = arith.constant 0 : i32
          %dma_wait3A_279 = arith.constant 0 : i32
          %dma_wait3A_280 = tpu.memref_slice %arg14[%dma_wait3A_278, %dma_wait3A_279] : memref<8448x128xf32, #tpu.memory_space<vmem_shared>> -> memref<8448x128xf32, #tpu.memory_space<vmem_shared>>
          tpu.wait_indirect_dma semaphore(%arg16 : memref<!tpu.dma_semaphore, #tpu.memory_space<semaphore_mem>>) src(%arg11 : memref<128x128xf32, #tpu.memory_space<vmem>>) dst(%dma_wait3A_280 : memref<8448x128xf32, #tpu.memory_space<vmem_shared>>)
        } else {
        }
        %dma_start3A = arith.constant 0 : i32
        %dma_start3A_271 = arith.constant 0 : i32
        %dma_start3A_272 = tpu.memref_slice %arg2[%dma_start3A, %dma_start3A_271] : memref<50176x128xf32, #tpu.memory_space<hbm>> -> memref<50176x128xf32, #tpu.memory_space<hbm>>
        tpu.enqueue_indirect_dma source(%dma_start3A_272 : memref<50176x128xf32, #tpu.memory_space<hbm>>) target(%arg11 : memref<128x128xf32, #tpu.memory_space<vmem>>) offsets(%arg7 : memref<128xi32, #tpu.memory_space<vmem>>) semaphore(%arg15 : memref<!tpu.dma_semaphore, #tpu.memory_space<semaphore_mem>>)
        %dma_wait3A = arith.constant 0 : i32
        %dma_wait3A_273 = arith.constant 0 : i32
        %dma_wait3A_274 = tpu.memref_slice %arg2[%dma_wait3A, %dma_wait3A_273] : memref<50176x128xf32, #tpu.memory_space<hbm>> -> memref<50176x128xf32, #tpu.memory_space<hbm>>
        tpu.wait_indirect_dma semaphore(%arg15 : memref<!tpu.dma_semaphore, #tpu.memory_space<semaphore_mem>>) src(%dma_wait3A_274 : memref<50176x128xf32, #tpu.memory_space<hbm>>) dst(%arg11 : memref<128x128xf32, #tpu.memory_space<vmem>>)
        %dma_start3A_275 = arith.constant 0 : i32
        %dma_start3A_276 = arith.constant 0 : i32
        %dma_start3A_277 = tpu.memref_slice %arg14[%dma_start3A_275, %dma_start3A_276] : memref<8448x128xf32, #tpu.memory_space<vmem_shared>> -> memref<8448x128xf32, #tpu.memory_space<vmem_shared>>
        tpu.enqueue_indirect_dma source(%arg11 : memref<128x128xf32, #tpu.memory_space<vmem>>) target(%dma_start3A_277 : memref<8448x128xf32, #tpu.memory_space<vmem_shared>>) offsets(%arg8 : memref<128xi32, #tpu.memory_space<vmem>>) semaphore(%arg16 : memref<!tpu.dma_semaphore, #tpu.memory_space<semaphore_mem>>) {add = true}
      } else {
      }
      %mul3A_91 = arith.constant 2 : i32
      %mul3A_92 = arith.muli %while3A_82, %mul3A_91 : i32
      %add3A_93 = arith.constant 1 : i32
      %add3A_94 = arith.addi %mul3A_92, %add3A_93 : i32
      %lt3A_95 = arith.cmpi slt, %add3A_94, %squeeze3A : i32
      %convert_element_type3A_96 = arith.extui %lt3A_95 : i1 to i32
      %cond3A_97 = arith.constant 0 : i32
      %cond3A_98 = arith.cmpi ne, %convert_element_type3A_96, %cond3A_97 : i32
      scf.if %cond3A_98 {
        %mul3A_100 = arith.constant 128 : i32
        %mul3A_101 = arith.muli %add3A_94, %mul3A_100 : i32
        %add3A_102 = arith.constant 0 : i32
        %add3A_103 = arith.addi %mul3A_101, %add3A_102 : i32
        %get3A_104 = arith.index_cast %add3A_103 : i32 to index
        %get3A_105 = tpu.vector_load %arg6[%get3A_104] {strides = array<i32>} : memref<25216xi32, #tpu.memory_space<vmem>>, vector<16xi32>,
        %get3A_106 = vector.shape_cast %get3A_105 : vector<16xi32> to vector<16xi32>
        %shift_right_logical3A = arith.constant 14 : i32
        %shift_right_logical3A_107 = vector.broadcast %shift_right_logical3A : i32 to vector<16xi32>
        %shift_right_logical3A_108 = arith.shrui %get3A_106, %shift_right_logical3A_107 : vector<16xi32>
        %swap3A = arith.constant 0 : index
        %swap3A_109 = tpu.vector_load %arg9[%swap3A] {strides = array<i32>} : memref<128xi32, #tpu.memory_space<vmem>>, vector<16xi32>,
        %swap3A_110 = vector.shape_cast %swap3A_109 : vector<16xi32> to vector<16xi32>
        %swap3A_111 = vector.shape_cast %shift_right_logical3A_108 : vector<16xi32> to vector<16xi32>
        tpu.vector_store %arg9[%swap3A], %swap3A_111 {strides = array<i32>} : memref<128xi32, #tpu.memory_space<vmem>>, vector<16xi32>,
        %and3A_112 = arith.constant 16383 : i32
        %and3A_113 = vector.broadcast %and3A_112 : i32 to vector<16xi32>
        %and3A_114 = arith.andi %get3A_106, %and3A_113 : vector<16xi32>
        %swap3A_115 = arith.constant 0 : index
        %swap3A_116 = tpu.vector_load %arg10[%swap3A_115] {strides = array<i32>} : memref<128xi32, #tpu.memory_space<vmem>>, vector<16xi32>,
        %swap3A_117 = vector.shape_cast %swap3A_116 : vector<16xi32> to vector<16xi32>
        %swap3A_118 = vector.shape_cast %and3A_114 : vector<16xi32> to vector<16xi32>
        tpu.vector_store %arg10[%swap3A_115], %swap3A_118 {strides = array<i32>} : memref<128xi32, #tpu.memory_space<vmem>>, vector<16xi32>,
        %mul3A_119 = arith.constant 128 : i32
        %mul3A_120 = arith.muli %add3A_94, %mul3A_119 : i32
        %add3A_121 = arith.constant 16 : i32
        %add3A_122 = arith.addi %mul3A_120, %add3A_121 : i32
        %get3A_123 = arith.index_cast %add3A_122 : i32 to index
        %get3A_124 = tpu.vector_load %arg6[%get3A_123] {strides = array<i32>} : memref<25216xi32, #tpu.memory_space<vmem>>, vector<16xi32>,
        %get3A_125 = vector.shape_cast %get3A_124 : vector<16xi32> to vector<16xi32>
        %shift_right_logical3A_126 = arith.constant 14 : i32
        %shift_right_logical3A_127 = vector.broadcast %shift_right_logical3A_126 : i32 to vector<16xi32>
        %shift_right_logical3A_128 = arith.shrui %get3A_125, %shift_right_logical3A_127 : vector<16xi32>
        %swap3A_129 = arith.constant 16 : index
        %swap3A_130 = tpu.vector_load %arg9[%swap3A_129] {strides = array<i32>} : memref<128xi32, #tpu.memory_space<vmem>>, vector<16xi32>,
        %swap3A_131 = vector.shape_cast %swap3A_130 : vector<16xi32> to vector<16xi32>
        %swap3A_132 = vector.shape_cast %shift_right_logical3A_128 : vector<16xi32> to vector<16xi32>
        tpu.vector_store %arg9[%swap3A_129], %swap3A_132 {strides = array<i32>} : memref<128xi32, #tpu.memory_space<vmem>>, vector<16xi32>,
        %and3A_133 = arith.constant 16383 : i32
        %and3A_134 = vector.broadcast %and3A_133 : i32 to vector<16xi32>
        %and3A_135 = arith.andi %get3A_125, %and3A_134 : vector<16xi32>
        %swap3A_136 = arith.constant 16 : index
        %swap3A_137 = tpu.vector_load %arg10[%swap3A_136] {strides = array<i32>} : memref<128xi32, #tpu.memory_space<vmem>>, vector<16xi32>,
        %swap3A_138 = vector.shape_cast %swap3A_137 : vector<16xi32> to vector<16xi32>
        %swap3A_139 = vector.shape_cast %and3A_135 : vector<16xi32> to vector<16xi32>
        tpu.vector_store %arg10[%swap3A_136], %swap3A_139 {strides = array<i32>} : memref<128xi32, #tpu.memory_space<vmem>>, vector<16xi32>,
        %mul3A_140 = arith.constant 128 : i32
        %mul3A_141 = arith.muli %add3A_94, %mul3A_140 : i32
        %add3A_142 = arith.constant 32 : i32
        %add3A_143 = arith.addi %mul3A_141, %add3A_142 : i32
        %get3A_144 = arith.index_cast %add3A_143 : i32 to index
        %get3A_145 = tpu.vector_load %arg6[%get3A_144] {strides = array<i32>} : memref<25216xi32, #tpu.memory_space<vmem>>, vector<16xi32>,
        %get3A_146 = vector.shape_cast %get3A_145 : vector<16xi32> to vector<16xi32>
        %shift_right_logical3A_147 = arith.constant 14 : i32
        %shift_right_logical3A_148 = vector.broadcast %shift_right_logical3A_147 : i32 to vector<16xi32>
        %shift_right_logical3A_149 = arith.shrui %get3A_146, %shift_right_logical3A_148 : vector<16xi32>
        %swap3A_150 = arith.constant 32 : index
        %swap3A_151 = tpu.vector_load %arg9[%swap3A_150] {strides = array<i32>} : memref<128xi32, #tpu.memory_space<vmem>>, vector<16xi32>,
        %swap3A_152 = vector.shape_cast %swap3A_151 : vector<16xi32> to vector<16xi32>
        %swap3A_153 = vector.shape_cast %shift_right_logical3A_149 : vector<16xi32> to vector<16xi32>
        tpu.vector_store %arg9[%swap3A_150], %swap3A_153 {strides = array<i32>} : memref<128xi32, #tpu.memory_space<vmem>>, vector<16xi32>,
        %and3A_154 = arith.constant 16383 : i32
        %and3A_155 = vector.broadcast %and3A_154 : i32 to vector<16xi32>
        %and3A_156 = arith.andi %get3A_146, %and3A_155 : vector<16xi32>
        %swap3A_157 = arith.constant 32 : index
        %swap3A_158 = tpu.vector_load %arg10[%swap3A_157] {strides = array<i32>} : memref<128xi32, #tpu.memory_space<vmem>>, vector<16xi32>,
        %swap3A_159 = vector.shape_cast %swap3A_158 : vector<16xi32> to vector<16xi32>
        %swap3A_160 = vector.shape_cast %and3A_156 : vector<16xi32> to vector<16xi32>
        tpu.vector_store %arg10[%swap3A_157], %swap3A_160 {strides = array<i32>} : memref<128xi32, #tpu.memory_space<vmem>>, vector<16xi32>,
        %mul3A_161 = arith.constant 128 : i32
        %mul3A_162 = arith.muli %add3A_94, %mul3A_161 : i32
        %add3A_163 = arith.constant 48 : i32
        %add3A_164 = arith.addi %mul3A_162, %add3A_163 : i32
        %get3A_165 = arith.index_cast %add3A_164 : i32 to index
        %get3A_166 = tpu.vector_load %arg6[%get3A_165] {strides = array<i32>} : memref<25216xi32, #tpu.memory_space<vmem>>, vector<16xi32>,
        %get3A_167 = vector.shape_cast %get3A_166 : vector<16xi32> to vector<16xi32>
        %shift_right_logical3A_168 = arith.constant 14 : i32
        %shift_right_logical3A_169 = vector.broadcast %shift_right_logical3A_168 : i32 to vector<16xi32>
        %shift_right_logical3A_170 = arith.shrui %get3A_167, %shift_right_logical3A_169 : vector<16xi32>
        %swap3A_171 = arith.constant 48 : index
        %swap3A_172 = tpu.vector_load %arg9[%swap3A_171] {strides = array<i32>} : memref<128xi32, #tpu.memory_space<vmem>>, vector<16xi32>,
        %swap3A_173 = vector.shape_cast %swap3A_172 : vector<16xi32> to vector<16xi32>
        %swap3A_174 = vector.shape_cast %shift_right_logical3A_170 : vector<16xi32> to vector<16xi32>
        tpu.vector_store %arg9[%swap3A_171], %swap3A_174 {strides = array<i32>} : memref<128xi32, #tpu.memory_space<vmem>>, vector<16xi32>,
        %and3A_175 = arith.constant 16383 : i32
        %and3A_176 = vector.broadcast %and3A_175 : i32 to vector<16xi32>
        %and3A_177 = arith.andi %get3A_167, %and3A_176 : vector<16xi32>
        %swap3A_178 = arith.constant 48 : index
        %swap3A_179 = tpu.vector_load %arg10[%swap3A_178] {strides = array<i32>} : memref<128xi32, #tpu.memory_space<vmem>>, vector<16xi32>,
        %swap3A_180 = vector.shape_cast %swap3A_179 : vector<16xi32> to vector<16xi32>
        %swap3A_181 = vector.shape_cast %and3A_177 : vector<16xi32> to vector<16xi32>
        tpu.vector_store %arg10[%swap3A_178], %swap3A_181 {strides = array<i32>} : memref<128xi32, #tpu.memory_space<vmem>>, vector<16xi32>,
        %mul3A_182 = arith.constant 128 : i32
        %mul3A_183 = arith.muli %add3A_94, %mul3A_182 : i32
        %add3A_184 = arith.constant 64 : i32
        %add3A_185 = arith.addi %mul3A_183, %add3A_184 : i32
        %get3A_186 = arith.index_cast %add3A_185 : i32 to index
        %get3A_187 = tpu.vector_load %arg6[%get3A_186] {strides = array<i32>} : memref<25216xi32, #tpu.memory_space<vmem>>, vector<16xi32>,
        %get3A_188 = vector.shape_cast %get3A_187 : vector<16xi32> to vector<16xi32>
        %shift_right_logical3A_189 = arith.constant 14 : i32
        %shift_right_logical3A_190 = vector.broadcast %shift_right_logical3A_189 : i32 to vector<16xi32>
        %shift_right_logical3A_191 = arith.shrui %get3A_188, %shift_right_logical3A_190 : vector<16xi32>
        %swap3A_192 = arith.constant 64 : index
        %swap3A_193 = tpu.vector_load %arg9[%swap3A_192] {strides = array<i32>} : memref<128xi32, #tpu.memory_space<vmem>>, vector<16xi32>,
        %swap3A_194 = vector.shape_cast %swap3A_193 : vector<16xi32> to vector<16xi32>
        %swap3A_195 = vector.shape_cast %shift_right_logical3A_191 : vector<16xi32> to vector<16xi32>
        tpu.vector_store %arg9[%swap3A_192], %swap3A_195 {strides = array<i32>} : memref<128xi32, #tpu.memory_space<vmem>>, vector<16xi32>,
        %and3A_196 = arith.constant 16383 : i32
        %and3A_197 = vector.broadcast %and3A_196 : i32 to vector<16xi32>
        %and3A_198 = arith.andi %get3A_188, %and3A_197 : vector<16xi32>
        %swap3A_199 = arith.constant 64 : index
        %swap3A_200 = tpu.vector_load %arg10[%swap3A_199] {strides = array<i32>} : memref<128xi32, #tpu.memory_space<vmem>>, vector<16xi32>,
        %swap3A_201 = vector.shape_cast %swap3A_200 : vector<16xi32> to vector<16xi32>
        %swap3A_202 = vector.shape_cast %and3A_198 : vector<16xi32> to vector<16xi32>
        tpu.vector_store %arg10[%swap3A_199], %swap3A_202 {strides = array<i32>} : memref<128xi32, #tpu.memory_space<vmem>>, vector<16xi32>,
        %mul3A_203 = arith.constant 128 : i32
        %mul3A_204 = arith.muli %add3A_94, %mul3A_203 : i32
        %add3A_205 = arith.constant 80 : i32
        %add3A_206 = arith.addi %mul3A_204, %add3A_205 : i32
        %get3A_207 = arith.index_cast %add3A_206 : i32 to index
        %get3A_208 = tpu.vector_load %arg6[%get3A_207] {strides = array<i32>} : memref<25216xi32, #tpu.memory_space<vmem>>, vector<16xi32>,
        %get3A_209 = vector.shape_cast %get3A_208 : vector<16xi32> to vector<16xi32>
        %shift_right_logical3A_210 = arith.constant 14 : i32
        %shift_right_logical3A_211 = vector.broadcast %shift_right_logical3A_210 : i32 to vector<16xi32>
        %shift_right_logical3A_212 = arith.shrui %get3A_209, %shift_right_logical3A_211 : vector<16xi32>
        %swap3A_213 = arith.constant 80 : index
        %swap3A_214 = tpu.vector_load %arg9[%swap3A_213] {strides = array<i32>} : memref<128xi32, #tpu.memory_space<vmem>>, vector<16xi32>,
        %swap3A_215 = vector.shape_cast %swap3A_214 : vector<16xi32> to vector<16xi32>
        %swap3A_216 = vector.shape_cast %shift_right_logical3A_212 : vector<16xi32> to vector<16xi32>
        tpu.vector_store %arg9[%swap3A_213], %swap3A_216 {strides = array<i32>} : memref<128xi32, #tpu.memory_space<vmem>>, vector<16xi32>,
        %and3A_217 = arith.constant 16383 : i32
        %and3A_218 = vector.broadcast %and3A_217 : i32 to vector<16xi32>
        %and3A_219 = arith.andi %get3A_209, %and3A_218 : vector<16xi32>
        %swap3A_220 = arith.constant 80 : index
        %swap3A_221 = tpu.vector_load %arg10[%swap3A_220] {strides = array<i32>} : memref<128xi32, #tpu.memory_space<vmem>>, vector<16xi32>,
        %swap3A_222 = vector.shape_cast %swap3A_221 : vector<16xi32> to vector<16xi32>
        %swap3A_223 = vector.shape_cast %and3A_219 : vector<16xi32> to vector<16xi32>
        tpu.vector_store %arg10[%swap3A_220], %swap3A_223 {strides = array<i32>} : memref<128xi32, #tpu.memory_space<vmem>>, vector<16xi32>,
        %mul3A_224 = arith.constant 128 : i32
        %mul3A_225 = arith.muli %add3A_94, %mul3A_224 : i32
        %add3A_226 = arith.constant 96 : i32
        %add3A_227 = arith.addi %mul3A_225, %add3A_226 : i32
        %get3A_228 = arith.index_cast %add3A_227 : i32 to index
        %get3A_229 = tpu.vector_load %arg6[%get3A_228] {strides = array<i32>} : memref<25216xi32, #tpu.memory_space<vmem>>, vector<16xi32>,
        %get3A_230 = vector.shape_cast %get3A_229 : vector<16xi32> to vector<16xi32>
        %shift_right_logical3A_231 = arith.constant 14 : i32
        %shift_right_logical3A_232 = vector.broadcast %shift_right_logical3A_231 : i32 to vector<16xi32>
        %shift_right_logical3A_233 = arith.shrui %get3A_230, %shift_right_logical3A_232 : vector<16xi32>
        %swap3A_234 = arith.constant 96 : index
        %swap3A_235 = tpu.vector_load %arg9[%swap3A_234] {strides = array<i32>} : memref<128xi32, #tpu.memory_space<vmem>>, vector<16xi32>,
        %swap3A_236 = vector.shape_cast %swap3A_235 : vector<16xi32> to vector<16xi32>
        %swap3A_237 = vector.shape_cast %shift_right_logical3A_233 : vector<16xi32> to vector<16xi32>
        tpu.vector_store %arg9[%swap3A_234], %swap3A_237 {strides = array<i32>} : memref<128xi32, #tpu.memory_space<vmem>>, vector<16xi32>,
        %and3A_238 = arith.constant 16383 : i32
        %and3A_239 = vector.broadcast %and3A_238 : i32 to vector<16xi32>
        %and3A_240 = arith.andi %get3A_230, %and3A_239 : vector<16xi32>
        %swap3A_241 = arith.constant 96 : index
        %swap3A_242 = tpu.vector_load %arg10[%swap3A_241] {strides = array<i32>} : memref<128xi32, #tpu.memory_space<vmem>>, vector<16xi32>,
        %swap3A_243 = vector.shape_cast %swap3A_242 : vector<16xi32> to vector<16xi32>
        %swap3A_244 = vector.shape_cast %and3A_240 : vector<16xi32> to vector<16xi32>
        tpu.vector_store %arg10[%swap3A_241], %swap3A_244 {strides = array<i32>} : memref<128xi32, #tpu.memory_space<vmem>>, vector<16xi32>,
        %mul3A_245 = arith.constant 128 : i32
        %mul3A_246 = arith.muli %add3A_94, %mul3A_245 : i32
        %add3A_247 = arith.constant 112 : i32
        %add3A_248 = arith.addi %mul3A_246, %add3A_247 : i32
        %get3A_249 = arith.index_cast %add3A_248 : i32 to index
        %get3A_250 = tpu.vector_load %arg6[%get3A_249] {strides = array<i32>} : memref<25216xi32, #tpu.memory_space<vmem>>, vector<16xi32>,
        %get3A_251 = vector.shape_cast %get3A_250 : vector<16xi32> to vector<16xi32>
        %shift_right_logical3A_252 = arith.constant 14 : i32
        %shift_right_logical3A_253 = vector.broadcast %shift_right_logical3A_252 : i32 to vector<16xi32>
        %shift_right_logical3A_254 = arith.shrui %get3A_251, %shift_right_logical3A_253 : vector<16xi32>
        %swap3A_255 = arith.constant 112 : index
        %swap3A_256 = tpu.vector_load %arg9[%swap3A_255] {strides = array<i32>} : memref<128xi32, #tpu.memory_space<vmem>>, vector<16xi32>,
        %swap3A_257 = vector.shape_cast %swap3A_256 : vector<16xi32> to vector<16xi32>
        %swap3A_258 = vector.shape_cast %shift_right_logical3A_254 : vector<16xi32> to vector<16xi32>
        tpu.vector_store %arg9[%swap3A_255], %swap3A_258 {strides = array<i32>} : memref<128xi32, #tpu.memory_space<vmem>>, vector<16xi32>,
        %and3A_259 = arith.constant 16383 : i32
        %and3A_260 = vector.broadcast %and3A_259 : i32 to vector<16xi32>
        %and3A_261 = arith.andi %get3A_251, %and3A_260 : vector<16xi32>
        %swap3A_262 = arith.constant 112 : index
        %swap3A_263 = tpu.vector_load %arg10[%swap3A_262] {strides = array<i32>} : memref<128xi32, #tpu.memory_space<vmem>>, vector<16xi32>,
        %swap3A_264 = vector.shape_cast %swap3A_263 : vector<16xi32> to vector<16xi32>
        %swap3A_265 = vector.shape_cast %and3A_261 : vector<16xi32> to vector<16xi32>
        tpu.vector_store %arg10[%swap3A_262], %swap3A_265 {strides = array<i32>} : memref<128xi32, #tpu.memory_space<vmem>>, vector<16xi32>,
        %ge3A_266 = arith.constant 2 : i32
        %ge3A_267 = arith.cmpi sge, %add3A_94, %ge3A_266 : i32
        %convert_element_type3A_268 = arith.extui %ge3A_267 : i1 to i32
        %cond3A_269 = arith.constant 0 : i32
        %cond3A_270 = arith.cmpi ne, %convert_element_type3A_268, %cond3A_269 : i32
        scf.if %cond3A_270 {
          %dma_wait3A_278 = arith.constant 0 : i32
          %dma_wait3A_279 = arith.constant 0 : i32
          %dma_wait3A_280 = tpu.memref_slice %arg14[%dma_wait3A_278, %dma_wait3A_279] : memref<8448x128xf32, #tpu.memory_space<vmem_shared>> -> memref<8448x128xf32, #tpu.memory_space<vmem_shared>>
          tpu.wait_indirect_dma semaphore(%arg17 : memref<!tpu.dma_semaphore, #tpu.memory_space<semaphore_mem>>) src(%arg12 : memref<128x128xf32, #tpu.memory_space<vmem>>) dst(%dma_wait3A_280 : memref<8448x128xf32, #tpu.memory_space<vmem_shared>>)
        } else {
        }
        %dma_start3A = arith.constant 0 : i32
        %dma_start3A_271 = arith.constant 0 : i32
        %dma_start3A_272 = tpu.memref_slice %arg2[%dma_start3A, %dma_start3A_271] : memref<50176x128xf32, #tpu.memory_space<hbm>> -> memref<50176x128xf32, #tpu.memory_space<hbm>>
        tpu.enqueue_indirect_dma source(%dma_start3A_272 : memref<50176x128xf32, #tpu.memory_space<hbm>>) target(%arg12 : memref<128x128xf32, #tpu.memory_space<vmem>>) offsets(%arg9 : memref<128xi32, #tpu.memory_space<vmem>>) semaphore(%arg15 : memref<!tpu.dma_semaphore, #tpu.memory_space<semaphore_mem>>)
        %dma_wait3A = arith.constant 0 : i32
        %dma_wait3A_273 = arith.constant 0 : i32
        %dma_wait3A_274 = tpu.memref_slice %arg2[%dma_wait3A, %dma_wait3A_273] : memref<50176x128xf32, #tpu.memory_space<hbm>> -> memref<50176x128xf32, #tpu.memory_space<hbm>>
        tpu.wait_indirect_dma semaphore(%arg15 : memref<!tpu.dma_semaphore, #tpu.memory_space<semaphore_mem>>) src(%dma_wait3A_274 : memref<50176x128xf32, #tpu.memory_space<hbm>>) dst(%arg12 : memref<128x128xf32, #tpu.memory_space<vmem>>)
        %dma_start3A_275 = arith.constant 0 : i32
        %dma_start3A_276 = arith.constant 0 : i32
        %dma_start3A_277 = tpu.memref_slice %arg14[%dma_start3A_275, %dma_start3A_276] : memref<8448x128xf32, #tpu.memory_space<vmem_shared>> -> memref<8448x128xf32, #tpu.memory_space<vmem_shared>>
        tpu.enqueue_indirect_dma source(%arg12 : memref<128x128xf32, #tpu.memory_space<vmem>>) target(%dma_start3A_277 : memref<8448x128xf32, #tpu.memory_space<vmem_shared>>) offsets(%arg10 : memref<128xi32, #tpu.memory_space<vmem>>) semaphore(%arg17 : memref<!tpu.dma_semaphore, #tpu.memory_space<semaphore_mem>>) {add = true}
      } else {
      }
      %while3A_99 = arith.constant 0 : i32
      scf.yield %while3A_99 : i32
    }
    %and3A_50 = arith.constant 1 : i32
    %and3A_51 = arith.andi %squeeze3A, %and3A_50 : i32
    %eq3A = arith.constant 1 : i32
    %eq3A_52 = arith.cmpi eq, %and3A_51, %eq3A : i32
    %ge3A = arith.constant 1 : i32
    %ge3A_53 = arith.cmpi sge, %squeeze3A, %ge3A : i32
    %and3A_54 = arith.andi %ge3A_53, %eq3A_52 : i1
    %convert_element_type3A = arith.extui %and3A_54 : i1 to i32
    %cond3A = arith.constant 0 : i32
    %cond3A_55 = arith.cmpi ne, %convert_element_type3A, %cond3A : i32
    scf.if %cond3A_55 {
      %dma_wait3A = arith.constant 0 : i32
      %dma_wait3A_82 = arith.constant 0 : i32
      %dma_wait3A_83 = tpu.memref_slice %arg14[%dma_wait3A, %dma_wait3A_82] : memref<8448x128xf32, #tpu.memory_space<vmem_shared>> -> memref<8448x128xf32, #tpu.memory_space<vmem_shared>>
      tpu.wait_indirect_dma semaphore(%arg16 : memref<!tpu.dma_semaphore, #tpu.memory_space<semaphore_mem>>) src(%arg11 : memref<128x128xf32, #tpu.memory_space<vmem>>) dst(%dma_wait3A_83 : memref<8448x128xf32, #tpu.memory_space<vmem_shared>>)
    } else {
    }
    %ge3A_56 = arith.constant 1 : i32
    %ge3A_57 = arith.cmpi sge, %squeeze3A, %ge3A_56 : i32
    %not3A = arith.constant true
    %not3A_58 = arith.xori %eq3A_52, %not3A : i1
    %and3A_59 = arith.andi %ge3A_57, %not3A_58 : i1
    %convert_element_type3A_60 = arith.extui %and3A_59 : i1 to i32
    %cond3A_61 = arith.constant 0 : i32
    %cond3A_62 = arith.cmpi ne, %convert_element_type3A_60, %cond3A_61 : i32
    scf.if %cond3A_62 {
      %dma_wait3A = arith.constant 0 : i32
      %dma_wait3A_82 = arith.constant 0 : i32
      %dma_wait3A_83 = tpu.memref_slice %arg14[%dma_wait3A, %dma_wait3A_82] : memref<8448x128xf32, #tpu.memory_space<vmem_shared>> -> memref<8448x128xf32, #tpu.memory_space<vmem_shared>>
      tpu.wait_indirect_dma semaphore(%arg17 : memref<!tpu.dma_semaphore, #tpu.memory_space<semaphore_mem>>) src(%arg12 : memref<128x128xf32, #tpu.memory_space<vmem>>) dst(%dma_wait3A_83 : memref<8448x128xf32, #tpu.memory_space<vmem_shared>>)
    } else {
    }
    %ge3A_63 = arith.constant 2 : i32
    %ge3A_64 = arith.cmpi sge, %squeeze3A, %ge3A_63 : i32
    %and3A_65 = arith.andi %ge3A_64, %eq3A_52 : i1
    %convert_element_type3A_66 = arith.extui %and3A_65 : i1 to i32
    %cond3A_67 = arith.constant 0 : i32
    %cond3A_68 = arith.cmpi ne, %convert_element_type3A_66, %cond3A_67 : i32
    scf.if %cond3A_68 {
      %dma_wait3A = arith.constant 0 : i32
      %dma_wait3A_82 = arith.constant 0 : i32
      %dma_wait3A_83 = tpu.memref_slice %arg14[%dma_wait3A, %dma_wait3A_82] : memref<8448x128xf32, #tpu.memory_space<vmem_shared>> -> memref<8448x128xf32, #tpu.memory_space<vmem_shared>>
      tpu.wait_indirect_dma semaphore(%arg17 : memref<!tpu.dma_semaphore, #tpu.memory_space<semaphore_mem>>) src(%arg12 : memref<128x128xf32, #tpu.memory_space<vmem>>) dst(%dma_wait3A_83 : memref<8448x128xf32, #tpu.memory_space<vmem_shared>>)
    } else {
    }
    %ge3A_69 = arith.constant 2 : i32
    %ge3A_70 = arith.cmpi sge, %squeeze3A, %ge3A_69 : i32
    %not3A_71 = arith.constant true
    %not3A_72 = arith.xori %eq3A_52, %not3A_71 : i1
    %and3A_73 = arith.andi %ge3A_70, %not3A_72 : i1
    %convert_element_type3A_74 = arith.extui %and3A_73 : i1 to i32
    %cond3A_75 = arith.constant 0 : i32
    %cond3A_76 = arith.cmpi ne, %convert_element_type3A_74, %cond3A_75 : i32
    scf.if %cond3A_76 {
      %dma_wait3A = arith.constant 0 : i32
      %dma_wait3A_82 = arith.constant 0 : i32
      %dma_wait3A_83 = tpu.memref_slice %arg14[%dma_wait3A, %dma_wait3A_82] : memref<8448x128xf32, #tpu.memory_space<vmem_shared>> -> memref<8448x128xf32, #tpu.memory_space<vmem_shared>>
      tpu.wait_indirect_dma semaphore(%arg16 : memref<!tpu.dma_semaphore, #tpu.memory_space<semaphore_mem>>) src(%arg11 : memref<128x128xf32, #tpu.memory_space<vmem>>) dst(%dma_wait3A_83 : memref<8448x128xf32, #tpu.memory_space<vmem_shared>>)
    } else {
    }
    %barrier3A_77 = arith.constant 0 : index
    tpu.barrier barrier_id(%barrier3A_77)
    %mul3A_78 = arith.constant 512 : i32
    %mul3A_79 = arith.muli %arg1, %mul3A_78 : i32
    %mul3A_80 = arith.constant 512 : i32
    %mul3A_81 = arith.muli %arg1, %mul3A_80 : i32
    "tpu.region"() ({
      %run_scoped3A = tpu.sem_alloc : memref<!tpu.dma_semaphore, #tpu.memory_space<semaphore_mem>>
      %dma_start3A = arith.constant 0 : i32
      %dma_start3A_82 = tpu.memref_slice %arg5[%arg0, %mul3A_81, %dma_start3A] : memref<2x8192x128xf32, #tpu.memory_space<hbm>> -> memref<1x512x128xf32, #tpu.memory_space<hbm>>
      %dma_start3A_83 = tpu.memref_squeeze %dma_start3A_82 : memref<1x512x128xf32, #tpu.memory_space<hbm>> -> memref<512x128xf32, #tpu.memory_space<hbm>>
      %dma_start3A_84 = arith.constant 0 : i32
      %dma_start3A_85 = tpu.memref_slice %arg14[%mul3A_79, %dma_start3A_84] : memref<8448x128xf32, #tpu.memory_space<vmem_shared>> -> memref<512x128xf32, #tpu.memory_space<vmem_shared>>
      tpu.enqueue_dma source(%dma_start3A_85 : memref<512x128xf32, #tpu.memory_space<vmem_shared>>) target(%dma_start3A_83 : memref<512x128xf32, #tpu.memory_space<hbm>>) target_semaphore(%run_scoped3A : memref<!tpu.dma_semaphore, #tpu.memory_space<semaphore_mem>>)
      %dma_wait3A = arith.constant 0 : i32
      %dma_wait3A_86 = tpu.memref_slice %arg5[%arg0, %mul3A_81, %dma_wait3A] : memref<2x8192x128xf32, #tpu.memory_space<hbm>> -> memref<1x512x128xf32, #tpu.memory_space<hbm>>
      %dma_wait3A_87 = tpu.memref_squeeze %dma_wait3A_86 : memref<1x512x128xf32, #tpu.memory_space<hbm>> -> memref<512x128xf32, #tpu.memory_space<hbm>>
      %dma_wait3A_88 = arith.constant 0 : i32
      %dma_wait3A_89 = tpu.memref_slice %arg14[%mul3A_79, %dma_wait3A_88] : memref<8448x128xf32, #tpu.memory_space<vmem_shared>> -> memref<512x128xf32, #tpu.memory_space<vmem_shared>>
      tpu.wait_dma2 semaphore(%run_scoped3A : memref<!tpu.dma_semaphore, #tpu.memory_space<semaphore_mem>>) src(%dma_wait3A_89 : memref<512x128xf32, #tpu.memory_space<vmem_shared>>) dst(%dma_wait3A_87 : memref<512x128xf32, #tpu.memory_space<hbm>>)
      tpu.yield
    }) : () -> ()
    return
  }
}

module attributes {stable_mosaic.version = 14 : i64} {
  func.func @_stage_b_body(%arg0: i32, %arg1: memref<2x512x8xf32, #tpu.memory_space<vmem>>, %arg2: memref<8x64xf32, #tpu.memory_space<vmem>>, %arg3: memref<1x64xf32, #tpu.memory_space<vmem>>, %arg4: memref<512x128xf32, #tpu.memory_space<vmem>>) attributes {dimension_semantics = [#tpu.dimension_semantics<arbitrary>], iteration_bounds = array<i64: 98>, scalar_prefetch = 0 : i64, scratch_operands = 0 : i64, tpu.core_type = #tpu.core_type<tc>, window_params = [{transform_indices = @transform_0, window_bounds = array<i64: 2, 512, 8>}, {pipeline_mode = #tpu.pipeline_mode<synchronous>, transform_indices = @transform_1, window_bounds = array<i64: 8, 64>}, {pipeline_mode = #tpu.pipeline_mode<synchronous>, transform_indices = @transform_2, window_bounds = array<i64: 1, 64>}, {transform_indices = @transform_3, window_bounds = array<i64: 512, 128>}]} {
    %get3A = arith.constant 0 : index
    %get3A_0 = arith.constant 0 : index
    %get3A_1 = arith.constant 0 : index
    %get3A_2 = vector.load %arg1[%get3A, %get3A_0, %get3A_1] : memref<2x512x8xf32, #tpu.memory_space<vmem>>, vector<1x512x8xf32>
    %get3A_3 = vector.shape_cast %get3A_2 : vector<1x512x8xf32> to vector<512x8xf32>
    %get3A_4 = arith.constant 1 : index
    %get3A_5 = arith.constant 0 : index
    %get3A_6 = arith.constant 0 : index
    %get3A_7 = vector.load %arg1[%get3A_4, %get3A_5, %get3A_6] : memref<2x512x8xf32, #tpu.memory_space<vmem>>, vector<1x512x8xf32>
    %get3A_8 = vector.shape_cast %get3A_7 : vector<1x512x8xf32> to vector<512x8xf32>
    %add3A = arith.addf %get3A_3, %get3A_8 : vector<512x8xf32>
    %slice3A = vector.extract_strided_slice %add3A {offsets = [0, 0], sizes = [512, 4], strides = [1, 1]} : vector<512x8xf32> to vector<512x4xf32>
    %reduce_sum3A = arith.constant dense<0.000000e+00> : vector<512xf32>
    %reduce_sum3A_9 = vector.multi_reduction <add>, %slice3A, %reduce_sum3A [1] : vector<512x4xf32> to vector<512xf32>
    %broadcast_in_dim3A = vector.shape_cast %reduce_sum3A_9 : vector<512xf32> to vector<512x1xf32>
    %max3A = arith.constant 1.000000e+00 : f32
    %max3A_10 = vector.broadcast %max3A : f32 to vector<512x1xf32>
    %max3A_11 = arith.maximumf %broadcast_in_dim3A, %max3A_10 : vector<512x1xf32>
    %div3A = arith.constant 1.000000e+00 : f32
    %div3A_12 = vector.broadcast %div3A : f32 to vector<512x1xf32>
    %div3A_13 = arith.divf %div3A_12, %max3A_11 : vector<512x1xf32>
    %iota3A = tpu.iota {dimensions = array<i32: 1>} : vector<512x8xi32>
    %lt3A = arith.constant 4 : i32
    %lt3A_14 = vector.broadcast %lt3A : i32 to vector<512x8xi32>
    %lt3A_15 = arith.cmpi slt, %iota3A, %lt3A_14 : vector<512x8xi32>
    %jit3A = arith.constant 1.000000e+00 : f32
    %broadcast_in_dim3A_16 = vector.shape_cast %div3A_13 : vector<512x1xf32> to vector<512x1xf32>
    %broadcast_in_dim3A_17 = vector.broadcast %broadcast_in_dim3A_16 : vector<512x1xf32> to vector<512x8xf32>
    %broadcast_in_dim3A_18 = vector.broadcast %jit3A : f32 to vector<512x8xf32>
    %select_n3A = arith.select %lt3A_15, %broadcast_in_dim3A_17, %broadcast_in_dim3A_18 : vector<512x8xi1>, vector<512x8xf32>
    %mul3A = arith.mulf %add3A, %select_n3A : vector<512x8xf32>
    %get3A_19 = arith.constant 0 : index
    %get3A_20 = arith.constant 0 : index
    %get3A_21 = vector.load %arg2[%get3A_19, %get3A_20] : memref<8x64xf32, #tpu.memory_space<vmem>>, vector<8x64xf32>
    %dot_general3A = arith.constant dense<0.000000e+00> : vector<512x64xf32>
    %dot_general3A_22 = tpu.matmul %mul3A, %get3A_21, %dot_general3A {dimension_numbers = #tpu.dot_dimension_numbers<[1], [0], [0], [1], [0, 0, 1, 1], [], []>, transpose_lhs_hint = false} : vector<512x8xf32>, vector<8x64xf32>, vector<512x64xf32> -> vector<512x64xf32>
    %get3A_23 = arith.constant 0 : index
    %get3A_24 = arith.constant 0 : index
    %get3A_25 = vector.load %arg3[%get3A_23, %get3A_24] : memref<1x64xf32, #tpu.memory_space<vmem>>, vector<1x64xf32>
    %add3A_26 = vector.broadcast %get3A_25 : vector<1x64xf32> to vector<512x64xf32>
    %add3A_27 = arith.addf %dot_general3A_22, %add3A_26 : vector<512x64xf32>
    %mul3A_28 = arith.mulf %add3A_27, %add3A_27 : vector<512x64xf32>
    %reduce_sum3A_29 = arith.constant dense<0.000000e+00> : vector<512xf32>
    %reduce_sum3A_30 = vector.multi_reduction <add>, %mul3A_28, %reduce_sum3A_29 [1] : vector<512x64xf32> to vector<512xf32>
    %broadcast_in_dim3A_31 = vector.shape_cast %reduce_sum3A_30 : vector<512xf32> to vector<512x1xf32>
    %sqrt3A = math.sqrt %broadcast_in_dim3A_31 : vector<512x1xf32>
    %max3A_32 = arith.constant 9.99999996E-13 : f32
    %max3A_33 = vector.broadcast %max3A_32 : f32 to vector<512x1xf32>
    %max3A_34 = arith.maximumf %sqrt3A, %max3A_33 : vector<512x1xf32>
    %div3A_35 = vector.broadcast %max3A_34 : vector<512x1xf32> to vector<512x64xf32>
    %div3A_36 = arith.divf %add3A_27, %div3A_35 : vector<512x64xf32>
    %max3A_37 = arith.constant 0.000000e+00 : f32
    %max3A_38 = vector.broadcast %max3A_37 : f32 to vector<512x64xf32>
    %max3A_39 = arith.maximumf %div3A_36, %max3A_38 : vector<512x64xf32>
    %broadcast_in_dim3A_40 = arith.constant 0.000000e+00 : f32
    %broadcast_in_dim3A_41 = vector.broadcast %broadcast_in_dim3A_40 : f32 to vector<512x64xf32>
    %concatenate3A = tpu.concatenate %max3A_39, %broadcast_in_dim3A_41 in 1 : vector<512x64xf32>, vector<512x64xf32> -> vector<512x128xf32>
    %swap3A = arith.constant 0 : index
    %swap3A_42 = arith.constant 0 : index
    %swap3A_43 = vector.load %arg4[%swap3A, %swap3A_42] : memref<512x128xf32, #tpu.memory_space<vmem>>, vector<512x128xf32>
    tpu.vector_store %arg4[%swap3A, %swap3A_42], %concatenate3A {strides = array<i32>} : memref<512x128xf32, #tpu.memory_space<vmem>>, vector<512x128xf32>,
    return
  }
  func.func @transform_0(%arg0: i32) -> (i32, i32, i32) {
    %c0_i32 = arith.constant 0 : i32
    %c0_i32_0 = arith.constant 0 : i32
    %c0_i32_1 = arith.constant 0 : i32
    return %c0_i32, %arg0, %c0_i32_0 : i32, i32, i32
  }
  func.func @transform_1(%arg0: i32) -> (i32, i32) {
    %c0_i32 = arith.constant 0 : i32
    %c0_i32_0 = arith.constant 0 : i32
    %c0_i32_1 = arith.constant 0 : i32
    return %c0_i32, %c0_i32_0 : i32, i32
  }
  func.func @transform_2(%arg0: i32) -> (i32, i32) {
    %c0_i32 = arith.constant 0 : i32
    %c0_i32_0 = arith.constant 0 : i32
    %c0_i32_1 = arith.constant 0 : i32
    return %c0_i32, %c0_i32_0 : i32, i32
  }
  func.func @transform_3(%arg0: i32) -> (i32, i32) {
    %c0_i32 = arith.constant 0 : i32
    %c0_i32_0 = arith.constant 0 : i32
    return %arg0, %c0_i32 : i32, i32
  }
}

module attributes {stable_mosaic.version = 14 : i64} {
  func.func @_stage_d_body(%arg0: i32, %arg1: memref<2x8192x128xf32, #tpu.memory_space<vmem>>, %arg2: memref<2x8192x8xf32, #tpu.memory_space<vmem>>, %arg3: memref<8192x128xf32, #tpu.memory_space<vmem>>, %arg4: memref<64x64xf32, #tpu.memory_space<vmem>>, %arg5: memref<64x64xf32, #tpu.memory_space<vmem>>, %arg6: memref<1x64xf32, #tpu.memory_space<vmem>>, %arg7: memref<64x128xf32, #tpu.memory_space<vmem>>, %arg8: memref<1x64xf32, #tpu.memory_space<vmem>>, %arg9: memref<1x64xf32, #tpu.memory_space<vmem>>, %arg10: memref<1x1xf32, #tpu.memory_space<vmem>>, %arg11: memref<4096x1xf32, #tpu.memory_space<vmem>>) attributes {dimension_semantics = [#tpu.dimension_semantics<arbitrary>], iteration_bounds = array<i64: 1>, scalar_prefetch = 0 : i64, scratch_operands = 0 : i64, tpu.core_type = #tpu.core_type<tc>, window_params = [{pipeline_mode = #tpu.pipeline_mode<synchronous>, transform_indices = @transform_0, window_bounds = array<i64: 2, 8192, 128>}, {transform_indices = @transform_1, window_bounds = array<i64: 2, 8192, 8>}, {transform_indices = @transform_2, window_bounds = array<i64: 8192, 128>}, {pipeline_mode = #tpu.pipeline_mode<synchronous>, transform_indices = @transform_3, window_bounds = array<i64: 64, 64>}, {pipeline_mode = #tpu.pipeline_mode<synchronous>, transform_indices = @transform_4, window_bounds = array<i64: 64, 64>}, {pipeline_mode = #tpu.pipeline_mode<synchronous>, transform_indices = @transform_5, window_bounds = array<i64: 1, 64>}, {pipeline_mode = #tpu.pipeline_mode<synchronous>, transform_indices = @transform_6, window_bounds = array<i64: 64, 128>}, {pipeline_mode = #tpu.pipeline_mode<synchronous>, transform_indices = @transform_7, window_bounds = array<i64: 1, 64>}, {pipeline_mode = #tpu.pipeline_mode<synchronous>, transform_indices = @transform_8, window_bounds = array<i64: 1, 64>}, {pipeline_mode = #tpu.pipeline_mode<synchronous>, transform_indices = @transform_9, window_bounds = array<i64: 1, 1>}, {pipeline_mode = #tpu.pipeline_mode<synchronous>, transform_indices = @transform_10, window_bounds = array<i64: 4096, 1>}]} {
    %get3A = arith.constant 0 : index
    %get3A_0 = arith.constant 0 : index
    %get3A_1 = arith.constant 0 : index
    %get3A_2 = vector.load %arg1[%get3A, %get3A_0, %get3A_1] : memref<2x8192x128xf32, #tpu.memory_space<vmem>>, vector<1x8192x64xf32>
    %get3A_3 = vector.shape_cast %get3A_2 : vector<1x8192x64xf32> to vector<8192x64xf32>
    %get3A_4 = arith.constant 1 : index
    %get3A_5 = arith.constant 0 : index
    %get3A_6 = arith.constant 0 : index
    %get3A_7 = vector.load %arg1[%get3A_4, %get3A_5, %get3A_6] : memref<2x8192x128xf32, #tpu.memory_space<vmem>>, vector<1x8192x64xf32>
    %get3A_8 = vector.shape_cast %get3A_7 : vector<1x8192x64xf32> to vector<8192x64xf32>
    %add3A = arith.addf %get3A_3, %get3A_8 : vector<8192x64xf32>
    %get3A_9 = arith.constant 0 : index
    %get3A_10 = arith.constant 0 : index
    %get3A_11 = arith.constant 0 : index
    %get3A_12 = vector.load %arg2[%get3A_9, %get3A_10, %get3A_11] : memref<2x8192x8xf32, #tpu.memory_space<vmem>>, vector<1x8192x8xf32>
    %get3A_13 = vector.shape_cast %get3A_12 : vector<1x8192x8xf32> to vector<8192x8xf32>
    %get3A_14 = arith.constant 1 : index
    %get3A_15 = arith.constant 0 : index
    %get3A_16 = arith.constant 0 : index
    %get3A_17 = vector.load %arg2[%get3A_14, %get3A_15, %get3A_16] : memref<2x8192x8xf32, #tpu.memory_space<vmem>>, vector<1x8192x8xf32>
    %get3A_18 = vector.shape_cast %get3A_17 : vector<1x8192x8xf32> to vector<8192x8xf32>
    %add3A_19 = arith.addf %get3A_13, %get3A_18 : vector<8192x8xf32>
    %slice3A = vector.extract_strided_slice %add3A_19 {offsets = [0, 0], sizes = [8192, 4], strides = [1, 1]} : vector<8192x8xf32> to vector<8192x4xf32>
    %reduce_sum3A = arith.constant dense<0.000000e+00> : vector<8192xf32>
    %reduce_sum3A_20 = vector.multi_reduction <add>, %slice3A, %reduce_sum3A [1] : vector<8192x4xf32> to vector<8192xf32>
    %broadcast_in_dim3A = vector.shape_cast %reduce_sum3A_20 : vector<8192xf32> to vector<8192x1xf32>
    %max3A = arith.constant 1.000000e+00 : f32
    %max3A_21 = vector.broadcast %max3A : f32 to vector<8192x1xf32>
    %max3A_22 = arith.maximumf %broadcast_in_dim3A, %max3A_21 : vector<8192x1xf32>
    %div3A = arith.constant 1.000000e+00 : f32
    %div3A_23 = vector.broadcast %div3A : f32 to vector<8192x1xf32>
    %div3A_24 = arith.divf %div3A_23, %max3A_22 : vector<8192x1xf32>
    %mul3A = vector.broadcast %div3A_24 : vector<8192x1xf32> to vector<8192x64xf32>
    %mul3A_25 = arith.mulf %add3A, %mul3A : vector<8192x64xf32>
    %get3A_26 = arith.constant 0 : index
    %get3A_27 = arith.constant 0 : index
    %get3A_28 = vector.load %arg3[%get3A_26, %get3A_27] : memref<8192x128xf32, #tpu.memory_space<vmem>>, vector<8192x64xf32>
    %get3A_29 = arith.constant 0 : index
    %get3A_30 = arith.constant 0 : index
    %get3A_31 = vector.load %arg4[%get3A_29, %get3A_30] : memref<64x64xf32, #tpu.memory_space<vmem>>, vector<64x64xf32>
    %dot_general3A = arith.constant dense<0.000000e+00> : vector<8192x64xf32>
    %dot_general3A_32 = tpu.matmul %mul3A_25, %get3A_31, %dot_general3A {dimension_numbers = #tpu.dot_dimension_numbers<[1], [1], [0], [0], [0, 0, 1, 0], [], []>, transpose_lhs_hint = false} : vector<8192x64xf32>, vector<64x64xf32>, vector<8192x64xf32> -> vector<8192x64xf32>
    %get3A_33 = arith.constant 0 : index
    %get3A_34 = arith.constant 0 : index
    %get3A_35 = vector.load %arg5[%get3A_33, %get3A_34] : memref<64x64xf32, #tpu.memory_space<vmem>>, vector<64x64xf32>
    %dot_general3A_36 = arith.constant dense<0.000000e+00> : vector<8192x64xf32>
    %dot_general3A_37 = tpu.matmul %get3A_28, %get3A_35, %dot_general3A_36 {dimension_numbers = #tpu.dot_dimension_numbers<[1], [1], [0], [0], [0, 0, 1, 0], [], []>, transpose_lhs_hint = false} : vector<8192x64xf32>, vector<64x64xf32>, vector<8192x64xf32> -> vector<8192x64xf32>
    %add3A_38 = arith.addf %dot_general3A_32, %dot_general3A_37 : vector<8192x64xf32>
    %get3A_39 = arith.constant 0 : index
    %get3A_40 = arith.constant 0 : index
    %get3A_41 = vector.load %arg6[%get3A_39, %get3A_40] : memref<1x64xf32, #tpu.memory_space<vmem>>, vector<1x64xf32>
    %add3A_42 = vector.broadcast %get3A_41 : vector<1x64xf32> to vector<8192x64xf32>
    %add3A_43 = arith.addf %add3A_38, %add3A_42 : vector<8192x64xf32>
    %mul3A_44 = arith.mulf %add3A_43, %add3A_43 : vector<8192x64xf32>
    %reduce_sum3A_45 = arith.constant dense<0.000000e+00> : vector<8192xf32>
    %reduce_sum3A_46 = vector.multi_reduction <add>, %mul3A_44, %reduce_sum3A_45 [1] : vector<8192x64xf32> to vector<8192xf32>
    %broadcast_in_dim3A_47 = vector.shape_cast %reduce_sum3A_46 : vector<8192xf32> to vector<8192x1xf32>
    %sqrt3A = math.sqrt %broadcast_in_dim3A_47 : vector<8192x1xf32>
    %max3A_48 = arith.constant 9.99999996E-13 : f32
    %max3A_49 = vector.broadcast %max3A_48 : f32 to vector<8192x1xf32>
    %max3A_50 = arith.maximumf %sqrt3A, %max3A_49 : vector<8192x1xf32>
    %div3A_51 = vector.broadcast %max3A_50 : vector<8192x1xf32> to vector<8192x64xf32>
    %div3A_52 = arith.divf %add3A_43, %div3A_51 : vector<8192x64xf32>
    %max3A_53 = arith.constant 0.000000e+00 : f32
    %max3A_54 = vector.broadcast %max3A_53 : f32 to vector<8192x64xf32>
    %max3A_55 = arith.maximumf %div3A_52, %max3A_54 : vector<8192x64xf32>
    %slice3A_56 = vector.extract_strided_slice %max3A_55 {offsets = [0, 0], sizes = [4096, 64], strides = [1, 1]} : vector<8192x64xf32> to vector<4096x64xf32>
    %slice3A_57 = vector.extract_strided_slice %max3A_55 {offsets = [4096, 0], sizes = [4096, 64], strides = [1, 1]} : vector<8192x64xf32> to vector<4096x64xf32>
    %get3A_58 = arith.constant 0 : index
    %get3A_59 = arith.constant 0 : index
    %get3A_60 = vector.load %arg7[%get3A_58, %get3A_59] : memref<64x128xf32, #tpu.memory_space<vmem>>, vector<64x64xf32>
    %get3A_61 = arith.constant 0 : index
    %get3A_62 = arith.constant 64 : index
    %get3A_63 = vector.load %arg7[%get3A_61, %get3A_62] : memref<64x128xf32, #tpu.memory_space<vmem>>, vector<64x64xf32>
    %dot_general3A_64 = arith.constant dense<0.000000e+00> : vector<4096x64xf32>
    %dot_general3A_65 = tpu.matmul %slice3A_56, %get3A_60, %dot_general3A_64 {dimension_numbers = #tpu.dot_dimension_numbers<[1], [1], [0], [0], [0, 0, 1, 0], [], []>, transpose_lhs_hint = false} : vector<4096x64xf32>, vector<64x64xf32>, vector<4096x64xf32> -> vector<4096x64xf32>
    %dot_general3A_66 = arith.constant dense<0.000000e+00> : vector<4096x64xf32>
    %dot_general3A_67 = tpu.matmul %slice3A_57, %get3A_63, %dot_general3A_66 {dimension_numbers = #tpu.dot_dimension_numbers<[1], [1], [0], [0], [0, 0, 1, 0], [], []>, transpose_lhs_hint = false} : vector<4096x64xf32>, vector<64x64xf32>, vector<4096x64xf32> -> vector<4096x64xf32>
    %add3A_68 = arith.addf %dot_general3A_65, %dot_general3A_67 : vector<4096x64xf32>
    %get3A_69 = arith.constant 0 : index
    %get3A_70 = arith.constant 0 : index
    %get3A_71 = vector.load %arg8[%get3A_69, %get3A_70] : memref<1x64xf32, #tpu.memory_space<vmem>>, vector<1x64xf32>
    %add3A_72 = vector.broadcast %get3A_71 : vector<1x64xf32> to vector<4096x64xf32>
    %add3A_73 = arith.addf %add3A_68, %add3A_72 : vector<4096x64xf32>
    %max3A_74 = arith.constant 0.000000e+00 : f32
    %max3A_75 = vector.broadcast %max3A_74 : f32 to vector<4096x64xf32>
    %max3A_76 = arith.maximumf %add3A_73, %max3A_75 : vector<4096x64xf32>
    %get3A_77 = arith.constant 0 : index
    %get3A_78 = arith.constant 0 : index
    %get3A_79 = vector.load %arg9[%get3A_77, %get3A_78] : memref<1x64xf32, #tpu.memory_space<vmem>>, vector<1x64xf32>
    %mul3A_80 = vector.broadcast %get3A_79 : vector<1x64xf32> to vector<4096x64xf32>
    %mul3A_81 = arith.mulf %max3A_76, %mul3A_80 : vector<4096x64xf32>
    %reduce_sum3A_82 = arith.constant dense<0.000000e+00> : vector<4096xf32>
    %reduce_sum3A_83 = vector.multi_reduction <add>, %mul3A_81, %reduce_sum3A_82 [1] : vector<4096x64xf32> to vector<4096xf32>
    %broadcast_in_dim3A_84 = vector.shape_cast %reduce_sum3A_83 : vector<4096xf32> to vector<4096x1xf32>
    %get3A_85 = arith.constant 0 : index
    %get3A_86 = arith.constant 0 : index
    %get3A_87 = vector.load %arg10[%get3A_85, %get3A_86] : memref<1x1xf32, #tpu.memory_space<vmem>>, vector<1x1xf32>
    %add3A_88 = vector.broadcast %get3A_87 : vector<1x1xf32> to vector<4096x1xf32>
    %add3A_89 = arith.addf %broadcast_in_dim3A_84, %add3A_88 : vector<4096x1xf32>
    %swap3A = arith.constant 0 : index
    %swap3A_90 = arith.constant 0 : index
    %swap3A_91 = vector.load %arg11[%swap3A, %swap3A_90] : memref<4096x1xf32, #tpu.memory_space<vmem>>, vector<4096x1xf32>
    tpu.vector_store %arg11[%swap3A, %swap3A_90], %add3A_89 {strides = array<i32>} : memref<4096x1xf32, #tpu.memory_space<vmem>>, vector<4096x1xf32>,
    return
  }
  func.func @transform_0(%arg0: i32) -> (i32, i32, i32) {
    %c0_i32 = arith.constant 0 : i32
    %c0_i32_0 = arith.constant 0 : i32
    %c0_i32_1 = arith.constant 0 : i32
    %c0_i32_2 = arith.constant 0 : i32
    return %c0_i32, %c0_i32_0, %c0_i32_1 : i32, i32, i32
  }
  func.func @transform_1(%arg0: i32) -> (i32, i32, i32) {
    %c0_i32 = arith.constant 0 : i32
    %c0_i32_0 = arith.constant 0 : i32
    %c0_i32_1 = arith.constant 0 : i32
    %c0_i32_2 = arith.constant 0 : i32
    return %c0_i32, %c0_i32_0, %c0_i32_1 : i32, i32, i32
  }
  func.func @transform_2(%arg0: i32) -> (i32, i32) {
    %c0_i32 = arith.constant 0 : i32
    %c0_i32_0 = arith.constant 0 : i32
    %c0_i32_1 = arith.constant 0 : i32
    return %c0_i32, %c0_i32_0 : i32, i32
  }
  func.func @transform_3(%arg0: i32) -> (i32, i32) {
    %c0_i32 = arith.constant 0 : i32
    %c0_i32_0 = arith.constant 0 : i32
    %c0_i32_1 = arith.constant 0 : i32
    return %c0_i32, %c0_i32_0 : i32, i32
  }
  func.func @transform_4(%arg0: i32) -> (i32, i32) {
    %c0_i32 = arith.constant 0 : i32
    %c0_i32_0 = arith.constant 0 : i32
    %c0_i32_1 = arith.constant 0 : i32
    return %c0_i32, %c0_i32_0 : i32, i32
  }
  func.func @transform_5(%arg0: i32) -> (i32, i32) {
    %c0_i32 = arith.constant 0 : i32
    %c0_i32_0 = arith.constant 0 : i32
    %c0_i32_1 = arith.constant 0 : i32
    return %c0_i32, %c0_i32_0 : i32, i32
  }
  func.func @transform_6(%arg0: i32) -> (i32, i32) {
    %c0_i32 = arith.constant 0 : i32
    %c0_i32_0 = arith.constant 0 : i32
    %c0_i32_1 = arith.constant 0 : i32
    return %c0_i32, %c0_i32_0 : i32, i32
  }
  func.func @transform_7(%arg0: i32) -> (i32, i32) {
    %c0_i32 = arith.constant 0 : i32
    %c0_i32_0 = arith.constant 0 : i32
    %c0_i32_1 = arith.constant 0 : i32
    return %c0_i32, %c0_i32_0 : i32, i32
  }
  func.func @transform_8(%arg0: i32) -> (i32, i32) {
    %c0_i32 = arith.constant 0 : i32
    %c0_i32_0 = arith.constant 0 : i32
    %c0_i32_1 = arith.constant 0 : i32
    return %c0_i32, %c0_i32_0 : i32, i32
  }
  func.func @transform_9(%arg0: i32) -> (i32, i32) {
    %c0_i32 = arith.constant 0 : i32
    %c0_i32_0 = arith.constant 0 : i32
    %c0_i32_1 = arith.constant 0 : i32
    return %c0_i32, %c0_i32_0 : i32, i32
  }
  func.func @transform_10(%arg0: i32) -> (i32, i32) {
    %c0_i32 = arith.constant 0 : i32
    %c0_i32_0 = arith.constant 0 : i32
    %c0_i32_1 = arith.constant 0 : i32
    return %c0_i32, %c0_i32_0 : i32, i32
  }
}

</mosaic_0001>

<sc_bundles>
// kernel: kernel.6.cloned.1.call-start
scs
__scs_entry_jumppad:
0x0: {  	(pc) =	sbr.rel $0x88, $3  }
0x1: {  	(tag) =	ssettag $0x0;
	lr =	simm.s32 $0x1  }
0x2: {  	[smem:$0x3F93] =	sst lr;
	_ =	strace $0xD0000000  }
0x3: {  	_ = 	snop  }
0x4: {  	_ = 	snop  }
0x5: {  	_ = 	snop  }
0x6: {  	_ = 	snop  }
0x7: {  	_ = 	snop  }
__scs_overlays_trampoline_lowered:
0x8: {  	[smem:$0x3FA2] =	sst s0  }
0x9: {  	[smem:$0x3FA3] =	sst s1  }
0xa: {  	[smem:$0x3FA4] =	sst s2  }
0xb: {  	[smem:$0x3FA5] =	sst s3  }
0xc: {  	[smem:$0x3FA6] =	sst s4  }
0xd: {  	[smem:$0x3FA7] =	sst s5  }
0xe: {  	[smem:$0x3FA8] =	sst s6  }
0xf: {  	[smem:$0x3FA9] =	sst s7  }
0x10: {  	[smem:$0x3FAA] =	sst s8  }
0x11: {  	[smem:$0x3FAB] =	sst s9;
	s0 =	simm.s32 @!p0 $0x0  }
0x12: {  	s1 =	sld [smem:$0x3F91];
	s0 =	simm.s32 @p0 $0x1  }
0x13: {  	[smem:$0x3FAC] =	sst s0;
	s0 =	simm.s32 @!p1 $0x0  }
0x14: {  	s2 =	sld [smem:$0x3F90];
	s0 =	simm.s32 @p1 $0x1  }
0x15: {  	[smem:$0x3FAD] =	sst s0;
	s0 =	simm.s32 @!p2 $0x0  }
0x16: {  	s3 =	sld [smem:$0x3FDB];
	s0 =	simm.s32 @p2 $0x1  }
0x17: {  	s4 =	simm.s32 $0x1BF5;
	[smem:$0x3FAF] =	sst s0  }
0x18: {  	s0 =	sld [smem:$0x3F92];
	_ =	swait.ge [sflag:s4], $0x0  }
0x19: {  	s7 =	sld [smem:$0x3F93]  }
0x1a: {  	s8 =	sadd.s32 $0xFFFFE003, lr  }
0x1b: {  	s9 =	sadd.s32 $0xFFFFFEF7, lr;
	s5 =	simm.s32 $0xFFFFFFFF;
	p2 =	slt.u32 s8, $0xFFFFF086  }
0x1c: {  	p1 =	slt.u32 s9, $0xF7A;
	s5 =	simm.s32 @!p2 $0x0  }
0x1d: {  	s5 =	simm.s32 @p1 $0x1;
	p0 =	seq.s32 s7, s2  }
0x1e: {  	s7 =	smul.u32 @!p0 $0xF7A, s2;
	p2 =	seq.s32 @!p0 s5, $0x0  }
0x1f: {  	s9 =	smul.u32 $0xF7A, s1;
	s8 =	simm.s32 @!p0 $0x1BF5;
	p2 =	por !p2, p0  }
0x20: {  	[sflag:s8] =	ssyncset.s32 @!p0 $0xFFFFF086;
	s6 =	sadd.s32 @!p0 s3, s7;
	s7 =	simm.s32 @!p0 $0x108  }
0x21: {  	s3 =	sadd.s32 s3, s9;
	s6 =	sadd.s32 @!p0 $0x88, s6;
	s7 =	simm.s32 @p2 $0x1082  }
0x22: {  	[simem:s7], [sflag:s8] =	dma.local @!p0 [hbm:s6], $0xF7A  }
0x23: {  	s9 =	sor.u32 $0xD0000000, s2;
	s6 =	simm.s32 $0x108;
	_ =	swait.ge @!p0 [sflag:s8], $0x0  }
0x24: {  	s3 =	sadd.s32 $0x88, s3;
	s6 =	simm.s32 @!p1 $0x1082;
	[sflag:s4] =	ssyncset.s32 $0xFFFFF086  }
0x25: {  	[simem:s6], [sflag:s4] =	dma.local [hbm:s3], $0xF7A  }
0x26: {  	[smem:$0x3F93] =	sst s1;
	(tag) =	ssettag s2;
	_ =	strace s9  }
0x27: {  	s1 =	sld [smem:$0x3FA3]  }
0x28: {  	s2 =	sld [smem:$0x3FA4]  }
0x29: {  	s4 =	sld [smem:$0x3FA6]  }
0x2a: {  	p0 =	seq.s32 s5, $0x0;
	s5 =	sld [smem:$0x3FA7]  }
0x2b: {  	s6 =	sld [smem:$0x3FA8]  }
0x2c: {  	s7 =	sld [smem:$0x3FA9]  }
0x2d: {  	s3 =	simm.s32 $0x108;
	s8 =	sld [smem:$0x3FAA]  }
0x2e: {  	s3 =	simm.s32 @!p0 $0x1082;
	s9 =	sld [smem:$0x3FAB]  }
0x2f: {  	lr =	sadd.s32 s0, s3;
	s0 =	sld [smem:$0x3FA2]  }
0x30: {  	s3 =	sld [smem:$0x3FA5]  }
0x31: {  	[smem:$0x3FAE] =	sst s10  }
0x32: {  	s10 =	sld [smem:$0x3FAC];
	_ =	sdelay $0x3  }
0x33: {  	p0 =	seq.s32 s10, $0x1;
	s10 =	sld [smem:$0x3FAE];
	_ =	sdelay $0x3  }
0x34: {  	[smem:$0x3FAE] =	sst s10  }
0x35: {  	s10 =	sld [smem:$0x3FAD];
	_ =	sdelay $0x3  }
0x36: {  	p1 =	seq.s32 s10, $0x1;
	s10 =	sld [smem:$0x3FAE];
	_ =	sdelay $0x3  }
0x37: {  	[smem:$0x3FAE] =	sst s10  }
0x38: {  	s10 =	sld [smem:$0x3FAF]  }
0x39: {  	_ = 	snop;
	(pc) =	sbr.ind lr, $3  }
0x3a: {  	_ = 	snop  }
0x3b: {  	_ = 	snop  }
0x3c: {  	p2 =	seq.s32 s10, $0x1;
	s10 =	sld [smem:$0x3FAE]  }
0x3d: {  	_ =	shalt  }
0x3e: {  	_ =	shalt  }
0x3f: {  	_ =	shalt  }
0x40: {  	_ =	shalt  }
0x41: {  	_ =	shalt  }
0x42: {  	_ =	shalt  }
0x43: {  	_ =	shalt  }
0x44: {  	_ =	shalt  }
0x45: {  	_ =	shalt  }
0x46: {  	_ =	shalt  }
0x47: {  	_ =	shalt  }
0x48: {  	_ =	shalt  }
0x49: {  	_ =	shalt  }
0x4a: {  	_ =	shalt  }
0x4b: {  	_ =	shalt  }
0x4c: {  	_ =	shalt  }
0x4d: {  	_ =	shalt  }
0x4e: {  	_ =	shalt  }
0x4f: {  	_ =	shalt  }
0x50: {  	_ =	shalt  }
0x51: {  	_ =	shalt  }
0x52: {  	_ =	shalt  }
0x53: {  	_ =	shalt  }
0x54: {  	_ =	shalt  }
0x55: {  	_ =	shalt  }
0x56: {  	_ =	shalt  }
0x57: {  	_ =	shalt  }
0x58: {  	_ =	shalt  }
0x59: {  	_ =	shalt  }
0x5a: {  	_ =	shalt  }
0x5b: {  	_ =	shalt  }
0x5c: {  	_ =	shalt  }
0x5d: {  	_ =	shalt  }
0x5e: {  	_ =	shalt  }
0x5f: {  	_ =	shalt  }
0x60: {  	_ =	shalt  }
0x61: {  	_ =	shalt  }
0x62: {  	_ =	shalt  }
0x63: {  	_ =	shalt  }
0x64: {  	_ =	shalt  }
0x65: {  	_ =	shalt  }
0x66: {  	_ =	shalt  }
0x67: {  	_ =	shalt  }
0x68: {  	_ =	shalt  }
0x69: {  	_ =	shalt  }
0x6a: {  	_ =	shalt  }
0x6b: {  	_ =	shalt  }
0x6c: {  	_ =	shalt  }
0x6d: {  	_ =	shalt  }
0x6e: {  	_ =	shalt  }
0x6f: {  	_ =	shalt  }
0x70: {  	_ =	shalt  }
0x71: {  	_ =	shalt  }
0x72: {  	_ =	shalt  }
0x73: {  	_ =	shalt  }
0x74: {  	_ =	shalt  }
0x75: {  	_ =	shalt  }
0x76: {  	_ =	shalt  }
0x77: {  	_ =	shalt  }
0x78: {  	_ =	shalt  }
0x79: {  	_ =	shalt  }
0x7a: {  	_ =	shalt  }
0x7b: {  	_ =	shalt  }
0x7c: {  	_ =	shalt  }
0x7d: {  	_ =	shalt  }
0x7e: {  	_ =	shalt  }
0x7f: {  	_ =	shalt  }
0x80: {  	_ =	shalt  }
0x81: {  	_ =	shalt  }
0x82: {  	_ =	shalt  }
0x83: {  	_ =	shalt  }
0x84: {  	_ =	shalt  }
0x85: {  	_ =	shalt  }
0x86: {  	_ =	shalt  }
0x87: {  	_ =	shalt  }
.Lfunc_end0:
.L_simem_size_0:
called_computation_lowered:
.L_overlay_start_0:
0x88: {  	s2 =	sld [smem:$0x3FD9]  }
0x89: {  	s3 =	sld [smem:$0x3FFE];
	_ =	sdelay $0x1  }
0x8a: {  	s1 =	srdreg.scid  }
0x8b: {  	s0 =	sand.u32 $0x1, s1  }
0x8c: {  	s14 =	sshll.u32 s0, $0xA;
	s2 =	sadd.s32 s3, s2  }
0x8d: {  	s2 =	sadd.s32 s2, s14  }
0x8e: {  	[smem:$0x3FBA] =	sst s2  }
0x8f: {  	_ = 	snop  }
0x90: {  	s2 =	sld [smem:$0x3FD0];
	_ =	sdelay $0x2  }
0x91: {  	s15 =	simm.s32 $0xA;
	s4 =	simm.s32 $0x10  }
0x92: {  	[smem:s4], [sflag:s15] =	dma.local [hbm:s2], $0x1  }
0x93: {  	_ =	swait.eq [sflag:s15], $0x1  }
0x94: {  	[sflag:s15] =	ssyncset.done $0x0  }
0x95: {  	[sflag:s15] =	ssyncadd.s32 $0xFFFFFFFF  }
0x96: {  	s16 =	sld [smem:$0x11];
	(tm) =	ssettm $0x1  }
0x97: {  	s17 =	sld [smem:$0x3FFB];
	_ =	sdelay $0x3  }
0x98: {  	_ =	strace s17  }
0x99: {  	s3 =	sld [smem:$0x3FFC];
	_ =	sdelay $0x3  }
0x9a: {  	_ =	strace s3  }
0x9b: {  	s3 =	sld [smem:$0x3FFD];
	_ =	sdelay $0x3  }
0x9c: {  	_ =	strace s3  }
0x9d: {  	_ =	strace $0x8FFFFFFF  }
0x9e: {  	s18 =	sld [smem:$0x3FDB];
	_ =	sdelay $0x1  }
0x9f: {  	s19 =	simm.s32 $_scs_section_size  }
0xa0: {  	s5 =	simm.s32 $_size__tile_overlayer_lowered;
	s6 =	simm.s32 $_tile_overlayer_lowered  }
0xa1: {  	s22 =	simm.s32 $0x1BFF;
	s21 =	sshll.u32 s6, $0x1;
	s3 =	sadd.s32 s19, s18  }
0xa2: {  	s7 =	simm.s32 $0x0;
	s20 =	sshll.u32 s5, $0x1;
	s5 =	sadd.s32 s21, s3  }
0xa3: {  	[timem:s7], [sflag:s22] =	dma.local [hbm:s5], s20  }
0xa4: {  	_ =	swait.ge [sflag:s22], s20  }
0xa5: {  	s4 =	ssub.s32 $0x0, s20;
	[sflag:s22] =	ssyncset.done $0x0  }
0xa6: {  	[sflag:s22] =	ssyncadd.s32 s4;
	_ =	sdelay $0x1  }
0xa7: {  	s23 =	simm.s32 $0x1B8B  }
0xa8: {  	_ =	swait.ge [sflag:s23], $0x1  }
0xa9: {  	[sflag:s23] =	ssyncset.done $0x0  }
0xaa: {  	s25 =	simm.s32 $0x1B8E;
	s24 =	sld [smem:$0x3FFE];
	[sflag:s23] =	ssyncadd.s32 $0xFFFFFFFF  }
0xab: {  	s26 =	simm.s32 $execute0_lowered;
	[smem:$0x3FD2] =	sst s25  }
0xac: {  	s5 =	sshll.u32 s26, $0x1;
	_ =	strace $0x80000046;
	[dreg:$0x1] =	wrdreg $0xFFFFFFFF  }
0xad: {  	s28 =	simm.s32 $_size_execute0_lowered;
	s3 =	sadd.s32 s3, s5;
	[dreg:$0x0] =	wrdreg $0x0  }
0xae: {  	s5 =	sshll.u32 s28, $0x1;
	[dreg:$0x2] =	wrdreg s3  }
0xaf: {  	[dreg:$0x3] =	wrdreg s5  }
0xb0: {  	[dreg:$0x4] =	wrdreg $0xC0  }
0xb1: {  	_ =	task [dreg:s7], $0x5FFFF  }
0xb2: {  	[dreg:$0x1] =	wrdreg $0xFFFFFFFF  }
0xb3: {  	[dreg:$0x0] =	wrdreg $0x60  }
0xb4: {  	[dreg:$0x2] =	wrdreg s24  }
0xb5: {  	[dreg:$0x3] =	wrdreg s16  }
0xb6: {  	[dreg:$0x4] =	wrdreg $0x123800  }
0xb7: {  	[dreg:$0x5] =	wrdreg $0x185800  }
0xb8: {  	[dreg:$0x6] =	wrdreg $0x9  }
0xb9: {  	_ =	task.clear_ibuf [dreg:s7], $0x7FFFF;
	_ =	strace $0x90000046  }
0xba: {  	s29 =	simm.s32 $0x9;
	_ =	strace $0x80000048  }
0xbb: {  	_ =	swait.ge [sflag:s29], $0x1  }
0xbc: {  	[sflag:s29] =	ssyncadd.s32 $0xFFFFFFFF  }
0xbd: {  	_ =	strace $0x90000048  }
0xbe: {  	_ =	sfence  }
0xbf: {  	s30 =	sld [smem:$0x0];
	_ =	sdelay $0x2  }
0xc0: {  	s31 =	sshll.u32 s1, $0xD;
	s1 =	sshrl.u32 s1, $0x2  }
0xc1: {  	s3 =	sand.u32 $0x4000, s31;
	s1 =	sadd.s32 s1, s30  }
0xc2: {  	s0 =	sor.u32 s3, s0;
	s1 =	sshll.u32 s1, $0x11  }
0xc3: {  	s0 =	sor.u32 s1, s0  }
0xc4: {  	s0 =	sadd.s32 $0x8F2B, s0  }
0xc5: {  	[sflag:s0] =	ssyncadd.remote.s32 $0x1  }
0xc6: {  	_ =	sfence.sel $0xFFFF  }
0xc7: {  	[dreg:$0x0] =	wrdreg $0xFFFFFFFF;
	(pc) =	sbr.abs _section_cstart, $3  }
0xc8: {  	[dreg:$0x1] =	wrdreg $0xFFFFFFFF  }
0xc9: {  	_ =	task.clear_ibuf [dreg:s7], $0x2FFFF;
	_ =	strace $0x9FFFFFFF  }
0xca: {  	(tm) =	ssettm $0x7FFFFFFF  }
0xcb: {  	_ =	shalt  }
tec
execute0_lowered:
.L_overlay_start_1:
0x0: {  	(tag) =	ssettag $0x1  }
0x1: {  	s6 =	rddreg [dreg:$0x0]  }
0x2: {  	s0 =	rddreg [dreg:$0x1]  }
0x3: {  	s1 =	rddreg [dreg:$0x2]  }
0x4: {  	s2 =	rddreg [dreg:$0x3];
	s3 =	srdreg.scid  }
0x5: {  	s5 =	simm.s32 $0x0;
	s22 =	stileid.u32;
	s28 =	simm.s32 $0x1  }
0x6: {  	s29 =	simm.s32 $0x0;
	s4 =	sand.u32 $0x1, s3;
	[smem:$0x7FF] =	sst s5  }
0x7: {  	s12 =	sadd.s32 $0x1C00, s6;
	s13 =	sadd.s32 $0x1BC00, s6;
	s9 =	smul.u32 $0xC400, s22  }
0x8: {  	s5 =	sadd.s32 $0x35C00, s6;
	s16 =	sshll.u32 s22, $0x7;
	s25 =	smul.u32 $0x18800, s22  }
0x9: {  	s3 =	sshll.u32 s4, $0x4;
	_ =	strace $0x80000047;
	s14 =	sshll.u32 s4, $0x7  }
0xa: {  	s16 =	sand.u32 $0x380, s16;
	s30 =	ssub.s32 $0x2, s4;
	s4 =	smul.u32 $0x6000, s4  }
0xb: {  	s8 =	sor.u32 s22, s3;
	s9 =	sor.u32 s14, s9;
	s31 =	sshrl.u32 s30, $0x1  }
0xc: {  	v1 =	vimm.s32 $0xEDCBA987;
	v2 =	vimm.f32 $1.000000000e+00;
	v4 =	vimm.s32 $0x65432100;
	s23 =	smul.u32 $0xC, s8;
	s3 =	smin.u32 s8, $0x8;
	s15 =	sshrl.u32 s8, $0x3  }
0xd: {  	v6 =	vimm.s32 $0xDCBA9876;
	v7 =	vimm.s32 $0x54321000;
	v8 =	vimm.s32 $0xBA987654;
	s9 =	sshrl.u32 s9, $0x3;
	s19 =	smul.u32 $0x6800, s8;
	s21 =	ssub.s32 s30, s31  }
0xe: {  	v9 =	vimm.s32 $0xE40000;
	v10 =	vimm.s32 $0x32100000;
	vm0 =	vmmov $0x3;
	p0 =	slt.u32 s8, $0x8;
	s30 =	smul.u32 $0x600, s22;
	s18 =	sadd.s32 s9, s6  }
0xf: {  	vm1 =	vmmov $0xf;
	vm2 =	vcmask $0x3F30;
	v11 =	vimm.s32 $0x2000;
	s11 =	smul.u32 $0x31400, s15;
	s7 =	sadd.s32 s3, s23;
	s18 =	sadd.s32 $0x39000, s18  }
0x10: {  	v3 =	vunpack.c.l.s4.s8 v1;
	v1 =	vimm.f32 $0.0e+00;
	v4 =	vunpack.c.l.s4.s8 v4;
	s4 =	sadd.s32 s30, s4;
	s3 =	sshll.u32 s3, $0x7;
	s10 =	sshll.u32 s7, $0x4  }
0x11: {  	v6 =	vunpack.c.l.s4.s8 v6;
	v7 =	vunpack.c.l.s4.s8 v7;
	v8 =	vunpack.c.l.s4.s8 v8;
	s7 =	smul.u32 $0x6280, s22;
	s24 =	sor.u32 s16, s11;
	s11 =	sshrl.u32 s25, $0x2  }
0x12: {  	v9 =	vunpack.c.l.s2.s4 v9;
	v10 =	vunpack.c.l.s4.s8 v10;
	v5 =	vunpack.c.0.s8.s32 v3;
	s22 =	simm.s32 $0x10400;
	s17 =	sadd.s32 s10, s6;
	s26 =	sshrl.u32 s24, $0x3  }
0x13: {  	v3 =	vimm.s32 $0x0;
	v6 =	vunpack.c.0.s8.s32 v6;
	v8 =	vunpack.c.0.s8.s32 v8;
	s24 =	sshrl.u32 s19, $0x3;
	s19 =	smax.u32 s21, $0x1;
	s21 =	sadd.s32 s3, s4  }
0x14: {  	v4 =	vunpack.c.0.s8.s32 v4;
	v7 =	vunpack.c.0.s8.s32 v7;
	v9 =	vunpack.c.l.s4.s8 v9;
	s20 =	sadd.s32 s26, s6;
	s6 =	sadd.s32 s11, s1;
	s10 =	sadd.s32 s12, s24  }
0x15: {  	v5 =	vand.u32 $0xF, v5;
	v6 =	vand.u32 $0xF, v6;
	v8 =	vand.u32 $0xF, v8;
	s25 =	sadd.s32 $0x680, s24;
	s11 =	sadd.s32 s13, s24;
	s26 =	sshll.u32 s15, $0xA  }
0x16: {  	v9 =	vunpack.c.0.s8.s32 v9;
	v4 =	vcombine.low v4, v5;
	v5 =	vlaneseq.u32;
	s15 =	sadd.s32 $0x37600, s17;
	s31 =	sadd.s32 s7, s2;
	s24 =	simm.s32 $0x3400  }
0x17: {  	v6 =	vcombine.low v7, v6;
	v7 =	vunpack.c.0.s8.s32 v10;
	v10 =	vimm.s32 $0x7060504;
	s14 =	sadd.s32 $0x1880, s6;
	s23 =	sadd.s32 $0x3100, s6;
	s9 =	sadd.s32 $0x4980, s6  }
0x18: {  	v9 =	vand.u32 $0x3, v9;
	v12 =	vor.u32 $0x10, v5;
	v13 =	vor.u32 $0x20, v5;
	s12 =	sadd.s32 s12, s25;
	s13 =	sadd.s32 s13, s25;
	s8 =	sor.u32 s16, s26  }
0x19: {  	v14 =	vor.u32 $0x30, v5;
	v15 =	vor.u32 $0x40, v5;
	v16 =	vor.u32 $0x50, v5;
	s17 =	sadd.s32 $0x51800, s20;
	s25 =	sshrl.u32 s31, $0x3;
	[dreg:$0x5] =	wrdreg s14  }
0x1a: {  	v17 =	vor.u32 $0x60, v5;
	v7 =	vcombine.low v7, v8;
	v8 =	vunpack.c.0.s8.s32 v10;
	s26 =	simm.s32 $0x80;
	[dreg:$0x6] =	wrdreg s23;
	s14 =	simm.s32 $0xD  }
0x1b: {  	v18 =	vor.u32 $0x70, v5;
	v10 =	vmul.u32 $0x8, v5;
	v0 =	vmov s7;
	s8 =	sshrl.u32 s8, $0x3;
	s23 =	simm.s32 $0x2;
	s14 =	simm.s32 @!p0 $0xC  }
0x1c: {  	v8 =	vsel vm2, v8, v9;
	vm2 =	vmmov $0xff;
	v9 =	vimm.s32 $0xF;
	s16 =	sadd.s32 s0, s8;
	s0 =	simm.s32 $0x10;
	s20 =	sshll.u32 s14, $0x7  }
.LBB2_1:
0x1d: {  	s3 =	simm.s32 $0x40;
	s4 =	simm.s32 $0x0  }
.LBB2_2:
0x1e: {  	p0 =	sne.s32 s3, $0x61C0;
	[tilespmem:s4+$0x10400] =	vst v1;
	s4 =	smov.u32 s3;
	s3 =	sadd.s32 $0x40, s3  }
.Ltmp0:
0x1f: {  	(pc) =	sbr.rel @p0 .LBB2_2-.Ltmp0, $2  }
0x20: {  	_ =	sdelay $0x2  }
0x21: {  	s4 =	sshra.s32 s4, $0x2  }
0x22: {  	[tilespmem:s4+$0x10400] =	vst v1  }
0x23: {  	[spmem:s6] =	stream.linear.scatter [tilespmem:s22], [sflag:$0x2], $0x1880, $0x38;
	[tilespmem:$0x1E800] =	vst v63  }
0x24: {  	_ =	swait.ge [sflag:s23], $0x1880  }
0x25: {  	[sflag:s23] =	ssyncset.done $0x0  }
0x26: {  	s3 =	rddreg [dreg:$0x5];
	[sflag:s23] =	ssyncadd.s32 $0xFFFFE780  }
0x27: {  	[spmem:s3] =	stream.linear.scatter [tilespmem:s22], [sflag:$0x2], $0x1880, $0x38;
	[tilespmem:$0x1E800] =	vst v63  }
0x28: {  	_ =	swait.ge [sflag:s23], $0x1880  }
0x29: {  	[sflag:s23] =	ssyncset.done $0x0  }
0x2a: {  	s31 =	rddreg [dreg:$0x6];
	[sflag:s23] =	ssyncadd.s32 $0xFFFFE780  }
0x2b: {  	[spmem:s31] =	stream.linear.scatter [tilespmem:s22], [sflag:$0x2], $0x1880, $0x38;
	[tilespmem:$0x1E800] =	vst v63  }
0x2c: {  	_ =	swait.ge [sflag:s23], $0x1880  }
0x2d: {  	[sflag:s23] =	ssyncset.done $0x0  }
0x2e: {  	[sflag:s23] =	ssyncadd.s32 $0xFFFFE780  }
0x2f: {  	[spmem:s9] =	stream.linear.scatter [tilespmem:s22], [sflag:$0x2], $0x1880, $0x38;
	[tilespmem:$0x1E800] =	vst v63  }
0x30: {  	_ =	swait.ge [sflag:s23], $0x1880  }
0x31: {  	[sflag:s23] =	ssyncset.done $0x0  }
0x32: {  	[sflag:s23] =	ssyncadd.s32 $0xFFFFE780  }
0x33: {  	[tilespmem:$0x10400] =	vst v2  }
0x34: {  	[tilespmem:$0x10410] =	vst v2  }
0x35: {  	[tilespmem:$0x10420] =	vst v2  }
0x36: {  	[tilespmem:$0x10430] =	vst v2  }
0x37: {  	[tilespmem:$0x10440] =	vst v2  }
0x38: {  	[tilespmem:$0x10450] =	vst v2  }
0x39: {  	[tilespmem:$0x10460] =	vst v2  }
0x3a: {  	[tilespmem:$0x10470] =	vst v2  }
0x3b: {  	s3 =	simm.s32 $0x0;
	[bflag:$0x0] =	sbarrier.arrive $0xFFFF  }
0x3c: {  	[tilespmem:s3], [sflag:$0x2] =	stream.linear.gather [hbm4b:s10+s3], $0x3100, $0x38;
	[tilespmem:$0x1E800] =	vst v63  }
0x3d: {  	_ =	swait.ge [sflag:s23], $0x3100  }
0x3e: {  	[sflag:s23] =	ssyncset.done $0x0  }
0x3f: {  	[sflag:s23] =	ssyncadd.s32 $0xFFFFCF00  }
0x40: {  	[tilespmem:s24], [sflag:$0x2] =	stream.linear.gather [hbm4b:s11+s3], $0x3100, $0x38;
	[tilespmem:$0x1E800] =	vst v63  }
0x41: {  	_ =	swait.ge [sflag:s23], $0x3100  }
0x42: {  	[sflag:s23] =	ssyncset.done $0x0  }
0x43: {  	[sflag:s23] =	ssyncadd.s32 $0xFFFFCF00  }
.LBB2_4:
0x44: {  	p0 =	sne.s32 s3, $0xC200  }
.Ltmp1:
0x45: {  	_ = 	snop;
	(pc) =	sbr.rel @p0 .LBB2_4-.Ltmp1, $4  }
0x46: {  	_ = 	snop  }
0x47: {  	s4 =	sshra.s32 s3, $0x2  }
0x48: {  	s3 =	sadd.s32 $0x200, s3;
	s7 =	sadd.s32 $0x6800, s4  }
0x49: {  	[tilespmem:s7], [sflag:$0x1] =	stream.indirect.gather [hbm4b:s5+s26], $0x1, s4, s26, $0xb8;
	[tilespmem:$0x1E800] =	vst v63  }
0x4a: {  	s3 =	simm.s32 $0x62  }
.LBB2_6:
0x4b: {  	p0 =	sne.s32 s3, $0x1  }
.Ltmp2:
0x4c: {  	_ = 	snop;
	(pc) =	sbr.rel @p0 .LBB2_6-.Ltmp2, $4  }
0x4d: {  	_ = 	snop  }
0x4e: {  	_ =	swait.ge [sflag:s28], $0x80  }
0x4f: {  	[sflag:s28] =	ssyncset.done $0x0  }
0x50: {  	s3 =	sadd.s32 $0xFFFFFFFF, s3;
	[sflag:s28] =	ssyncadd.s32 $0xFFFFFF80  }
0x51: {  	s31 =	simm.s32 $0x0  }
0x52: {  	v19 =	vld [tilespmem:s31+$0x3400];
	_ =	sdelay $0x4  }
0x53: {  	vm4 =	vlt.s32 v19, $0x2000  }
0x54: {  	v20 =	vsel vm4, $0x1, v3  }
0x55: {  	s30 =	simm.s32 $0x10;
	v21 =	vld [tilespmem:s31+$0x0];
	v22 =	vperm.xlane v20, v4  }
0x56: {  	vm3 =	veq.s32 v5, $0x0;
	v23 =	vld [tilespmem:s30+$0x3400]  }
0x57: {  	v22 =	vsel vm3, $0x0, v22  }
0x58: {  	v20 =	vadd.s32 v20, v22  }
0x59: {  	v24 =	vld [tilespmem:s30+$0x0];
	v22 =	vperm.xlane v20, v6  }
0x5a: {  	v21 =	vshll.u32 v21, $0xE;
	v19 =	vnsel vm4, $0x0, v19  }
0x5b: {  	vm5 =	vlt.s32 v23, $0x2000;
	v19 =	vadd.s32 v21, v19;
	v21 =	vsel vm0, $0x0, v22  }
0x5c: {  	v25 =	vsel vm5, $0x1, v3;
	v20 =	vadd.s32 v21, v20  }
0x5d: {  	s4 =	simm.s32 $0x20;
	[tilespmem:s31+$0xD000] =	vst v19;
	v21 =	vperm.xlane v25, v4;
	v26 =	vperm.xlane v20, v7  }
0x5e: {  	v24 =	vshll.u32 v24, $0xE;
	vm4 =	vmmov vm4;
	v22 =	vld [tilespmem:s4+$0x3400]  }
0x5f: {  	v23 =	vnsel vm5, $0x0, v23;
	v21 =	vsel vm3, $0x0, v21;
	v26 =	vsel vm1, $0x0, v26  }
0x60: {  	vm7 =	vmmov vm4;
	v27 =	vadd.s32 v25, v21;
	v20 =	vadd.s32 v26, v20  }
0x61: {  	vm4 =	vmmov vm5;
	v21 =	vld [tilespmem:s4+$0x0];
	v25 =	vperm.xlane v27, v6;
	v26 =	vperm.xlane v20, v8  }
0x62: {  	v23 =	vadd.s32 v24, v23;
	v19 =	vimm.s32 $0x0;
	vm5 =	vmmov vm7  }
0x63: {  	vm6 =	vlt.s32 v22, $0x2000;
	v24 =	vsel vm0, $0x0, v25;
	v26 =	vsel vm2, $0x0, v26  }
0x64: {  	s7 =	simm.s32 $0x30;
	[tilespmem:s30+$0xD000] =	vst v23;
	v25 =	vsel vm6, $0x1, v3;
	v24 =	vadd.s32 v24, v27;
	v23 =	vadd.s32 v26, v20  }
0x65: {  	s3 =	simm.s32 $0x0;
	s8 =	simm.s32 $0x100;
	v27 =	vperm.xlane v25, v4;
	v20 =	vld [tilespmem:s7+$0x3400];
	v26 =	vperm.xlane v24, v7;
	v28 =	vadd.s32 v23, v19  }
.LBB2_8:
0x66: {  	v29 =	vshll.u32 v21, $0xE;
	v22 =	vnsel vm6, $0x0, v22  }
0x67: {  	p0 =	sne.s32 s8, $0xC3C0;
	v21 =	vld [tilespmem:s7+$0x0];
	v28 =	vadd.s32 $0xFFFFFFFF, v28;
	vm7 =	vmmov vm4;
	vm4 =	vmmov vm6  }
0x68: {  	v27 =	vsel vm3, $0x0, v27;
	v26 =	vsel vm1, $0x0, v26;
	v28 =	vnsel vm5, $0x627F, v28  }
0x69: {  	v27 =	vadd.s32 v25, v27;
	v26 =	vadd.s32 v26, v24;
	v24 =	vadd.s32 v0, v28  }
.Ltmp3:
0x6a: {  	v25 =	vadd.s32 v29, v22;
	v28 =	vperm.xlane v27, v6;
	v29 =	vperm.xlane v26, v8;
	[tilespmem:s31+$0x9C00] =	vst v24;
	s31 =	smov.u32 s30;
	s30 =	smov.u32 s4;
	(pc) =	sbr.rel @p0 .LBB2_8-.Ltmp3, $4  }
0x6b: {  	v30 =	vperm.xlane v23, v9;
	vm5 =	vmmov vm7;
	s4 =	smov.u32 s7;
	vm6 =	vlt.s32 v20, $0x2000;
	[tilespmem:s30+$0xD000] =	vst v25;
	v22 =	vmovc v20  }
0x6c: {  	v25 =	vsel vm6, $0x1, v3;
	v20 =	vsel vm0, $0x0, v28;
	v23 =	vsel vm2, $0x0, v29  }
0x6d: {  	v19 =	vadd.s32 v19, v30;
	s7 =	sshra.s32 s8, $0x2;
	v24 =	vadd.s32 v20, v27;
	v23 =	vadd.s32 v23, v26  }
0x6e: {  	s8 =	sadd.s32 $0x40, s8;
	v27 =	vperm.xlane v25, v4;
	v20 =	vld [tilespmem:s7+$0x3400];
	v26 =	vperm.xlane v24, v7;
	v28 =	vadd.s32 v23, v19  }
0x6f: {  	_ =	sdelay $0x2  }
0x70: {  	vm7 =	veq.s32 v5, $0x0;
	v21 =	vshll.u32 v21, $0xE;
	v22 =	vnsel vm6, $0x0, v22  }
0x71: {  	v48 =	vadd.s32 $0xFFFFFFFF, v28;
	vm4 =	vmmov vm4;
	vm3 =	vlt.s32 v20, $0x2000  }
0x72: {  	vm13 =	vmmov vm6;
	v27 =	vsel vm7, $0x0, v27;
	v29 =	vsel vm3, $0x1, v3  }
0x73: {  	v23 =	vperm.xlane v23, v9;
	v25 =	vadd.s32 v25, v27;
	v30 =	vperm.xlane v29, v4  }
0x74: {  	v26 =	vsel vm1, $0x0, v26;
	v21 =	vadd.s32 v21, v22;
	v49 =	vperm.xlane v25, v6  }
0x75: {  	vm4 =	vmmov vm4;
	vm14 =	vmmov vm13;
	v30 =	vsel vm7, $0x0, v30  }
0x76: {  	v24 =	vadd.s32 v26, v24;
	v26 =	vsel vm0, $0x0, v49;
	v51 =	vadd.s32 v29, v30  }
0x77: {  	v52 =	vld [tilespmem:s7+$0x0];
	v50 =	vperm.xlane v24, v8;
	v25 =	vadd.s32 v26, v25;
	v53 =	vperm.xlane v51, v6  }
0x78: {  	v27 =	vnsel vm5, $0x627F, v48;
	v19 =	vadd.s32 v19, v23;
	v54 =	vperm.xlane v25, v7  }
0x79: {  	vm15 =	vmmov vm14;
	v22 =	vsel vm2, $0x0, v50;
	v55 =	vsel vm0, $0x0, v53  }
0x7a: {  	v22 =	vadd.s32 v22, v24;
	v24 =	vsel vm1, $0x0, v54;
	v23 =	vadd.s32 v55, v51  }
0x7b: {  	v27 =	vadd.s32 v0, v27;
	v24 =	vadd.s32 v24, v25;
	v58 =	vperm.xlane v23, v7  }
0x7c: {  	v57 =	vshll.u32 v52, $0xE;
	v20 =	vnsel vm3, $0x0, v20;
	v59 =	vperm.xlane v24, v8  }
0x7d: {  	vm3 =	vmmov vm3;
	v20 =	vadd.s32 v57, v20;
	v25 =	vsel vm1, $0x0, v58  }
0x7e: {  	v56 =	vadd.s32 v22, v19;
	v29 =	vsel vm2, $0x0, v59;
	v23 =	vadd.s32 v25, v23  }
0x7f: {  	v22 =	vperm.xlane v22, v9;
	v24 =	vadd.s32 v29, v24;
	v25 =	vperm.xlane v23, v8  }
0x80: {  	vm3 =	vmmov vm3;
	v26 =	vadd.s32 $0xFFFFFFFF, v56;
	v60 =	vperm.xlane v24, v9  }
0x81: {  	v26 =	vnsel vm4, $0x627F, v26;
	v19 =	vadd.s32 v19, v22;
	v61 =	vsel vm2, $0x0, v25  }
0x82: {  	[tilespmem:s31+$0x9C00] =	vst v27;
	v24 =	vadd.s32 v24, v19;
	v19 =	vadd.s32 v19, v60;
	v22 =	vadd.s32 v61, v23  }
0x83: {  	[tilespmem:s4+$0xD000] =	vst v21;
	v26 =	vadd.s32 v0, v26;
	v62 =	vadd.s32 $0xFFFFFFFF, v24;
	v23 =	vadd.s32 v22, v19  }
0x84: {  	vm3 =	vmmov vm3;
	[tilespmem:s30+$0x9C00] =	vst v26;
	v21 =	vnsel vm15, $0x627F, v62;
	v23 =	vadd.s32 $0xFFFFFFFF, v23  }
0x85: {  	[tilespmem:s7+$0xD000] =	vst v20;
	v20 =	vadd.s32 v0, v21;
	v22 =	vperm.xlane v22, v9;
	v63 =	vnsel vm3, $0x627F, v23  }
0x86: {  	[tilespmem:s4+$0x9C00] =	vst v20;
	v20 =	vadd.s32 v0, v63  }
0x87: {  	v19 =	vadd.s32 v19, v22;
	[tilespmem:s7+$0x9C00] =	vst v20  }
.LBB2_10:
0x88: {  	p0 =	sne.s32 s3, $0xC200  }
.Ltmp4:
0x89: {  	_ = 	snop;
	(pc) =	sbr.rel @p0 .LBB2_10-.Ltmp4, $4  }
0x8a: {  	_ = 	snop  }
0x8b: {  	s4 =	sshra.s32 s3, $0x2  }
0x8c: {  	s3 =	sadd.s32 $0x200, s3;
	s7 =	sadd.s32 $0xD000, s4;
	s4 =	sadd.s32 $0x9C00, s4  }
0x8d: {  	[spmem:s2] =	stream.indirect.scatter [tilespmem:s7], [sflag:$0x1], $0x1, s4, s26, $0xb8;
	[tilespmem:$0x1E800] =	vst v63  }
0x8e: {  	_ =	swait.ge [sflag:s28], $0x80  }
0x8f: {  	s4 =	simm.s32 $0x61;
	[sflag:s28] =	ssyncset.done $0x0  }
.LBB2_12:
0x90: {  	p0 =	sne.s32 s4, $0x1;
	s4 =	sadd.s32 $0xFFFFFFFF, s4;
	[sflag:s28] =	ssyncadd.s32 $0xFFFFFF80  }
.Ltmp5:
0x91: {  	(pc) =	sbr.rel @p0 .LBB2_12-.Ltmp5, $3  }
0x92: {  	_ =	sdelay $0x1  }
0x93: {  	_ =	swait.ge [sflag:s28], $0x80  }
0x94: {  	s3 =	simm.s32 $0x0;
	[sflag:s28] =	ssyncset.done $0x0  }
0x95: {  	[sflag:s28] =	ssyncadd.s32 $0xFFFFFF80;
	s4 =	simm.s32 $0x0  }
0x96: {  	v20 =	vld [tilespmem:s4+$0x3400]  }
0x97: {  	s7 =	simm.s32 $0x40;
	v21 =	vld [tilespmem:s4+$0x6800]  }
.LBB2_14:
0x98: {  	p0 =	sne.s32 s7, $0xC3C0  }
.Ltmp6:
0x99: {  	_ = 	snop;
	(pc) =	sbr.rel @p0 .LBB2_14-.Ltmp6, $4  }
0x9a: {  	_ = 	snop  }
0x9b: {  	s8 =	sshra.s32 s7, $0x2;
	s7 =	sadd.s32 $0x40, s7;
	v22 =	vshll.u32 v20, $0x3  }
0x9c: {  	v20 =	vld [tilespmem:s8+$0x3400];
	v22 =	vadd.s32 v21, v22  }
0x9d: {  	v21 =	vld [tilespmem:s8+$0x6800];
	[tilespmem:s4+$0x9C00] =	vst v22;
	s4 =	smov.u32 s8  }
0x9e: {  	_ =	sdelay $0x2  }
0x9f: {  	v20 =	vshll.u32 v20, $0x3  }
0xa0: {  	v20 =	vadd.s32 v21, v20  }
0xa1: {  	[tilespmem:s4+$0x9C00] =	vst v20  }
.LBB2_16:
0xa2: {  	p0 =	sne.s32 s3, $0xC200  }
.Ltmp7:
0xa3: {  	_ = 	snop;
	(pc) =	sbr.rel @p0 .LBB2_16-.Ltmp7, $4  }
0xa4: {  	_ = 	snop  }
0xa5: {  	s4 =	sshra.s32 s3, $0x2  }
0xa6: {  	s3 =	sadd.s32 $0x200, s3;
	s4 =	sadd.s32 $0x9C00, s4  }
0xa7: {  	[spmem:s1] =	stream.indirect.scatter.add.f32 [tilespmem:s22], [sflag:$0x1], $0x1, s4, s26, $0xb8;
	[tilespmem:$0x1E800] =	vst v63  }
0xa8: {  	_ =	swait.ge [sflag:s28], $0x80  }
0xa9: {  	s3 =	simm.s32 $0x61;
	[sflag:s28] =	ssyncset.done $0x0  }
.LBB2_18:
0xaa: {  	p0 =	sne.s32 s3, $0x1;
	s3 =	sadd.s32 $0xFFFFFFFF, s3;
	[sflag:s28] =	ssyncadd.s32 $0xFFFFFF80  }
.Ltmp8:
0xab: {  	(pc) =	sbr.rel @p0 .LBB2_18-.Ltmp8, $3  }
0xac: {  	_ =	sdelay $0x1  }
0xad: {  	_ =	swait.ge [sflag:s28], $0x80  }
0xae: {  	[sflag:s28] =	ssyncset.done $0x0  }
0xaf: {  	[sflag:s28] =	ssyncadd.s32 $0xFFFFFF80;
	s3 =	simm.s32 $0x0  }
0xb0: {  	[tilespmem:s3], [sflag:$0x2] =	stream.linear.gather [hbm4b:s12+s3], $0x3100, $0x38;
	[tilespmem:$0x1E800] =	vst v63  }
0xb1: {  	_ =	swait.ge [sflag:s23], $0x3100  }
0xb2: {  	[sflag:s23] =	ssyncset.done $0x0  }
0xb3: {  	[sflag:s23] =	ssyncadd.s32 $0xFFFFCF00  }
0xb4: {  	[tilespmem:s24], [sflag:$0x2] =	stream.linear.gather [hbm4b:s13+s3], $0x3100, $0x38;
	[tilespmem:$0x1E800] =	vst v63  }
0xb5: {  	_ =	swait.ge [sflag:s23], $0x3100  }
0xb6: {  	[sflag:s23] =	ssyncset.done $0x0  }
0xb7: {  	[sflag:s23] =	ssyncadd.s32 $0xFFFFCF00  }
.LBB2_20:
0xb8: {  	p0 =	sne.s32 s3, $0xC200  }
.Ltmp9:
0xb9: {  	_ = 	snop;
	(pc) =	sbr.rel @p0 .LBB2_20-.Ltmp9, $4  }
0xba: {  	_ = 	snop  }
0xbb: {  	s4 =	sshra.s32 s3, $0x2  }
0xbc: {  	s3 =	sadd.s32 $0x200, s3;
	s7 =	sadd.s32 $0x6800, s4  }
0xbd: {  	[tilespmem:s7], [sflag:$0x1] =	stream.indirect.gather [hbm4b:s5+s26], $0x1, s4, s26, $0xb8;
	[tilespmem:$0x1E800] =	vst v63  }
0xbe: {  	_ =	swait.ge [sflag:s28], $0x80  }
0xbf: {  	s3 =	simm.s32 $0x61;
	[sflag:s28] =	ssyncset.done $0x0  }
.LBB2_22:
0xc0: {  	p0 =	sne.s32 s3, $0x1;
	s3 =	sadd.s32 $0xFFFFFFFF, s3;
	[sflag:s28] =	ssyncadd.s32 $0xFFFFFF80  }
.Ltmp10:
0xc1: {  	(pc) =	sbr.rel @p0 .LBB2_22-.Ltmp10, $3  }
0xc2: {  	_ =	sdelay $0x1  }
0xc3: {  	_ =	swait.ge [sflag:s28], $0x80  }
0xc4: {  	s30 =	simm.s32 $0x0;
	[sflag:s28] =	ssyncset.done $0x0  }
0xc5: {  	[sflag:s28] =	ssyncadd.s32 $0xFFFFFF80;
	s4 =	simm.s32 $0x0  }
0xc6: {  	v20 =	vld [tilespmem:s4+$0x3400];
	_ =	sdelay $0x4  }
0xc7: {  	vm4 =	vlt.s32 v20, $0x2000  }
0xc8: {  	v21 =	vsel vm4, $0x1, v3  }
0xc9: {  	s31 =	simm.s32 $0x10;
	v22 =	vld [tilespmem:s4+$0x0];
	v23 =	vperm.xlane v21, v4  }
0xca: {  	vm3 =	veq.s32 v5, $0x0;
	v24 =	vld [tilespmem:s31+$0x3400]  }
0xcb: {  	v23 =	vsel vm3, $0x0, v23  }
0xcc: {  	v21 =	vadd.s32 v21, v23  }
0xcd: {  	v25 =	vld [tilespmem:s31+$0x0];
	v23 =	vperm.xlane v21, v6  }
0xce: {  	v22 =	vshll.u32 v22, $0xE;
	v20 =	vnsel vm4, $0x0, v20  }
0xcf: {  	vm5 =	vlt.s32 v24, $0x2000;
	v20 =	vadd.s32 v22, v20;
	v22 =	vsel vm0, $0x0, v23  }
0xd0: {  	[tilespmem:s4+$0xD000] =	vst v20;
	v20 =	vsel vm5, $0x1, v3;
	v21 =	vadd.s32 v22, v21  }
0xd1: {  	s3 =	simm.s32 $0x20;
	v23 =	vperm.xlane v20, v4;
	v26 =	vperm.xlane v21, v7  }
0xd2: {  	v25 =	vshll.u32 v25, $0xE;
	v22 =	vld [tilespmem:s3+$0x3400]  }
0xd3: {  	vm4 =	vmmov vm4;
	v23 =	vsel vm3, $0x0, v23;
	v26 =	vsel vm1, $0x0, v26  }
0xd4: {  	v24 =	vnsel vm5, $0x0, v24;
	v20 =	vadd.s32 v20, v23;
	v23 =	vadd.s32 v26, v21  }
0xd5: {  	vm7 =	vmmov vm4;
	v26 =	vperm.xlane v20, v6;
	v21 =	vld [tilespmem:s3+$0x0];
	v27 =	vperm.xlane v23, v8  }
0xd6: {  	vm4 =	vmmov vm5;
	v24 =	vadd.s32 v25, v24;
	vm5 =	vmmov vm7  }
0xd7: {  	vm6 =	vlt.s32 v22, $0x2000;
	v26 =	vsel vm0, $0x0, v26;
	v27 =	vsel vm2, $0x0, v27  }
0xd8: {  	s7 =	simm.s32 $0x30;
	[tilespmem:s31+$0xD000] =	vst v24;
	v25 =	vsel vm6, $0x1, v3;
	v24 =	vadd.s32 v26, v20;
	v23 =	vadd.s32 v27, v23  }
0xd9: {  	s8 =	simm.s32 $0x100;
	v20 =	vld [tilespmem:s7+$0x3400];
	v27 =	vperm.xlane v25, v4;
	v26 =	vperm.xlane v24, v7;
	v28 =	vadd.s32 v23, v19  }
.LBB2_24:
0xda: {  	v29 =	vshll.u32 v21, $0xE;
	v22 =	vnsel vm6, $0x0, v22  }
0xdb: {  	p0 =	sne.s32 s8, $0xC3C0;
	v21 =	vld [tilespmem:s7+$0x0];
	v28 =	vadd.s32 $0xFFFFFFFF, v28;
	vm7 =	vmmov vm4;
	vm4 =	vmmov vm6  }
0xdc: {  	v27 =	vsel vm3, $0x0, v27;
	v26 =	vsel vm1, $0x0, v26;
	v28 =	vnsel vm5, $0x627F, v28  }
0xdd: {  	v27 =	vadd.s32 v25, v27;
	v26 =	vadd.s32 v26, v24;
	v24 =	vadd.s32 v0, v28  }
.Ltmp11:
0xde: {  	v25 =	vadd.s32 v29, v22;
	v28 =	vperm.xlane v27, v6;
	v29 =	vperm.xlane v26, v8;
	[tilespmem:s4+$0x9C00] =	vst v24;
	s4 =	smov.u32 s31;
	s31 =	smov.u32 s3;
	(pc) =	sbr.rel @p0 .LBB2_24-.Ltmp11, $4  }
0xdf: {  	v30 =	vperm.xlane v23, v9;
	vm5 =	vmmov vm7;
	s3 =	smov.u32 s7;
	vm6 =	vlt.s32 v20, $0x2000;
	[tilespmem:s31+$0xD000] =	vst v25;
	v22 =	vmovc v20  }
0xe0: {  	v25 =	vsel vm6, $0x1, v3;
	v20 =	vsel vm0, $0x0, v28;
	v23 =	vsel vm2, $0x0, v29  }
0xe1: {  	v19 =	vadd.s32 v19, v30;
	s7 =	sshra.s32 s8, $0x2;
	v24 =	vadd.s32 v20, v27;
	v23 =	vadd.s32 v23, v26  }
0xe2: {  	s8 =	sadd.s32 $0x40, s8;
	v27 =	vperm.xlane v25, v4;
	v20 =	vld [tilespmem:s7+$0x3400];
	v26 =	vperm.xlane v24, v7;
	v28 =	vadd.s32 v23, v19  }
0xe3: {  	_ =	sdelay $0x2  }
0xe4: {  	vm7 =	veq.s32 v5, $0x0;
	v21 =	vshll.u32 v21, $0xE;
	v22 =	vnsel vm6, $0x0, v22  }
0xe5: {  	v48 =	vadd.s32 $0xFFFFFFFF, v28;
	vm4 =	vmmov vm4;
	vm3 =	vlt.s32 v20, $0x2000  }
0xe6: {  	vm13 =	vmmov vm6;
	v27 =	vsel vm7, $0x0, v27;
	v29 =	vsel vm3, $0x1, v3  }
0xe7: {  	v23 =	vperm.xlane v23, v9;
	v25 =	vadd.s32 v25, v27;
	v30 =	vperm.xlane v29, v4  }
0xe8: {  	v26 =	vsel vm1, $0x0, v26;
	v21 =	vadd.s32 v21, v22;
	v49 =	vperm.xlane v25, v6  }
0xe9: {  	vm4 =	vmmov vm4;
	vm14 =	vmmov vm13;
	v30 =	vsel vm7, $0x0, v30  }
0xea: {  	v24 =	vadd.s32 v26, v24;
	v26 =	vsel vm0, $0x0, v49;
	v51 =	vadd.s32 v29, v30  }
0xeb: {  	v52 =	vld [tilespmem:s7+$0x0];
	v50 =	vperm.xlane v24, v8;
	v25 =	vadd.s32 v26, v25;
	v53 =	vperm.xlane v51, v6  }
0xec: {  	v27 =	vnsel vm5, $0x627F, v48;
	v19 =	vadd.s32 v19, v23;
	v54 =	vperm.xlane v25, v7  }
0xed: {  	vm15 =	vmmov vm14;
	v22 =	vsel vm2, $0x0, v50;
	v55 =	vsel vm0, $0x0, v53  }
0xee: {  	v22 =	vadd.s32 v22, v24;
	v24 =	vsel vm1, $0x0, v54;
	v23 =	vadd.s32 v55, v51  }
0xef: {  	v27 =	vadd.s32 v0, v27;
	v24 =	vadd.s32 v24, v25;
	v58 =	vperm.xlane v23, v7  }
0xf0: {  	v57 =	vshll.u32 v52, $0xE;
	v20 =	vnsel vm3, $0x0, v20;
	v59 =	vperm.xlane v24, v8  }
0xf1: {  	vm3 =	vmmov vm3;
	v20 =	vadd.s32 v57, v20;
	v25 =	vsel vm1, $0x0, v58  }
0xf2: {  	v56 =	vadd.s32 v22, v19;
	v29 =	vsel vm2, $0x0, v59;
	v23 =	vadd.s32 v25, v23  }
0xf3: {  	v22 =	vperm.xlane v22, v9;
	v24 =	vadd.s32 v29, v24;
	v25 =	vperm.xlane v23, v8  }
0xf4: {  	vm3 =	vmmov vm3;
	v26 =	vadd.s32 $0xFFFFFFFF, v56;
	v60 =	vperm.xlane v24, v9  }
0xf5: {  	v26 =	vnsel vm4, $0x627F, v26;
	v19 =	vadd.s32 v19, v22;
	v61 =	vsel vm2, $0x0, v25  }
0xf6: {  	[tilespmem:s4+$0x9C00] =	vst v27;
	v24 =	vadd.s32 v24, v19;
	v19 =	vadd.s32 v19, v60;
	v22 =	vadd.s32 v61, v23  }
0xf7: {  	[tilespmem:s3+$0xD000] =	vst v21;
	v26 =	vadd.s32 v0, v26;
	v62 =	vadd.s32 $0xFFFFFFFF, v24;
	v23 =	vadd.s32 v22, v19  }
0xf8: {  	vm3 =	vmmov vm3;
	[tilespmem:s31+$0x9C00] =	vst v26;
	v21 =	vnsel vm15, $0x627F, v62;
	v23 =	vadd.s32 $0xFFFFFFFF, v23  }
0xf9: {  	[tilespmem:s7+$0xD000] =	vst v20;
	v20 =	vadd.s32 v0, v21;
	v22 =	vperm.xlane v22, v9;
	v63 =	vnsel vm3, $0x627F, v23  }
0xfa: {  	[tilespmem:s3+$0x9C00] =	vst v20;
	v20 =	vadd.s32 v0, v63  }
0xfb: {  	v19 =	vadd.s32 v19, v22;
	[tilespmem:s7+$0x9C00] =	vst v20  }
.LBB2_26:
0xfc: {  	p0 =	sne.s32 s30, $0xC200  }
.Ltmp12:
0xfd: {  	_ = 	snop;
	(pc) =	sbr.rel @p0 .LBB2_26-.Ltmp12, $4  }
0xfe: {  	_ = 	snop  }
0xff: {  	s3 =	sshra.s32 s30, $0x2  }
0x100: {  	s30 =	sadd.s32 $0x200, s30;
	s4 =	sadd.s32 $0xD000, s3;
	s3 =	sadd.s32 $0x9C00, s3  }
0x101: {  	[spmem:s2] =	stream.indirect.scatter [tilespmem:s4], [sflag:$0x1], $0x1, s3, s26, $0xb8;
	[tilespmem:$0x1E800] =	vst v63  }
0x102: {  	_ =	swait.ge [sflag:s28], $0x80  }
0x103: {  	s4 =	simm.s32 $0x61;
	[sflag:s28] =	ssyncset.done $0x0  }
.LBB2_28:
0x104: {  	p0 =	sne.s32 s4, $0x1;
	s4 =	sadd.s32 $0xFFFFFFFF, s4;
	[sflag:s28] =	ssyncadd.s32 $0xFFFFFF80  }
.Ltmp13:
0x105: {  	(pc) =	sbr.rel @p0 .LBB2_28-.Ltmp13, $3  }
0x106: {  	_ =	sdelay $0x1  }
0x107: {  	_ =	swait.ge [sflag:s28], $0x80  }
0x108: {  	s3 =	simm.s32 $0x0;
	[sflag:s28] =	ssyncset.done $0x0  }
0x109: {  	[sflag:s28] =	ssyncadd.s32 $0xFFFFFF80;
	s4 =	simm.s32 $0x0  }
0x10a: {  	v20 =	vld [tilespmem:s4+$0x3400]  }
0x10b: {  	s7 =	simm.s32 $0x40;
	v21 =	vld [tilespmem:s4+$0x6800]  }
.LBB2_30:
0x10c: {  	p0 =	sne.s32 s7, $0xC3C0  }
.Ltmp14:
0x10d: {  	_ = 	snop;
	(pc) =	sbr.rel @p0 .LBB2_30-.Ltmp14, $4  }
0x10e: {  	_ = 	snop  }
0x10f: {  	s8 =	sshra.s32 s7, $0x2;
	s7 =	sadd.s32 $0x40, s7;
	v22 =	vshll.u32 v20, $0x3  }
0x110: {  	v20 =	vld [tilespmem:s8+$0x3400];
	v22 =	vadd.s32 v21, v22  }
0x111: {  	v21 =	vld [tilespmem:s8+$0x6800];
	[tilespmem:s4+$0x9C00] =	vst v22;
	s4 =	smov.u32 s8  }
0x112: {  	_ =	sdelay $0x2  }
0x113: {  	v20 =	vshll.u32 v20, $0x3  }
0x114: {  	v20 =	vadd.s32 v21, v20  }
0x115: {  	[tilespmem:s4+$0x9C00] =	vst v20  }
.LBB2_32:
0x116: {  	p0 =	sne.s32 s3, $0xC200  }
.Ltmp15:
0x117: {  	_ = 	snop;
	(pc) =	sbr.rel @p0 .LBB2_32-.Ltmp15, $4  }
0x118: {  	_ = 	snop  }
0x119: {  	s4 =	sshra.s32 s3, $0x2  }
0x11a: {  	s3 =	sadd.s32 $0x200, s3;
	s4 =	sadd.s32 $0x9C00, s4  }
0x11b: {  	[spmem:s1] =	stream.indirect.scatter.add.f32 [tilespmem:s22], [sflag:$0x1], $0x1, s4, s26, $0xb8;
	[tilespmem:$0x1E800] =	vst v63  }
0x11c: {  	_ =	swait.ge [sflag:s28], $0x80  }
0x11d: {  	s3 =	simm.s32 $0x61;
	[sflag:s28] =	ssyncset.done $0x0  }
.LBB2_34:
0x11e: {  	p0 =	sne.s32 s3, $0x1;
	s3 =	sadd.s32 $0xFFFFFFFF, s3;
	[sflag:s28] =	ssyncadd.s32 $0xFFFFFF80  }
.Ltmp16:
0x11f: {  	(pc) =	sbr.rel @p0 .LBB2_34-.Ltmp16, $3  }
0x120: {  	_ =	sdelay $0x1  }
0x121: {  	_ =	swait.ge [sflag:s28], $0x80  }
0x122: {  	[sflag:s28] =	ssyncset.done $0x0  }
0x123: {  	[sflag:s28] =	ssyncadd.s32 $0xFFFFFF80;
	s7 =	simm.s32 $0x0;
	s3 =	simm.s32 $0x11C80  }
0x124: {  	[tilespmem:s3], [sflag:$0x2] =	stream.linear.gather [hbm4b:s15+s7], $0x680, $0x38;
	[tilespmem:$0x1E800] =	vst v63  }
0x125: {  	_ =	swait.ge [sflag:s23], $0x680  }
0x126: {  	[sflag:s23] =	ssyncset.done $0x0  }
0x127: {  	[sflag:s23] =	ssyncadd.s32 $0xFFFFF980  }
0x128: {  	v20 =	vld [tilespmem:s3+$0x0]  }
0x129: {  	s4 =	sadd.s32 $0x0, s21;
	p0 =	sne.s32 s20, $0x10  }
.Ltmp17:
0x12a: {  	v21 =	vmov s4;
	(pc) =	sbr.rel @!p0 .LBB2_37-.Ltmp17, $4  }
0x12b: {  	v21 =	vshll.u32 v21, $0x3  }
0x12c: {  	v21 =	vor.u32 v10, v21  }
0x12d: {  	v20 =	vadd.s32 v21, v20  }
0x12e: {  	s4 =	simm.s32 $0x10;
	s7 =	sand.u32 $0xFFFFFFF0, s7;
	v20 =	vadd.s32 $0x4, v20  }
.LBB2_36:
0x12f: {  	[tilespmem:s7+$0x9C00] =	vst v20;
	s3 =	sadd.s32 $0x10, s3;
	s7 =	smov.u32 s4;
	s4 =	sadd.s32 $0x10, s4  }
0x130: {  	v20 =	vld [tilespmem:s3+$0x0];
	p0 =	sne.s32 s20, s4  }
0x131: {  	s8 =	sadd.s32 s7, s21  }
.Ltmp18:
0x132: {  	v21 =	vmov s8;
	(pc) =	sbr.rel @p0 .LBB2_36-.Ltmp18, $4  }
0x133: {  	v21 =	vshll.u32 v21, $0x3  }
0x134: {  	v21 =	vor.u32 v10, v21  }
0x135: {  	v20 =	vadd.s32 v21, v20  }
0x136: {  	s7 =	sand.u32 $0xFFFFFFF0, s7;
	v20 =	vadd.s32 $0x4, v20  }
.LBB2_37:
0x137: {  	p0 =	sne.s32 s14, $0x1  }
.Ltmp19:
0x138: {  	_ = 	snop;
	(pc) =	sbr.rel @!p0 .LBB2_39-.Ltmp19, $3  }
0x139: {  	_ =	sdelay $0x1  }
0x13a: {  	[tilespmem:s7+$0x9C00] =	vst v20;
	s3 =	simm.s32 $0x9C00;
	s4 =	sadd.s32 $0xFFFFFFFF, s14  }
0x13b: {  	[spmem:s1] =	stream.indirect.scatter.add.f32 [tilespmem:s22], [sflag:$0x1], $0x1, s3, s26, $0xb8;
	[tilespmem:$0x1E800] =	vst v63  }
.LBB2_38:
0x13c: {  	p1 =	sne.s32 s4, $0x1  }
.Ltmp20:
0x13d: {  	_ = 	snop;
	(pc) =	sbr.rel @p1 .LBB2_38-.Ltmp20, $3  }
0x13e: {  	_ = 	snop  }
0x13f: {  	s4 =	sadd.s32 $0xFFFFFFFF, s4;
	s3 =	sadd.s32 $0x80, s3;
	_ =	sdelay $0x1  }
0x140: {  	[spmem:s1] =	stream.indirect.scatter.add.f32 [tilespmem:s22], [sflag:$0x1], $0x1, s3, s26, $0xb8;
	[tilespmem:$0x1E800] =	vst v63  }
.LBB2_39:
.Ltmp21:
0x141: {  	(pc) =	sbr.rel @!p0 .LBB2_41-.Ltmp21, $3  }
0x142: {  	_ =	sdelay $0x1  }
0x143: {  	_ =	swait.ge [sflag:s28], $0x80  }
0x144: {  	s3 =	sadd.s32 $0xFFFFFFFF, s14;
	[sflag:s28] =	ssyncset.done $0x0  }
.LBB2_40:
0x145: {  	p0 =	sne.s32 s3, $0x1;
	s3 =	sadd.s32 $0xFFFFFFFF, s3;
	[sflag:s28] =	ssyncadd.s32 $0xFFFFFF80  }
.Ltmp22:
0x146: {  	(pc) =	sbr.rel @p0 .LBB2_40-.Ltmp22, $3  }
0x147: {  	_ =	sdelay $0x1  }
0x148: {  	_ =	swait.ge [sflag:s28], $0x80  }
0x149: {  	[sflag:s28] =	ssyncset.done $0x0  }
.LBB2_41:
0x14a: {  	[sflag:s28] =	ssyncadd.s32 $0xFFFFFF80  }
0x14b: {  	[tilespmem:$0xD000] =	vst v11  }
0x14c: {  	[tilespmem:$0xD010] =	vst v11  }
0x14d: {  	[tilespmem:$0xD020] =	vst v11  }
0x14e: {  	[tilespmem:$0xD030] =	vst v11  }
0x14f: {  	[tilespmem:$0xD040] =	vst v11  }
0x150: {  	[tilespmem:$0xD050] =	vst v11  }
0x151: {  	v20 =	vadd.s32 v0, v19;
	[tilespmem:$0xD060] =	vst v11  }
0x152: {  	v21 =	vadd.s32 v5, v20;
	[tilespmem:$0xD070] =	vst v11  }
0x153: {  	v58 =	vadd.s32 v12, v20;
	[tilespmem:$0x9C00] =	vst v21  }
0x154: {  	v59 =	vadd.s32 v13, v20;
	[tilespmem:$0x9C10] =	vst v58  }
0x155: {  	v60 =	vadd.s32 v14, v20;
	[tilespmem:$0x9C20] =	vst v59  }
0x156: {  	v61 =	vadd.s32 v15, v20;
	[tilespmem:$0x9C30] =	vst v60  }
0x157: {  	v62 =	vadd.s32 v16, v20;
	[tilespmem:$0x9C40] =	vst v61  }
0x158: {  	v63 =	vadd.s32 v17, v20;
	[tilespmem:$0x9C50] =	vst v62  }
0x159: {  	v20 =	vadd.s32 v18, v20;
	[tilespmem:$0x9C60] =	vst v63  }
0x15a: {  	s3 =	simm.s32 $0x9C00;
	s4 =	simm.s32 $0xD000;
	[tilespmem:$0x9C70] =	vst v20  }
0x15b: {  	[spmem:s2] =	stream.indirect.scatter [tilespmem:s4], [sflag:$0x2], $0x1, s3, s26, $0xb8;
	[tilespmem:$0x1E800] =	vst v63  }
0x15c: {  	_ =	swait.ge [sflag:s23], $0x80  }
0x15d: {  	v19 =	vadd.s32 $0x7F, v19;
	[sflag:s23] =	ssyncset.done $0x0  }
0x15e: {  	v19 =	vshrl.u32 v19, $0x7;
	[sflag:s23] =	ssyncadd.s32 $0xFFFFFF80  }
0x15f: {  	[tilespmem:$0x12300] =	vst v19  }
0x160: {  	[tilespmem:$0x12310] =	vst v19  }
0x161: {  	[tilespmem:$0x12320] =	vst v19  }
0x162: {  	[tilespmem:$0x12330] =	vst v19  }
0x163: {  	[tilespmem:$0x12340] =	vst v19  }
0x164: {  	[tilespmem:$0x12350] =	vst v19  }
0x165: {  	[tilespmem:$0x12360] =	vst v19  }
0x166: {  	s7 =	simm.s32 $0x0;
	s8 =	simm.s32 $0x12300;
	[tilespmem:$0x12370] =	vst v19  }
0x167: {  	[hbm4b:s16+s7] =	stream.linear.scatter [tilespmem:s8], [sflag:$0x2], $0x80, $0x38;
	[tilespmem:$0x1E800] =	vst v63  }
0x168: {  	s30 =	stileid.u32;
	_ =	swait.ge [sflag:s23], $0x80  }
0x169: {  	s3 =	sshll.u32 s30, $0x6;
	[sflag:s23] =	ssyncset.done $0x0  }
0x16a: {  	s3 =	sor.u32 $0x1C02, s3;
	[sflag:s23] =	ssyncadd.s32 $0xFFFFFF80  }
0x16b: {  	[hbm:s17@s26], [sflag:s3] =	dma.strided [spmem:s25@s0], $0xC50, s28, $0x10   }
0x16c: {  	_ =	swait.ge [sflag:s23], $0xC50  }
0x16d: {  	s29 =	sadd.s32 $0x1, s29;
	[sflag:s23] =	ssyncset.done $0x0  }
0x16e: {  	s31 =	sshrl.u32 s6, $0x3;
	p0 =	sne.s32 s29, s19;
	[sflag:s23] =	ssyncadd.s32 $0xFFFFF3B0  }
.Ltmp23:
0x16f: {  	s7 =	simm.s32 $0x20;
	[bflag:$0x0] =	sbarrier.arrive $0xFFFF;
	(pc) =	sbr.rel @p0 .LBB2_1-.Ltmp23, $4  }
0x170: {  	[hbm:s18@s7], [sflag:s3] =	dma.strided [spmem:s31@s0], $0xC40, s28, $0x10   }
0x171: {  	_ =	swait.ge [sflag:s23], $0xC40  }
0x172: {  	[sflag:s23] =	ssyncset.done $0x0  }
0x173: {  	[sflag:s23] =	ssyncadd.s32 $0xFFFFF3C0  }
0x174: {  	_ =	sfence.sel $0x180000  }
0x175: {  	[bflag:$0x0] =	sbarrier.arrive $0xFFFF  }
0x176: {  	_ =	strace $0x90000047  }
0x177: {  	s0 =	stileid.u32;
	[bflag:$0x2] =	sbarrier.arrive $0xFFFF  }
0x178: {  	p0 =	sne.s32 s0, $0x0;
	s0 =	rddreg [dreg:$0x4]  }
0x179: {  	s0 =	sadd.s32 @!p0 $0x100000, s0  }
0x17a: {  	[sflag:s0] =	ssyncadd.tile.s32 @!p0 $0x1;
	_ =	shalt  }
.Lfunc_end2:
_tile_overlayer_lowered:
.L_overlay_start_2:
0x17b: {  	(tag) =	ssettag $0x2  }
0x17c: {  	s0 =	rddreg [dreg:$0x0];
	s2 =	stileid.u32  }
0x17d: {  	s1 =	rddreg [dreg:$0x1];
	p0 =	sne.s32 s2, $0x0  }
0x17e: {  	s3 =	rddreg [dreg:$0x2];
	[bflag:$0x3] =	sbarrier.arrive $0xFFFF;
	s2 =	simm.s32 @!p0 $0x1C02  }
0x17f: {  	[timem:s3], [sflag:s2] =	dma.local @!p0 [hbm:s0], s1  }
0x180: {  	s0 =	simm.s32 @!p0 $0x2  }
0x181: {  	_ =	swait.ge @!p0 [sflag:s0], s1  }
0x182: {  	s1 =	ssub.s32 @!p0 $0x0, s1;
	[sflag:s0] =	ssyncset.done @!p0 $0x0  }
0x183: {  	[sflag:s0] =	ssyncadd.s32 @!p0 s1  }
0x184: {  	[bflag:$0x3] =	sbarrier.arrive $0xFFFF  }
0x185: {  	_ =	shalt  }

// kernel: kernel.9.cloned.1.call-start
scs
__scs_entry_jumppad:
0x0: {  	(pc) =	sbr.rel $0x88, $3  }
0x1: {  	(tag) =	ssettag $0x0;
	lr =	simm.s32 $0x1  }
0x2: {  	[smem:$0x3F93] =	sst lr;
	_ =	strace $0xD0000000  }
0x3: {  	_ = 	snop  }
0x4: {  	_ = 	snop  }
0x5: {  	_ = 	snop  }
0x6: {  	_ = 	snop  }
0x7: {  	_ = 	snop  }
__scs_overlays_trampoline_lowered:
0x8: {  	[smem:$0x3FA2] =	sst s0  }
0x9: {  	[smem:$0x3FA3] =	sst s1  }
0xa: {  	[smem:$0x3FA4] =	sst s2  }
0xb: {  	[smem:$0x3FA5] =	sst s3  }
0xc: {  	[smem:$0x3FA6] =	sst s4  }
0xd: {  	[smem:$0x3FA7] =	sst s5  }
0xe: {  	[smem:$0x3FA8] =	sst s6  }
0xf: {  	[smem:$0x3FA9] =	sst s7  }
0x10: {  	[smem:$0x3FAA] =	sst s8  }
0x11: {  	[smem:$0x3FAB] =	sst s9;
	s0 =	simm.s32 @!p0 $0x0  }
0x12: {  	s1 =	sld [smem:$0x3F91];
	s0 =	simm.s32 @p0 $0x1  }
0x13: {  	[smem:$0x3FAC] =	sst s0;
	s0 =	simm.s32 @!p1 $0x0  }
0x14: {  	s2 =	sld [smem:$0x3F90];
	s0 =	simm.s32 @p1 $0x1  }
0x15: {  	[smem:$0x3FAD] =	sst s0;
	s0 =	simm.s32 @!p2 $0x0  }
0x16: {  	s3 =	sld [smem:$0x3FDB];
	s0 =	simm.s32 @p2 $0x1  }
0x17: {  	s4 =	simm.s32 $0x1BF5;
	[smem:$0x3FAF] =	sst s0  }
0x18: {  	s0 =	sld [smem:$0x3F92];
	_ =	swait.ge [sflag:s4], $0x0  }
0x19: {  	s7 =	sld [smem:$0x3F93]  }
0x1a: {  	s8 =	sadd.s32 $0xFFFFE003, lr  }
0x1b: {  	s9 =	sadd.s32 $0xFFFFFEF7, lr;
	s5 =	simm.s32 $0xFFFFFFFF;
	p2 =	slt.u32 s8, $0xFFFFF086  }
0x1c: {  	p1 =	slt.u32 s9, $0xF7A;
	s5 =	simm.s32 @!p2 $0x0  }
0x1d: {  	s5 =	simm.s32 @p1 $0x1;
	p0 =	seq.s32 s7, s2  }
0x1e: {  	s7 =	smul.u32 @!p0 $0xF7A, s2;
	p2 =	seq.s32 @!p0 s5, $0x0  }
0x1f: {  	s9 =	smul.u32 $0xF7A, s1;
	s8 =	simm.s32 @!p0 $0x1BF5;
	p2 =	por !p2, p0  }
0x20: {  	[sflag:s8] =	ssyncset.s32 @!p0 $0xFFFFF086;
	s6 =	sadd.s32 @!p0 s3, s7;
	s7 =	simm.s32 @!p0 $0x108  }
0x21: {  	s3 =	sadd.s32 s3, s9;
	s6 =	sadd.s32 @!p0 $0x88, s6;
	s7 =	simm.s32 @p2 $0x1082  }
0x22: {  	[simem:s7], [sflag:s8] =	dma.local @!p0 [hbm:s6], $0xF7A  }
0x23: {  	s9 =	sor.u32 $0xD0000000, s2;
	s6 =	simm.s32 $0x108;
	_ =	swait.ge @!p0 [sflag:s8], $0x0  }
0x24: {  	s3 =	sadd.s32 $0x88, s3;
	s6 =	simm.s32 @!p1 $0x1082;
	[sflag:s4] =	ssyncset.s32 $0xFFFFF086  }
0x25: {  	[simem:s6], [sflag:s4] =	dma.local [hbm:s3], $0xF7A  }
0x26: {  	[smem:$0x3F93] =	sst s1;
	(tag) =	ssettag s2;
	_ =	strace s9  }
0x27: {  	s1 =	sld [smem:$0x3FA3]  }
0x28: {  	s2 =	sld [smem:$0x3FA4]  }
0x29: {  	s4 =	sld [smem:$0x3FA6]  }
0x2a: {  	p0 =	seq.s32 s5, $0x0;
	s5 =	sld [smem:$0x3FA7]  }
0x2b: {  	s6 =	sld [smem:$0x3FA8]  }
0x2c: {  	s7 =	sld [smem:$0x3FA9]  }
0x2d: {  	s3 =	simm.s32 $0x108;
	s8 =	sld [smem:$0x3FAA]  }
0x2e: {  	s3 =	simm.s32 @!p0 $0x1082;
	s9 =	sld [smem:$0x3FAB]  }
0x2f: {  	lr =	sadd.s32 s0, s3;
	s0 =	sld [smem:$0x3FA2]  }
0x30: {  	s3 =	sld [smem:$0x3FA5]  }
0x31: {  	[smem:$0x3FAE] =	sst s10  }
0x32: {  	s10 =	sld [smem:$0x3FAC];
	_ =	sdelay $0x3  }
0x33: {  	p0 =	seq.s32 s10, $0x1;
	s10 =	sld [smem:$0x3FAE];
	_ =	sdelay $0x3  }
0x34: {  	[smem:$0x3FAE] =	sst s10  }
0x35: {  	s10 =	sld [smem:$0x3FAD];
	_ =	sdelay $0x3  }
0x36: {  	p1 =	seq.s32 s10, $0x1;
	s10 =	sld [smem:$0x3FAE];
	_ =	sdelay $0x3  }
0x37: {  	[smem:$0x3FAE] =	sst s10  }
0x38: {  	s10 =	sld [smem:$0x3FAF]  }
0x39: {  	_ = 	snop;
	(pc) =	sbr.ind lr, $3  }
0x3a: {  	_ = 	snop  }
0x3b: {  	_ = 	snop  }
0x3c: {  	p2 =	seq.s32 s10, $0x1;
	s10 =	sld [smem:$0x3FAE]  }
0x3d: {  	_ =	shalt  }
0x3e: {  	_ =	shalt  }
0x3f: {  	_ =	shalt  }
0x40: {  	_ =	shalt  }
0x41: {  	_ =	shalt  }
0x42: {  	_ =	shalt  }
0x43: {  	_ =	shalt  }
0x44: {  	_ =	shalt  }
0x45: {  	_ =	shalt  }
0x46: {  	_ =	shalt  }
0x47: {  	_ =	shalt  }
0x48: {  	_ =	shalt  }
0x49: {  	_ =	shalt  }
0x4a: {  	_ =	shalt  }
0x4b: {  	_ =	shalt  }
0x4c: {  	_ =	shalt  }
0x4d: {  	_ =	shalt  }
0x4e: {  	_ =	shalt  }
0x4f: {  	_ =	shalt  }
0x50: {  	_ =	shalt  }
0x51: {  	_ =	shalt  }
0x52: {  	_ =	shalt  }
0x53: {  	_ =	shalt  }
0x54: {  	_ =	shalt  }
0x55: {  	_ =	shalt  }
0x56: {  	_ =	shalt  }
0x57: {  	_ =	shalt  }
0x58: {  	_ =	shalt  }
0x59: {  	_ =	shalt  }
0x5a: {  	_ =	shalt  }
0x5b: {  	_ =	shalt  }
0x5c: {  	_ =	shalt  }
0x5d: {  	_ =	shalt  }
0x5e: {  	_ =	shalt  }
0x5f: {  	_ =	shalt  }
0x60: {  	_ =	shalt  }
0x61: {  	_ =	shalt  }
0x62: {  	_ =	shalt  }
0x63: {  	_ =	shalt  }
0x64: {  	_ =	shalt  }
0x65: {  	_ =	shalt  }
0x66: {  	_ =	shalt  }
0x67: {  	_ =	shalt  }
0x68: {  	_ =	shalt  }
0x69: {  	_ =	shalt  }
0x6a: {  	_ =	shalt  }
0x6b: {  	_ =	shalt  }
0x6c: {  	_ =	shalt  }
0x6d: {  	_ =	shalt  }
0x6e: {  	_ =	shalt  }
0x6f: {  	_ =	shalt  }
0x70: {  	_ =	shalt  }
0x71: {  	_ =	shalt  }
0x72: {  	_ =	shalt  }
0x73: {  	_ =	shalt  }
0x74: {  	_ =	shalt  }
0x75: {  	_ =	shalt  }
0x76: {  	_ =	shalt  }
0x77: {  	_ =	shalt  }
0x78: {  	_ =	shalt  }
0x79: {  	_ =	shalt  }
0x7a: {  	_ =	shalt  }
0x7b: {  	_ =	shalt  }
0x7c: {  	_ =	shalt  }
0x7d: {  	_ =	shalt  }
0x7e: {  	_ =	shalt  }
0x7f: {  	_ =	shalt  }
0x80: {  	_ =	shalt  }
0x81: {  	_ =	shalt  }
0x82: {  	_ =	shalt  }
0x83: {  	_ =	shalt  }
0x84: {  	_ =	shalt  }
0x85: {  	_ =	shalt  }
0x86: {  	_ =	shalt  }
0x87: {  	_ =	shalt  }
.Lfunc_end0:
.L_simem_size_0:
called_computation.1_lowered:
.L_overlay_start_0:
0x88: {  	s2 =	sld [smem:$0x3FD9]  }
0x89: {  	s3 =	sld [smem:$0x3FFE];
	_ =	sdelay $0x1  }
0x8a: {  	s1 =	srdreg.scid  }
0x8b: {  	s0 =	sand.u32 $0x1, s1  }
0x8c: {  	s14 =	sshll.u32 s0, $0xA;
	s2 =	sadd.s32 s3, s2  }
0x8d: {  	s2 =	sadd.s32 s2, s14  }
0x8e: {  	[smem:$0x3FBA] =	sst s2  }
0x8f: {  	_ = 	snop  }
0x90: {  	s2 =	sld [smem:$0x3FD0];
	_ =	sdelay $0x2  }
0x91: {  	s15 =	simm.s32 $0xA;
	s4 =	simm.s32 $0x10  }
0x92: {  	[smem:s4], [sflag:s15] =	dma.local [hbm:s2], $0x1  }
0x93: {  	_ =	swait.eq [sflag:s15], $0x1  }
0x94: {  	[sflag:s15] =	ssyncset.done $0x0  }
0x95: {  	[sflag:s15] =	ssyncadd.s32 $0xFFFFFFFF  }
0x96: {  	s16 =	sld [smem:$0x11];
	(tm) =	ssettm $0x1  }
0x97: {  	s17 =	sld [smem:$0x3FFB];
	_ =	sdelay $0x3  }
0x98: {  	_ =	strace s17  }
0x99: {  	s3 =	sld [smem:$0x3FFC];
	_ =	sdelay $0x3  }
0x9a: {  	_ =	strace s3  }
0x9b: {  	s3 =	sld [smem:$0x3FFD];
	_ =	sdelay $0x3  }
0x9c: {  	_ =	strace s3  }
0x9d: {  	_ =	strace $0x8FFFFFFF  }
0x9e: {  	s18 =	sld [smem:$0x3FDB];
	_ =	sdelay $0x1  }
0x9f: {  	s19 =	simm.s32 $_scs_section_size  }
0xa0: {  	s5 =	simm.s32 $_size__tile_overlayer_lowered;
	s6 =	simm.s32 $_tile_overlayer_lowered  }
0xa1: {  	s22 =	simm.s32 $0x1BFF;
	s21 =	sshll.u32 s6, $0x1;
	s3 =	sadd.s32 s19, s18  }
0xa2: {  	s7 =	simm.s32 $0x0;
	s20 =	sshll.u32 s5, $0x1;
	s5 =	sadd.s32 s21, s3  }
0xa3: {  	[timem:s7], [sflag:s22] =	dma.local [hbm:s5], s20  }
0xa4: {  	_ =	swait.ge [sflag:s22], s20  }
0xa5: {  	s4 =	ssub.s32 $0x0, s20;
	[sflag:s22] =	ssyncset.done $0x0  }
0xa6: {  	[sflag:s22] =	ssyncadd.s32 s4;
	_ =	sdelay $0x1  }
0xa7: {  	s23 =	simm.s32 $0x1B8B  }
0xa8: {  	_ =	swait.ge [sflag:s23], $0x1  }
0xa9: {  	[sflag:s23] =	ssyncset.done $0x0  }
0xaa: {  	s25 =	simm.s32 $0x1B8E;
	s24 =	sld [smem:$0x3FFE];
	[sflag:s23] =	ssyncadd.s32 $0xFFFFFFFF  }
0xab: {  	s26 =	simm.s32 $execute0_lowered;
	[smem:$0x3FD2] =	sst s25  }
0xac: {  	s5 =	sshll.u32 s26, $0x1;
	_ =	strace $0x80000049;
	[dreg:$0x1] =	wrdreg $0xFFFFFFFF  }
0xad: {  	s28 =	simm.s32 $_size_execute0_lowered;
	s3 =	sadd.s32 s3, s5;
	[dreg:$0x0] =	wrdreg $0x0  }
0xae: {  	s5 =	sshll.u32 s28, $0x1;
	[dreg:$0x2] =	wrdreg s3  }
0xaf: {  	[dreg:$0x3] =	wrdreg s5  }
0xb0: {  	[dreg:$0x4] =	wrdreg $0xC0  }
0xb1: {  	_ =	task [dreg:s7], $0x5FFFF  }
0xb2: {  	[dreg:$0x1] =	wrdreg $0xFFFFFFFF  }
0xb3: {  	[dreg:$0x0] =	wrdreg $0x60  }
0xb4: {  	[dreg:$0x2] =	wrdreg s24  }
0xb5: {  	[dreg:$0x3] =	wrdreg s16  }
0xb6: {  	[dreg:$0x4] =	wrdreg $0xE5000  }
0xb7: {  	[dreg:$0x5] =	wrdreg $0x9  }
0xb8: {  	_ =	task.clear_ibuf [dreg:s7], $0x6FFFF;
	_ =	strace $0x90000049  }
0xb9: {  	s29 =	simm.s32 $0x9;
	_ =	strace $0x8000004B  }
0xba: {  	_ =	swait.ge [sflag:s29], $0x1  }
0xbb: {  	[sflag:s29] =	ssyncadd.s32 $0xFFFFFFFF  }
0xbc: {  	_ =	strace $0x9000004B  }
0xbd: {  	_ =	sfence  }
0xbe: {  	s30 =	sld [smem:$0x0];
	_ =	sdelay $0x2  }
0xbf: {  	s31 =	sshll.u32 s1, $0xD;
	s1 =	sshrl.u32 s1, $0x2  }
0xc0: {  	s3 =	sand.u32 $0x4000, s31;
	s1 =	sadd.s32 s1, s30  }
0xc1: {  	s0 =	sor.u32 s3, s0;
	s1 =	sshll.u32 s1, $0x11  }
0xc2: {  	s0 =	sor.u32 s1, s0  }
0xc3: {  	s0 =	sadd.s32 $0x8F2B, s0  }
0xc4: {  	[sflag:s0] =	ssyncadd.remote.s32 $0x1  }
0xc5: {  	_ =	sfence.sel $0xFFFF  }
0xc6: {  	[dreg:$0x0] =	wrdreg $0xFFFFFFFF;
	(pc) =	sbr.abs _section_cstart, $3  }
0xc7: {  	[dreg:$0x1] =	wrdreg $0xFFFFFFFF  }
0xc8: {  	_ =	task.clear_ibuf [dreg:s7], $0x2FFFF;
	_ =	strace $0x9FFFFFFF  }
0xc9: {  	(tm) =	ssettm $0x7FFFFFFF  }
tec
execute0_lowered:
.L_overlay_start_1:
0x0: {  	(tag) =	ssettag $0x1  }
0x1: {  	s5 =	rddreg [dreg:$0x0]  }
0x2: {  	s12 =	rddreg [dreg:$0x1]  }
0x3: {  	s0 =	srdreg.scid;
	s2 =	rddreg [dreg:$0x2]  }
0x4: {  	s3 =	simm.s32 $0x0;
	s17 =	simm.s32 $0xE480;
	s19 =	simm.s32 $0x0  }
0x5: {  	s11 =	sand.u32 $0x1, s0;
	s0 =	stileid.u32;
	[smem:$0x7FF] =	sst s3  }
0x6: {  	s1 =	sshll.u32 s11, $0x4;
	s6 =	sshll.u32 s0, $0x7;
	_ =	strace $0x8000004A  }
0x7: {  	s7 =	smul.u32 $0x42000, s0;
	s26 =	ssub.s32 $0x2, s11;
	s9 =	sshll.u32 s0, $0xD  }
0x8: {  	s29 =	sshll.u32 s11, $0x11;
	s31 =	sshll.u32 s0, $0x10;
	s1 =	sor.u32 s0, s1  }
0x9: {  	s10 =	sand.u32 $0x380, s6;
	s14 =	sshrl.u32 s26, $0x1;
	s15 =	sadd.s32 s9, s5  }
0xa: {  	s18 =	sadd.s32 s31, s2;
	s8 =	sshrl.u32 s1, $0x3;
	s7 =	sshrl.u32 s7, $0x2  }
0xb: {  	s14 =	ssub.s32 s26, s14;
	s4 =	smul.u32 $0x31400, s8;
	s16 =	sshll.u32 s8, $0xA  }
0xc: {  	s30 =	sadd.s32 s29, s15;
	s15 =	simm.s32 $0x4;
	s16 =	sor.u32 s10, s16  }
0xd: {  	s18 =	sshrl.u32 s18, $0x3;
	s4 =	sor.u32 s10, s4;
	s28 =	sshrl.u32 s16, $0x3  }
.Ltmp0:
0xe: {  	s16 =	simm.s32 $0x400;
	s25 =	sshrl.u32 s4, $0x3;
	(pc) =	sbr.rel .LBB2_1-.Ltmp0, $4  }
0xf: {  	s4 =	sadd.s32 $0x1F2200, s5;
	s13 =	sadd.s32 s25, s5;
	s5 =	sadd.s32 s7, s2  }
0x10: {  	s11 =	sadd.s32 s12, s28;
	s12 =	sadd.s32 $0x1C00, s30;
	s6 =	sadd.s32 $0x4000, s5  }
0x11: {  	s7 =	sadd.s32 $0x8000, s5;
	s8 =	sadd.s32 $0xC000, s5;
	s9 =	sadd.s32 $0x10000, s5  }
0x12: {  	v0 =	vimm.f32 $0.0e+00;
	s10 =	sadd.s32 $0x51800, s13;
	s13 =	smax.u32 s14, $0x1;
	s14 =	simm.s32 $0x6480  }
.LBB2_6:
0x13: {  	v2 =	vshrl.u32 @!p1 v1, $0xE  }
0x14: {  	v1 =	vand.u32 @!p1 $0x3FFF, v1;
	[tilespmem:$0x63E0] =	vst @!p1 v2  }
0x15: {  	[tilespmem:$0x6460] =	vst @!p1 v1  }
0x16: {  	v1 =	vld @!p1 [tilespmem:s21+$0x70];
	_ =	sdelay $0x4  }
0x17: {  	v2 =	vshrl.u32 @!p1 v1, $0xE  }
0x18: {  	p0 =	por p3, p1;
	v1 =	vand.u32 @!p1 $0x3FFF, v1;
	[tilespmem:$0x63F0] =	vst @!p1 v2  }
0x19: {  	s1 =	simm.s32 @!p0 $0x3;
	[tilespmem:$0x6470] =	vst @!p1 v1  }
0x1a: {  	_ =	swait.ge @!p0 [sflag:s1], $0x4000  }
0x1b: {  	s22 =	simm.s32 @!p1 $0x6380;
	s23 =	simm.s32 @!p1 $0xA480;
	[sflag:s1] =	ssyncset.done @!p0 $0x0  }
0x1c: {  	s24 =	simm.s32 @!p1 $0x1;
	s21 =	simm.s32 @!p1 $0x80;
	[sflag:s1] =	ssyncadd.s32 @!p0 $0xFFFFC000  }
0x1d: {  	[tilespmem:s23], [sflag:$0x1] =	stream.indirect.gather @!p1 [hbm4b:s4+s21], $0x80, s22, s21, $0xb8;
	[tilespmem:$0x1ED00] =	vst v63  }
0x1e: {  	_ =	swait.ge @!p1 [sflag:s24], $0x4000  }
0x1f: {  	[sflag:s24] =	ssyncset.done @!p1 $0x0  }
0x20: {  	s1 =	simm.s32 @!p1 $0x6400;
	[sflag:s24] =	ssyncadd.s32 @!p1 $0xFFFFC000  }
0x21: {  	[spmem:s2] =	stream.indirect.scatter.add.f32 @!p1 [tilespmem:s23], [sflag:$0x3], $0x80, s1, s21, $0xb8;
	[tilespmem:$0x1ED00] =	vst v63  }
.LBB2_7:
0x22: {  	s1 =	sand.u32 $0x1, s20  }
0x23: {  	p1 =	slt.s32 s20, $0x1;
	p0 =	seq.s32 s1, $0x1  }
0x24: {  	p2 =	por !p0, p1  }
0x25: {  	s21 =	simm.s32 @!p2 $0x2  }
0x26: {  	p3 =	sne.s32 @!p1 s1, $0x0;
	_ =	swait.ge @!p2 [sflag:s21], $0x4000  }
0x27: {  	p1 =	por p3, p1;
	[sflag:s21] =	ssyncset.done @!p2 $0x0  }
0x28: {  	[sflag:s21] =	ssyncadd.s32 @!p2 $0xFFFFC000;
	s21 =	simm.s32 @!p1 $0x3  }
0x29: {  	p0 =	por !p0, !p0;
	p2 =	slt.s32 s20, $0x2;
	_ =	swait.ge @!p1 [sflag:s21], $0x4000  }
0x2a: {  	p0 =	por p2, p0;
	[sflag:s21] =	ssyncset.done @!p1 $0x0  }
0x2b: {  	s20 =	simm.s32 @!p0 $0x3;
	[sflag:s21] =	ssyncadd.s32 @!p1 $0xFFFFC000  }
0x2c: {  	p1 =	sne.s32 @!p2 s1, $0x0;
	_ =	swait.ge @!p0 [sflag:s20], $0x4000  }
0x2d: {  	p1 =	por p1, p2;
	[sflag:s20] =	ssyncset.done @!p0 $0x0  }
0x2e: {  	s1 =	simm.s32 @!p1 $0x2;
	[sflag:s20] =	ssyncadd.s32 @!p0 $0xFFFFC000  }
0x2f: {  	_ =	swait.ge @!p1 [sflag:s1], $0x4000  }
0x30: {  	s19 =	sadd.s32 $0x1, s19;
	[sflag:s1] =	ssyncset.done @!p1 $0x0  }
0x31: {  	s31 =	sshll.u32 s0, $0x6;
	p0 =	sne.s32 s19, s13;
	[sflag:s1] =	ssyncadd.s32 @!p1 $0xFFFFC000  }
.Ltmp1:
0x32: {  	s1 =	sor.u32 $0x1C04, s31;
	[bflag:$0x0] =	sbarrier.arrive $0xFFFF;
	(pc) =	sbr.rel @!p0 .LBB2_8-.Ltmp1, $4  }
0x33: {  	[hbm:s12], [sflag:s1] =	dma.local [spmem:s18], $0x2000  }
0x34: {  	_ =	swait.ge [sflag:s15], $0x2000  }
0x35: {  	[sflag:s15] =	ssyncset.done $0x0  }
0x36: {  	[sflag:s15] =	ssyncadd.s32 $0xFFFFE000  }
.LBB2_1:
0x37: {  	s20 =	simm.s32 $0x10;
	s21 =	sand.u32 $0x3FF0, s3  }
.LBB2_2:
0x38: {  	p0 =	sne.s32 s20, $0x3FF0;
	[tilespmem:s21+$0x6480] =	vst v0;
	s21 =	smov.u32 s20;
	s20 =	sadd.s32 $0x10, s20  }
.Ltmp2:
0x39: {  	(pc) =	sbr.rel @p0 .LBB2_2-.Ltmp2, $2  }
0x3a: {  	_ =	sdelay $0x2  }
0x3b: {  	s21 =	sand.u32 $0x3FF0, s21  }
0x3c: {  	[tilespmem:s21+$0x6480] =	vst v0  }
0x3d: {  	[spmem:s5] =	stream.linear.scatter [tilespmem:s14], [sflag:$0x4], $0x4000, $0x38;
	[tilespmem:$0x1ED00] =	vst v63  }
0x3e: {  	_ =	swait.ge [sflag:s15], $0x4000  }
0x3f: {  	[sflag:s15] =	ssyncset.done $0x0  }
0x40: {  	[sflag:s15] =	ssyncadd.s32 $0xFFFFC000  }
0x41: {  	[spmem:s6] =	stream.linear.scatter [tilespmem:s14], [sflag:$0x4], $0x4000, $0x38;
	[tilespmem:$0x1ED00] =	vst v63  }
0x42: {  	_ =	swait.ge [sflag:s15], $0x4000  }
0x43: {  	[sflag:s15] =	ssyncset.done $0x0  }
0x44: {  	[sflag:s15] =	ssyncadd.s32 $0xFFFFC000  }
0x45: {  	[spmem:s7] =	stream.linear.scatter [tilespmem:s14], [sflag:$0x4], $0x4000, $0x38;
	[tilespmem:$0x1ED00] =	vst v63  }
0x46: {  	_ =	swait.ge [sflag:s15], $0x4000  }
0x47: {  	[sflag:s15] =	ssyncset.done $0x0  }
0x48: {  	[sflag:s15] =	ssyncadd.s32 $0xFFFFC000  }
0x49: {  	[spmem:s8] =	stream.linear.scatter [tilespmem:s14], [sflag:$0x4], $0x4000, $0x38;
	[tilespmem:$0x1ED00] =	vst v63  }
0x4a: {  	_ =	swait.ge [sflag:s15], $0x4000  }
0x4b: {  	[sflag:s15] =	ssyncset.done $0x0  }
0x4c: {  	[sflag:s15] =	ssyncadd.s32 $0xFFFFC000  }
0x4d: {  	[spmem:s9] =	stream.linear.scatter [tilespmem:s14], [sflag:$0x4], $0x800, $0x38;
	[tilespmem:$0x1ED00] =	vst v63  }
0x4e: {  	_ =	swait.ge [sflag:s15], $0x800  }
0x4f: {  	[sflag:s15] =	ssyncset.done $0x0  }
0x50: {  	[sflag:s15] =	ssyncadd.s32 $0xFFFFF800  }
0x51: {  	s21 =	simm.s32 $0x80;
	s22 =	simm.s32 $0x0;
	[bflag:$0x0] =	sbarrier.arrive $0xFFFF  }
0x52: {  	[tilespmem:s22], [sflag:$0x4] =	stream.strided.gather [hbm4b:s10+s21], $0x6280, s16, s21, $0x38;
	[tilespmem:$0x1ED00] =	vst v63  }
0x53: {  	_ =	swait.ge [sflag:s15], $0x6280  }
0x54: {  	[sflag:s15] =	ssyncset.done $0x0  }
0x55: {  	[sflag:s15] =	ssyncadd.s32 $0xFFFF9D80  }
0x56: {  	[tilespmem:s17], [sflag:$0x4] =	stream.linear.gather [hbm4b:s11+s22], $0x10, $0x38;
	[tilespmem:$0x1ED00] =	vst v63  }
0x57: {  	_ =	swait.ge [sflag:s15], $0x10  }
0x58: {  	[sflag:s15] =	ssyncset.done $0x0  }
0x59: {  	[sflag:s15] =	ssyncadd.s32 $0xFFFFFFF0  }
0x5a: {  	v1 =	vld [tilespmem:$0xE480];
	_ =	sdelay $0x4  }
0x5b: {  	(v2sf) =	vpush v1, $0x0;
	_ =	sdelay $0xe  }
0x5c: {  	s20 =	spop (v2sf)  }
0x5d: {  	s24 =	simm.s32 $0x1;
	s23 =	sadd.s32 $0x1, s20;
	p0 =	slt.u32 s20, $0x7FFFFFFF  }
0x5e: {  	s24 =	simm.s32 @!p0 $0x0;
	s25 =	sshra.s32 s23, $0x1F  }
0x5f: {  	s30 =	sand.u32 $0x1, s23;
	s24 =	sadd.s32 s24, s25  }
0x60: {  	p1 =	seq.s32 s30, $0x1;
	p6 =	sne.s32 s24, $0x1  }
0x61: {  	s31 =	sshrl.u32 s23, $0x1F;
	p0 =	por !p6, !p1  }
0x62: {  	s23 =	sadd.s32 s31, s23;
	s24 =	simm.s32 $0x1;
	p0 =	por !p0, !p0  }
0x63: {  	s23 =	sshra.s32 s23, $0x1;
	s24 =	simm.s32 @!p0 $0x0  }
0x64: {  	s23 =	ssub.s32 s23, s24  }
0x65: {  	p0 =	slt.s32 s23, $0x1  }
.Ltmp3:
0x66: {  	_ = 	snop;
	(pc) =	sbr.rel @p0 .LBB2_7-.Ltmp3, $1  }
0x67: {  	_ =	sdelay $0x3  }
0x68: {  	p0 =	sle.s32 s20, $0x0  }
0x69: {  	v1 =	vld @!p0 [tilespmem:s21+$0xFFFFFF80];
	_ =	sdelay $0x4  }
0x6a: {  	v2 =	vshrl.u32 @!p0 v1, $0xE  }
0x6b: {  	v1 =	vand.u32 @!p0 $0x3FFF, v1;
	[tilespmem:$0x6280] =	vst @!p0 v2  }
0x6c: {  	[tilespmem:$0x6300] =	vst @!p0 v1  }
0x6d: {  	v1 =	vld @!p0 [tilespmem:s21+$0xFFFFFF90];
	_ =	sdelay $0x4  }
0x6e: {  	v2 =	vshrl.u32 @!p0 v1, $0xE  }
0x6f: {  	v1 =	vand.u32 @!p0 $0x3FFF, v1;
	[tilespmem:$0x6290] =	vst @!p0 v2  }
0x70: {  	[tilespmem:$0x6310] =	vst @!p0 v1  }
0x71: {  	v1 =	vld @!p0 [tilespmem:s21+$0xFFFFFFA0];
	_ =	sdelay $0x4  }
0x72: {  	v2 =	vshrl.u32 @!p0 v1, $0xE  }
0x73: {  	v1 =	vand.u32 @!p0 $0x3FFF, v1;
	[tilespmem:$0x62A0] =	vst @!p0 v2  }
0x74: {  	[tilespmem:$0x6320] =	vst @!p0 v1  }
0x75: {  	v1 =	vld @!p0 [tilespmem:s21+$0xFFFFFFB0];
	_ =	sdelay $0x4  }
0x76: {  	v2 =	vshrl.u32 @!p0 v1, $0xE  }
0x77: {  	v1 =	vand.u32 @!p0 $0x3FFF, v1;
	[tilespmem:$0x62B0] =	vst @!p0 v2  }
0x78: {  	[tilespmem:$0x6330] =	vst @!p0 v1  }
0x79: {  	v1 =	vld @!p0 [tilespmem:s21+$0xFFFFFFC0];
	_ =	sdelay $0x4  }
0x7a: {  	v2 =	vshrl.u32 @!p0 v1, $0xE  }
0x7b: {  	v1 =	vand.u32 @!p0 $0x3FFF, v1;
	[tilespmem:$0x62C0] =	vst @!p0 v2  }
0x7c: {  	[tilespmem:$0x6340] =	vst @!p0 v1  }
0x7d: {  	v1 =	vld @!p0 [tilespmem:s21+$0xFFFFFFD0];
	_ =	sdelay $0x4  }
0x7e: {  	v2 =	vshrl.u32 @!p0 v1, $0xE  }
0x7f: {  	v1 =	vand.u32 @!p0 $0x3FFF, v1;
	[tilespmem:$0x62D0] =	vst @!p0 v2  }
0x80: {  	[tilespmem:$0x6350] =	vst @!p0 v1  }
0x81: {  	v1 =	vld @!p0 [tilespmem:s21+$0xFFFFFFE0];
	_ =	sdelay $0x4  }
0x82: {  	v2 =	vshrl.u32 @!p0 v1, $0xE  }
0x83: {  	v1 =	vand.u32 @!p0 $0x3FFF, v1;
	[tilespmem:$0x62E0] =	vst @!p0 v2  }
0x84: {  	[tilespmem:$0x6360] =	vst @!p0 v1  }
0x85: {  	v1 =	vld @!p0 [tilespmem:s21+$0xFFFFFFF0];
	_ =	sdelay $0x4  }
0x86: {  	p1 =	por @!p0 $0x1, $0x1;
	v2 =	vshrl.u32 @!p0 v1, $0xE  }
0x87: {  	p1 =	por p1, p0;
	v1 =	vand.u32 @!p0 $0x3FFF, v1;
	[tilespmem:$0x62F0] =	vst @!p0 v2  }
0x88: {  	s24 =	simm.s32 @!p1 $0x2;
	[tilespmem:$0x6370] =	vst @!p0 v1  }
0x89: {  	_ =	swait.ge @!p1 [sflag:s24], $0x4000  }
0x8a: {  	s25 =	simm.s32 @!p0 $0x80;
	s26 =	simm.s32 @!p0 $0x6280;
	[sflag:s24] =	ssyncset.done @!p1 $0x0  }
0x8b: {  	s28 =	simm.s32 @!p0 $0x6480;
	s29 =	simm.s32 @!p0 $0x1;
	[sflag:s24] =	ssyncadd.s32 @!p1 $0xFFFFC000  }
0x8c: {  	[tilespmem:s28], [sflag:$0x1] =	stream.indirect.gather @!p0 [hbm4b:s4+s25], $0x80, s26, s25, $0xb8;
	[tilespmem:$0x1ED00] =	vst v63  }
0x8d: {  	_ =	swait.ge @!p0 [sflag:s29], $0x4000  }
0x8e: {  	[sflag:s29] =	ssyncset.done @!p0 $0x0  }
0x8f: {  	s24 =	simm.s32 @!p0 $0x6300;
	p1 =	sle.s32 s20, $0x1;
	[sflag:s29] =	ssyncadd.s32 @!p0 $0xFFFFC000  }
0x90: {  	[spmem:s2] =	stream.indirect.scatter.add.f32 @!p0 [tilespmem:s28], [sflag:$0x2], $0x80, s24, s25, $0xb8;
	[tilespmem:$0x1ED00] =	vst v63  }
0x91: {  	v1 =	vld @!p1 [tilespmem:s21+$0x0];
	_ =	sdelay $0x4  }
0x92: {  	v2 =	vshrl.u32 @!p1 v1, $0xE  }
0x93: {  	v1 =	vand.u32 @!p1 $0x3FFF, v1;
	[tilespmem:$0x6380] =	vst @!p1 v2  }
0x94: {  	[tilespmem:$0x6400] =	vst @!p1 v1  }
0x95: {  	v1 =	vld @!p1 [tilespmem:s21+$0x10];
	_ =	sdelay $0x4  }
0x96: {  	v2 =	vshrl.u32 @!p1 v1, $0xE  }
0x97: {  	v1 =	vand.u32 @!p1 $0x3FFF, v1;
	[tilespmem:$0x6390] =	vst @!p1 v2  }
0x98: {  	[tilespmem:$0x6410] =	vst @!p1 v1  }
0x99: {  	v1 =	vld @!p1 [tilespmem:s21+$0x20];
	_ =	sdelay $0x4  }
0x9a: {  	v2 =	vshrl.u32 @!p1 v1, $0xE  }
0x9b: {  	v1 =	vand.u32 @!p1 $0x3FFF, v1;
	[tilespmem:$0x63A0] =	vst @!p1 v2  }
0x9c: {  	[tilespmem:$0x6420] =	vst @!p1 v1  }
0x9d: {  	v1 =	vld @!p1 [tilespmem:s21+$0x30];
	_ =	sdelay $0x4  }
0x9e: {  	v2 =	vshrl.u32 @!p1 v1, $0xE  }
0x9f: {  	v1 =	vand.u32 @!p1 $0x3FFF, v1;
	[tilespmem:$0x63B0] =	vst @!p1 v2  }
0xa0: {  	[tilespmem:$0x6430] =	vst @!p1 v1  }
0xa1: {  	v1 =	vld @!p1 [tilespmem:s21+$0x40];
	_ =	sdelay $0x4  }
0xa2: {  	v2 =	vshrl.u32 @!p1 v1, $0xE  }
0xa3: {  	v1 =	vand.u32 @!p1 $0x3FFF, v1;
	[tilespmem:$0x63C0] =	vst @!p1 v2  }
0xa4: {  	[tilespmem:$0x6440] =	vst @!p1 v1  }
0xa5: {  	v1 =	vld @!p1 [tilespmem:s21+$0x50];
	_ =	sdelay $0x4  }
0xa6: {  	v2 =	vshrl.u32 @!p1 v1, $0xE  }
0xa7: {  	s23 =	sadd.s32 $0xFFFFFFFF, s23;
	v1 =	vand.u32 @!p1 $0x3FFF, v1;
	[tilespmem:$0x63D0] =	vst @!p1 v2  }
0xa8: {  	p0 =	sne.s32 s23, $0x0;
	[tilespmem:$0x6450] =	vst @!p1 v1  }
.Ltmp4:
0xa9: {  	v1 =	vld @!p1 [tilespmem:s21+$0x60];
	(pc) =	sbr.rel @!p0 .LBB2_6-.Ltmp4, $2  }
0xaa: {  	_ =	sdelay $0x2  }
0xab: {  	p3 =	por @!p1 $0x1, $0x1;
	s24 =	simm.s32 $0x80  }
.LBB2_5:
0xac: {  	s23 =	sadd.s32 $0xFFFFFFFF, s23;
	s22 =	sadd.s32 $0x2, s22;
	s24 =	sadd.s32 $0x100, s24  }
0xad: {  	p0 =	sne.s32 s23, $0x0;
	_ =	sdelay $0x1  }
0xae: {  	v2 =	vshrl.u32 @!p1 v1, $0xE;
	v1 =	vand.u32 @!p1 $0x3FFF, v1  }
0xaf: {  	[tilespmem:$0x63E0] =	vst @!p1 v2  }
0xb0: {  	[tilespmem:$0x6460] =	vst @!p1 v1  }
0xb1: {  	v1 =	vld @!p1 [tilespmem:s21+$0x70];
	s21 =	smov.u32 s24;
	_ =	sdelay $0x1  }
0xb2: {  	p3 =	por p3, p1  }
0xb3: {  	s25 =	simm.s32 @!p3 $0x3;
	_ =	sdelay $0x1  }
0xb4: {  	v2 =	vshrl.u32 @!p1 v1, $0xE;
	v1 =	vand.u32 @!p1 $0x3FFF, v1  }
0xb5: {  	s26 =	simm.s32 @!p1 $0x80;
	s28 =	simm.s32 @!p1 $0x6380;
	s29 =	simm.s32 @!p1 $0xA480;
	[tilespmem:$0x63F0] =	vst @!p1 v2  }
0xb6: {  	s30 =	simm.s32 @!p1 $0x1;
	[tilespmem:$0x6470] =	vst @!p1 v1  }
0xb7: {  	_ =	swait.ge @!p3 [sflag:s25], $0x4000  }
0xb8: {  	p2 =	sge.s32 s22, s20;
	[sflag:s25] =	ssyncset.done @!p3 $0x0  }
0xb9: {  	[sflag:s25] =	ssyncadd.s32 @!p3 $0xFFFFC000;
	s25 =	simm.s32 @!p1 $0x6400  }
0xba: {  	[tilespmem:s29], [sflag:$0x1] =	stream.indirect.gather @!p1 [hbm4b:s4+s26], $0x80, s28, s26, $0xb8;
	[tilespmem:$0x1ED00] =	vst v63  }
0xbb: {  	_ =	swait.ge @!p1 [sflag:s30], $0x4000  }
0xbc: {  	[sflag:s30] =	ssyncset.done @!p1 $0x0  }
0xbd: {  	[sflag:s30] =	ssyncadd.s32 @!p1 $0xFFFFC000  }
0xbe: {  	[spmem:s2] =	stream.indirect.scatter.add.f32 @!p1 [tilespmem:s29], [sflag:$0x3], $0x80, s25, s26, $0xb8;
	[tilespmem:$0x1ED00] =	vst v63  }
0xbf: {  	v1 =	vld @!p2 [tilespmem:s24+$0xFFFFFF80];
	_ =	sdelay $0x4  }
0xc0: {  	v2 =	vshrl.u32 @!p2 v1, $0xE;
	v1 =	vand.u32 @!p2 $0x3FFF, v1  }
0xc1: {  	[tilespmem:$0x6280] =	vst @!p2 v2  }
0xc2: {  	[tilespmem:$0x6300] =	vst @!p2 v1  }
0xc3: {  	v1 =	vld @!p2 [tilespmem:s24+$0xFFFFFF90];
	_ =	sdelay $0x4  }
0xc4: {  	v2 =	vshrl.u32 @!p2 v1, $0xE;
	v1 =	vand.u32 @!p2 $0x3FFF, v1  }
0xc5: {  	[tilespmem:$0x6290] =	vst @!p2 v2  }
0xc6: {  	[tilespmem:$0x6310] =	vst @!p2 v1  }
0xc7: {  	v1 =	vld @!p2 [tilespmem:s24+$0xFFFFFFA0];
	_ =	sdelay $0x4  }
0xc8: {  	v2 =	vshrl.u32 @!p2 v1, $0xE;
	v1 =	vand.u32 @!p2 $0x3FFF, v1  }
0xc9: {  	[tilespmem:$0x62A0] =	vst @!p2 v2  }
0xca: {  	[tilespmem:$0x6320] =	vst @!p2 v1  }
0xcb: {  	v1 =	vld @!p2 [tilespmem:s24+$0xFFFFFFB0];
	_ =	sdelay $0x4  }
0xcc: {  	v2 =	vshrl.u32 @!p2 v1, $0xE;
	v1 =	vand.u32 @!p2 $0x3FFF, v1  }
0xcd: {  	[tilespmem:$0x62B0] =	vst @!p2 v2  }
0xce: {  	[tilespmem:$0x6330] =	vst @!p2 v1  }
0xcf: {  	v1 =	vld @!p2 [tilespmem:s24+$0xFFFFFFC0];
	_ =	sdelay $0x4  }
0xd0: {  	v2 =	vshrl.u32 @!p2 v1, $0xE;
	v1 =	vand.u32 @!p2 $0x3FFF, v1  }
0xd1: {  	[tilespmem:$0x62C0] =	vst @!p2 v2  }
0xd2: {  	[tilespmem:$0x6340] =	vst @!p2 v1  }
0xd3: {  	v1 =	vld @!p2 [tilespmem:s24+$0xFFFFFFD0];
	_ =	sdelay $0x4  }
0xd4: {  	v2 =	vshrl.u32 @!p2 v1, $0xE;
	v1 =	vand.u32 @!p2 $0x3FFF, v1  }
0xd5: {  	[tilespmem:$0x62D0] =	vst @!p2 v2  }
0xd6: {  	[tilespmem:$0x6350] =	vst @!p2 v1  }
0xd7: {  	p1 =	seq.s32 @!p2 s22, $0x0;
	v1 =	vld @!p2 [tilespmem:s24+$0xFFFFFFE0]  }
0xd8: {  	p1 =	por p1, p2  }
0xd9: {  	s25 =	simm.s32 @!p1 $0x2;
	_ =	sdelay $0x2  }
0xda: {  	s28 =	simm.s32 @!p2 $0x6280;
	s26 =	simm.s32 @!p2 $0x80;
	s29 =	simm.s32 @!p2 $0x6480;
	v2 =	vshrl.u32 @!p2 v1, $0xE;
	v1 =	vand.u32 @!p2 $0x3FFF, v1  }
0xdb: {  	s30 =	simm.s32 @!p2 $0x1;
	[tilespmem:$0x62E0] =	vst @!p2 v2  }
0xdc: {  	[tilespmem:$0x6360] =	vst @!p2 v1  }
0xdd: {  	v1 =	vld @!p2 [tilespmem:s24+$0xFFFFFFF0]  }
0xde: {  	s31 =	simm.s32 @!p2 $0x6300;
	_ =	sdelay $0x3  }
0xdf: {  	v2 =	vshrl.u32 @!p2 v1, $0xE;
	v1 =	vand.u32 @!p2 $0x3FFF, v1  }
0xe0: {  	[tilespmem:$0x62F0] =	vst @!p2 v2  }
0xe1: {  	[tilespmem:$0x6370] =	vst @!p2 v1  }
0xe2: {  	_ =	swait.ge @!p1 [sflag:s25], $0x4000  }
0xe3: {  	s1 =	sadd.s32 $0x1, s22;
	[sflag:s25] =	ssyncset.done @!p1 $0x0  }
0xe4: {  	[sflag:s25] =	ssyncadd.s32 @!p1 $0xFFFFC000;
	p1 =	sge.s32 s1, s20  }
0xe5: {  	[tilespmem:s29], [sflag:$0x1] =	stream.indirect.gather @!p2 [hbm4b:s4+s26], $0x80, s28, s26, $0xb8;
	[tilespmem:$0x1ED00] =	vst v63  }
0xe6: {  	p3 =	seq.s32 @!p1 s22, $0x0;
	_ =	swait.ge @!p2 [sflag:s30], $0x4000  }
0xe7: {  	[sflag:s30] =	ssyncset.done @!p2 $0x0  }
0xe8: {  	[sflag:s30] =	ssyncadd.s32 @!p2 $0xFFFFC000  }
0xe9: {  	[spmem:s2] =	stream.indirect.scatter.add.f32 @!p2 [tilespmem:s29], [sflag:$0x2], $0x80, s31, s26, $0xb8;
	[tilespmem:$0x1ED00] =	vst v63  }
0xea: {  	v1 =	vld @!p1 [tilespmem:s24+$0x0];
	_ =	sdelay $0x4  }
0xeb: {  	v2 =	vshrl.u32 @!p1 v1, $0xE;
	v1 =	vand.u32 @!p1 $0x3FFF, v1  }
0xec: {  	[tilespmem:$0x6380] =	vst @!p1 v2  }
0xed: {  	[tilespmem:$0x6400] =	vst @!p1 v1  }
0xee: {  	v1 =	vld @!p1 [tilespmem:s24+$0x10];
	_ =	sdelay $0x4  }
0xef: {  	v2 =	vshrl.u32 @!p1 v1, $0xE;
	v1 =	vand.u32 @!p1 $0x3FFF, v1  }
0xf0: {  	[tilespmem:$0x6390] =	vst @!p1 v2  }
0xf1: {  	[tilespmem:$0x6410] =	vst @!p1 v1  }
0xf2: {  	v1 =	vld @!p1 [tilespmem:s24+$0x20];
	_ =	sdelay $0x4  }
0xf3: {  	v2 =	vshrl.u32 @!p1 v1, $0xE;
	v1 =	vand.u32 @!p1 $0x3FFF, v1  }
0xf4: {  	[tilespmem:$0x63A0] =	vst @!p1 v2  }
0xf5: {  	[tilespmem:$0x6420] =	vst @!p1 v1  }
0xf6: {  	v1 =	vld @!p1 [tilespmem:s24+$0x30];
	_ =	sdelay $0x4  }
0xf7: {  	v2 =	vshrl.u32 @!p1 v1, $0xE;
	v1 =	vand.u32 @!p1 $0x3FFF, v1  }
0xf8: {  	[tilespmem:$0x63B0] =	vst @!p1 v2  }
0xf9: {  	[tilespmem:$0x6430] =	vst @!p1 v1  }
0xfa: {  	v1 =	vld @!p1 [tilespmem:s24+$0x40];
	_ =	sdelay $0x4  }
0xfb: {  	v2 =	vshrl.u32 @!p1 v1, $0xE;
	v1 =	vand.u32 @!p1 $0x3FFF, v1  }
0xfc: {  	[tilespmem:$0x63C0] =	vst @!p1 v2  }
0xfd: {  	[tilespmem:$0x6440] =	vst @!p1 v1  }
0xfe: {  	v1 =	vld @!p1 [tilespmem:s24+$0x50];
	_ =	sdelay $0x3  }
.Ltmp5:
0xff: {  	(pc) =	sbr.rel @p0 .LBB2_5-.Ltmp5, $4  }
0x100: {  	v2 =	vshrl.u32 @!p1 v1, $0xE;
	v1 =	vand.u32 @!p1 $0x3FFF, v1  }
0x101: {  	[tilespmem:$0x63D0] =	vst @!p1 v2  }
0x102: {  	[tilespmem:$0x6450] =	vst @!p1 v1  }
0x103: {  	v1 =	vld @!p1 [tilespmem:s24+$0x60]  }
.Ltmp6:
0x104: {  	_ = 	snop;
	(pc) =	sbr.rel .LBB2_6-.Ltmp6, $1  }
0x105: {  	_ =	sdelay $0x3  }
.LBB2_8:
0x106: {  	_ =	sfence.sel $0x180000  }
0x107: {  	[bflag:$0x0] =	sbarrier.arrive $0xFFFF  }
0x108: {  	_ =	strace $0x9000004A  }
0x109: {  	[bflag:$0x2] =	sbarrier.arrive $0xFFFF  }
0x10a: {  	p0 =	sne.s32 s0, $0x0;
	s0 =	rddreg [dreg:$0x3]  }
0x10b: {  	s0 =	sadd.s32 @!p0 $0x100000, s0  }
0x10c: {  	[sflag:s0] =	ssyncadd.tile.s32 @!p0 $0x1;
	_ =	shalt  }
.Lfunc_end2:
_tile_overlayer_lowered:
.L_overlay_start_2:
0x10d: {  	(tag) =	ssettag $0x2  }
0x10e: {  	s0 =	rddreg [dreg:$0x0];
	s2 =	stileid.u32  }
0x10f: {  	s1 =	rddreg [dreg:$0x1];
	p0 =	sne.s32 s2, $0x0  }
0x110: {  	s3 =	rddreg [dreg:$0x2];
	[bflag:$0x3] =	sbarrier.arrive $0xFFFF;
	s2 =	simm.s32 @!p0 $0x1C04  }
0x111: {  	[timem:s3], [sflag:s2] =	dma.local @!p0 [hbm:s0], s1  }
0x112: {  	s0 =	simm.s32 @!p0 $0x4  }
0x113: {  	_ =	swait.ge @!p0 [sflag:s0], s1  }
0x114: {  	s1 =	ssub.s32 @!p0 $0x0, s1;
	[sflag:s0] =	ssyncset.done @!p0 $0x0  }
0x115: {  	[sflag:s0] =	ssyncadd.s32 @!p0 s1  }
0x116: {  	[bflag:$0x3] =	sbarrier.arrive $0xFFFF  }
0x117: {  	_ =	shalt  }

</sc_bundles>
